<compile_context>
chip_gen: v7x
topology: tpu7x:2x2x1
jax: 0.10.2.dev20260603
libtpu: 0.0.44.dev20260713+nightly
codegen_flags: <defaults>
</compile_context>

<pallas_src>
import functools

import jax
import jax.numpy as jnp
from jax import lax
from jax.experimental import pallas as pl
from jax.experimental.pallas import tpu as pltpu
from jax.experimental.pallas import tpu_sc as plsc

N_NODES = 10000
N_EDGES = 320000
F = 128
NUM_GRAPHS = 64

NS = 16
EPT = N_EDGES // NS
K = 40
NCHUNK = EPT // K
NBUF = 4
IBUF = 8
D = NBUF - 1
N_ACC = 10240
RPT = N_ACC // NS
LAST_WR = N_NODES - (NS - 1) * RPT
ZROWS = 16

_MESH = plsc.VectorSubcoreMesh(core_axis_name="c", subcore_axis_name="s",
                               num_cores=1)


@functools.partial(
    pl.kernel,
    out_type=jax.ShapeDtypeStruct((N_NODES, F), jnp.float32),
    mesh=_MESH,
    scratch_types=[
        pltpu.VMEM((IBUF, K), jnp.int32),
        pltpu.VMEM((IBUF, K), jnp.int32),
        pltpu.VMEM((NBUF, K, F), jnp.float32),
        pltpu.VMEM((ZROWS, F), jnp.float32),
        pltpu.VMEM_SHARED((N_ACC, F), jnp.float32),
        [pltpu.SemaphoreType.DMA] * IBUF,
        [pltpu.SemaphoreType.DMA] * IBUF,
        [pltpu.SemaphoreType.DMA] * NBUF,
        pltpu.SemaphoreType.DMA,
    ],
)
def _spmm_sc(x_hbm, row_hbm, col_hbm, out_hbm, row_b, col_b, rows_v, zbuf,
             acc, sems_r, sems_c, sems_g, zsem):
    s = lax.axis_index("s")
    base = s * RPT

    def _zrow(i, carry):
        def _zcol(j, carry2):
            zbuf[i, pl.ds(j * 16, 16)] = jnp.zeros((16,), jnp.float32)
            return carry2
        return lax.fori_loop(0, F // 16, _zcol, carry, unroll=True)
    lax.fori_loop(0, ZROWS, _zrow, 0)

    def _idx_load(g, slot):
        pltpu.async_copy(row_hbm.at[s, g], row_b.at[slot], sems_r[slot])
        pltpu.async_copy(col_hbm.at[s, g], col_b.at[slot], sems_c[slot])

    def _gather(islot, rslot):
        return pltpu.async_copy(x_hbm.at[col_b.at[islot]],
                                rows_v.at[rslot], sems_g[rslot])

    NZ = RPT // ZROWS
    for t in range(NZ):
        pltpu.async_copy(zbuf, acc.at[pl.ds(base + t * ZROWS, ZROWS)], zsem)

    for slot in range(IBUF - NBUF + 1):
        _idx_load(slot, slot)

    for t in range(NZ):
        pltpu.make_async_copy(zbuf, acc.at[pl.ds(base + t * ZROWS, ZROWS)],
                              zsem).wait()

    plsc.subcore_barrier()


    TOT = NCHUNK + D
    NBLK = (TOT + IBUF - 1) // IBUF

    def _blk(p, carry):
        for u in range(IBUF):
            g = p * IBUF + u
            iu = u % IBUF
            ru = u % NBUF
            iud = (u - D) % IBUF
            rud = (u - D) % NBUF

            @pl.when(g < NCHUNK)
            def _():
                pltpu.make_async_copy(col_hbm.at[s, g], col_b.at[iu],
                                      sems_c[iu]).wait()
                _gather(iu, ru)

            gd = g - D

            @pl.when((gd >= 0) & (gd < NCHUNK))
            def _():
                pltpu.make_async_copy(
                    x_hbm.at[col_b.at[iud]], rows_v.at[rud],
                    sems_g[rud]).wait()
                pltpu.make_async_copy(row_hbm.at[s, gd], row_b.at[iud],
                                      sems_r[iud]).wait()
                pltpu.sync_copy(rows_v.at[rud], acc.at[row_b.at[iud]],
                                add=True)

            gn = g + IBUF - D
            @pl.when(gn < NCHUNK)
            def _():
                _idx_load(gn, iud)
        return carry

    lax.fori_loop(0, NBLK, _blk, 0)

    plsc.subcore_barrier()

    @pl.when(s < NS - 1)
    def _():
        pltpu.sync_copy(acc.at[pl.ds(base, RPT)],
                        out_hbm.at[pl.ds(base, RPT)])

    @pl.when(s == NS - 1)
    def _():
        pltpu.sync_copy(acc.at[pl.ds(base, LAST_WR)],
                        out_hbm.at[pl.ds(base, LAST_WR)])


_BLK = 1000
_GRID = N_NODES // _BLK


def _mm_body(x_ref, b_ref, flag_ref, w_ref, o_ref):
    x = x_ref[...] + b_ref[...]
    x = jnp.where(flag_ref[0, 0] > 0, jnp.maximum(x, 0.0), x)
    o_ref[...] = jnp.dot(x, w_ref[...], preferred_element_type=jnp.float32)


_mm = pl.pallas_call(
    _mm_body,
    grid=(_GRID,),
    in_specs=[
        pl.BlockSpec((_BLK, F), lambda i: (i, 0)),
        pl.BlockSpec((1, F), lambda i: (0, 0)),
        pl.BlockSpec((1, 1), lambda i: (0, 0)),
        pl.BlockSpec((F, F), lambda i: (0, 0)),
    ],
    out_specs=pl.BlockSpec((_BLK, F), lambda i: (i, 0)),
    out_shape=jax.ShapeDtypeStruct((N_NODES, F), jnp.float32),
)


def _final_body(p_ref, b_ref, batch_ref, dw1, db1, dw2, db2, dw3, db3,
                o_ref, sums, counts):
    i = pl.program_id(0)

    @pl.when(i == 0)
    def _():
        sums[...] = jnp.zeros_like(sums)
        counts[...] = jnp.zeros_like(counts)

    x = p_ref[...] + b_ref[...]
    bb = batch_ref[0]
    ids = lax.broadcasted_iota(jnp.int32, (NUM_GRAPHS, _BLK), 0)
    oh = (ids == bb).astype(jnp.float32)
    sums[...] += jnp.dot(oh, x, preferred_element_type=jnp.float32)
    counts[...] += jnp.dot(oh, jnp.ones((_BLK, F), jnp.float32),
                           preferred_element_type=jnp.float32)

    @pl.when(i == pl.num_programs(0) - 1)
    def _():
        mean = sums[...] / jnp.maximum(counts[...], 1.0)
        z = jnp.maximum(
            jnp.dot(mean, dw1[...], preferred_element_type=jnp.float32)
            + db1[...], 0.0)
        z = jnp.maximum(
            jnp.dot(z, dw2[...], preferred_element_type=jnp.float32)
            + db2[...], 0.0)
        z = jnp.dot(z, dw3[...], preferred_element_type=jnp.float32) + db3[...]
        o_ref[...] = jax.nn.sigmoid(z)


_final = pl.pallas_call(
    _final_body,
    grid=(_GRID,),
    in_specs=[
        pl.BlockSpec((_BLK, F), lambda i: (i, 0)),
        pl.BlockSpec((1, F), lambda i: (0, 0)),
        pl.BlockSpec((1, 1, _BLK), lambda i: (i, 0, 0)),
        pl.BlockSpec((F, 16), lambda i: (0, 0)),
        pl.BlockSpec((1, 16), lambda i: (0, 0)),
        pl.BlockSpec((16, 8), lambda i: (0, 0)),
        pl.BlockSpec((1, 8), lambda i: (0, 0)),
        pl.BlockSpec((8, 1), lambda i: (0, 0)),
        pl.BlockSpec((1, 1), lambda i: (0, 0)),
    ],
    out_specs=pl.BlockSpec((NUM_GRAPHS, 1), lambda i: (0, 0)),
    out_shape=jax.ShapeDtypeStruct((NUM_GRAPHS, 1), jnp.float32),
    scratch_shapes=[
        pltpu.VMEM((NUM_GRAPHS, F), jnp.float32),
        pltpu.VMEM((NUM_GRAPHS, F), jnp.float32),
    ],
)


def kernel(feature_matrix, edge_index, batch, W1, b1, W2, b2, W3, b3,
           Dw1, Db1, Dw2, Db2, Dw3, Db3):
    ei = edge_index.astype(jnp.int32)
    row = ei[0].reshape(NS, NCHUNK, K)
    col = ei[1].reshape(NS, NCHUNK, K)
    batch_r = batch.astype(jnp.int32).reshape(_GRID, 1, _BLK)

    w_stack = jnp.stack([W1, W2, W3])
    b_stack = jnp.stack([jnp.zeros_like(b1), b1, b2]).reshape(3, 1, F)
    flag_stack = jnp.array([0.0, 1.0, 1.0], jnp.float32).reshape(3, 1, 1)

    def _layer(y, xs):
        w, b, flag = xs
        h = _mm(y, b, flag, w)
        return _spmm_sc(h, row, col), None

    y, _ = lax.scan(_layer, feature_matrix, (w_stack, b_stack, flag_stack))
    return _final(y, b3.reshape(1, F), batch_r, Dw1, Db1.reshape(1, 16),
                  Dw2, Db2.reshape(1, 8), Dw3, Db3.reshape(1, 1))

# --- scband reference (transcript-rebuilt; emitter-appended) ---
"""Pipeline reference for scband-gcn-mutag-2250562863403 (READ-ONLY COPY).

The authoritative reference and input builder live on the scoring server;
editing this copy changes nothing except your own understanding.
"""

import jax, jax.numpy as jnp
import numpy as np

N_NODES = 10000
N_EDGES = 320000
IN_FEATURES = 128
H_FEATURES = 128
NUM_GRAPHS = 64


def setup_inputs(seed: int = 0) -> dict:
    key = jax.random.key(seed)
    ks = jax.random.split(key, 16)
    feature_matrix = jax.random.normal(ks[0], (N_NODES, IN_FEATURES), dtype=jnp.float32)
    edge_index = jax.random.randint(ks[1], (2, N_EDGES), 0, N_NODES, dtype=jnp.int64)
    batch = jnp.sort(jax.random.randint(ks[2], (N_NODES,), 0, NUM_GRAPHS, dtype=jnp.int64))

    def uni(k, shape, fan_out):
        stdv = 1.0 / np.sqrt(fan_out)
        return jax.random.uniform(k, shape, dtype=jnp.float32, minval=-stdv, maxval=stdv)

    W1 = uni(ks[3], (IN_FEATURES, H_FEATURES), H_FEATURES)
    b1 = uni(ks[4], (H_FEATURES,), H_FEATURES)
    W2 = uni(ks[5], (H_FEATURES, H_FEATURES), H_FEATURES)
    b2 = uni(ks[6], (H_FEATURES,), H_FEATURES)
    W3 = uni(ks[7], (H_FEATURES, H_FEATURES), H_FEATURES)
    b3 = uni(ks[8], (H_FEATURES,), H_FEATURES)
    Dw1 = uni(ks[9], (H_FEATURES, 16), H_FEATURES)
    Db1 = uni(ks[10], (16,), H_FEATURES)
    Dw2 = uni(ks[11], (16, 8), 16)
    Db2 = uni(ks[12], (8,), 16)
    Dw3 = uni(ks[13], (8, 1), 8)
    Db3 = uni(ks[14], (1,), 8)
    return {
        "feature_matrix": feature_matrix,
        "edge_index": edge_index,
        "batch": batch,
        "W1": W1, "b1": b1,
        "W2": W2, "b2": b2,
        "W3": W3, "b3": b3,
        "Dw1": Dw1, "Db1": Db1,
        "Dw2": Dw2, "Db2": Db2,
        "Dw3": Dw3, "Db3": Db3,
    }


def reference(feature_matrix, edge_index, batch, W1, b1, W2, b2, W3, b3, Dw1, Db1, Dw2, Db2, Dw3, Db3):
    row = edge_index[0]
    col = edge_index[1]

    def spmm(x):
        # adj @ x with adj values = 1.0: out[row] += x[col]
        return jax.ops.segment_sum(jnp.take(x, col, axis=0), row, num_segments=N_NODES)

    x = spmm(feature_matrix @ W1) + b1
    x = jax.nn.relu(x)
    x = spmm(x @ W2) + b2
    x = jax.nn.relu(x)
    x = spmm(x @ W3) + b3
    # global mean pool over graphs
    sums = jax.ops.segment_sum(x, batch, num_segments=NUM_GRAPHS)
    counts = jax.ops.segment_sum(jnp.ones((N_NODES, 1), dtype=x.dtype), batch, num_segments=NUM_GRAPHS)
    x = sums / jnp.maximum(counts, 1.0)
    x = jax.nn.relu(x @ Dw1 + Db1)
    x = jax.nn.relu(x @ Dw2 + Db2)
    x = jax.nn.sigmoid(x @ Dw3 + Db3)
    return x

if __name__ == "__main__":
    import jax
    _d = setup_inputs()
    print(jax.jit(kernel)(*tuple(_d.values())))

</pallas_src>

<mosaic_0001>
#map = affine_map<(d0, d1) -> (0, 0)>
#map1 = affine_map<(d0, d1) -> (0, 0, 0)>
module attributes {stable_mosaic.version = 14 : i64} {
  func.func @_spmm_sc(%arg0: i32, %arg1: i32, %arg2: memref<10000x128xf32, #tpu.memory_space<hbm>>, %arg3: memref<16x500x40xi32, #tpu.memory_space<hbm>>, %arg4: memref<16x500x40xi32, #tpu.memory_space<hbm>>, %arg5: memref<10000x128xf32, #tpu.memory_space<hbm>>, %arg6: memref<8x40xi32, #tpu.memory_space<vmem>>, %arg7: memref<8x40xi32, #tpu.memory_space<vmem>>, %arg8: memref<4x40x128xf32, #tpu.memory_space<vmem>>, %arg9: memref<16x128xf32, #tpu.memory_space<vmem>>, %arg10: memref<10240x128xf32, #tpu.memory_space<vmem_shared>>, %arg11: memref<!tpu.dma_semaphore, #tpu.memory_space<semaphore_mem>>, %arg12: memref<!tpu.dma_semaphore, #tpu.memory_space<semaphore_mem>>, %arg13: memref<!tpu.dma_semaphore, #tpu.memory_space<semaphore_mem>>, %arg14: memref<!tpu.dma_semaphore, #tpu.memory_space<semaphore_mem>>, %arg15: memref<!tpu.dma_semaphore, #tpu.memory_space<semaphore_mem>>, %arg16: memref<!tpu.dma_semaphore, #tpu.memory_space<semaphore_mem>>, %arg17: memref<!tpu.dma_semaphore, #tpu.memory_space<semaphore_mem>>, %arg18: memref<!tpu.dma_semaphore, #tpu.memory_space<semaphore_mem>>, %arg19: memref<!tpu.dma_semaphore, #tpu.memory_space<semaphore_mem>>, %arg20: memref<!tpu.dma_semaphore, #tpu.memory_space<semaphore_mem>>, %arg21: memref<!tpu.dma_semaphore, #tpu.memory_space<semaphore_mem>>, %arg22: memref<!tpu.dma_semaphore, #tpu.memory_space<semaphore_mem>>, %arg23: memref<!tpu.dma_semaphore, #tpu.memory_space<semaphore_mem>>, %arg24: memref<!tpu.dma_semaphore, #tpu.memory_space<semaphore_mem>>, %arg25: memref<!tpu.dma_semaphore, #tpu.memory_space<semaphore_mem>>, %arg26: memref<!tpu.dma_semaphore, #tpu.memory_space<semaphore_mem>>, %arg27: memref<!tpu.dma_semaphore, #tpu.memory_space<semaphore_mem>>, %arg28: memref<!tpu.dma_semaphore, #tpu.memory_space<semaphore_mem>>, %arg29: memref<!tpu.dma_semaphore, #tpu.memory_space<semaphore_mem>>, %arg30: memref<!tpu.dma_semaphore, #tpu.memory_space<semaphore_mem>>, %arg31: memref<!tpu.dma_semaphore, #tpu.memory_space<semaphore_mem>>) attributes {dimension_semantics = [#tpu.dimension_semantics<core_parallel>, #tpu.dimension_semantics<subcore_parallel>], iteration_bounds = array<i64: 1, 16>, scalar_prefetch = 0 : i64, scratch_operands = 26 : i64, tpu.core_type = #tpu.core_type<sc_vector_subcore>, window_params = [{transform_indices = #map}, {transform_indices = #map1}, {transform_indices = #map1}, {transform_indices = #map}]} {
    %mul3A = arith.constant 640 : i32
    %mul3A_0 = arith.muli %arg1, %mul3A : i32
    %scan3A = arith.constant 0 : i32
    %scan3A_1 = arith.constant 0 : i32
    %scan3A_2 = arith.constant 16 : i32
    %scan3A_3 = arith.addi %scan3A_1, %scan3A_2 : i32
    %scan3A_4 = arith.constant 1 : i32
    scf.for %scan3A_636 = %scan3A_1 to %scan3A_3 step %scan3A_4  : i32 {
      %scan3A_637 = arith.constant 0 : i32
      %broadcast_in_dim3A = arith.constant 0.000000e+00 : f32
      %broadcast_in_dim3A_638 = vector.broadcast %broadcast_in_dim3A : f32 to vector<16xf32>
      %mul3A_639 = arith.constant 16 : i32
      %mul3A_640 = arith.muli %scan3A_637, %mul3A_639 : i32
      %swap3A = arith.index_cast %scan3A_636 : i32 to index
      %swap3A_641 = arith.index_cast %mul3A_640 : i32 to index
      %swap3A_642 = tpu.vector_load %arg9[%swap3A, %swap3A_641] {strides = array<i32>} : memref<16x128xf32, #tpu.memory_space<vmem>>, vector<1x16xf32>,
      %swap3A_643 = vector.shape_cast %swap3A_642 : vector<1x16xf32> to vector<16xf32>
      %swap3A_644 = vector.shape_cast %broadcast_in_dim3A_638 : vector<16xf32> to vector<1x16xf32>
      tpu.vector_store %arg9[%swap3A, %swap3A_641], %swap3A_644 {strides = array<i32>} : memref<16x128xf32, #tpu.memory_space<vmem>>, vector<1x16xf32>,
      %scan3A_645 = arith.constant 1 : i32
      %broadcast_in_dim3A_646 = arith.constant 0.000000e+00 : f32
      %broadcast_in_dim3A_647 = vector.broadcast %broadcast_in_dim3A_646 : f32 to vector<16xf32>
      %mul3A_648 = arith.constant 16 : i32
      %mul3A_649 = arith.muli %scan3A_645, %mul3A_648 : i32
      %swap3A_650 = arith.index_cast %scan3A_636 : i32 to index
      %swap3A_651 = arith.index_cast %mul3A_649 : i32 to index
      %swap3A_652 = tpu.vector_load %arg9[%swap3A_650, %swap3A_651] {strides = array<i32>} : memref<16x128xf32, #tpu.memory_space<vmem>>, vector<1x16xf32>,
      %swap3A_653 = vector.shape_cast %swap3A_652 : vector<1x16xf32> to vector<16xf32>
      %swap3A_654 = vector.shape_cast %broadcast_in_dim3A_647 : vector<16xf32> to vector<1x16xf32>
      tpu.vector_store %arg9[%swap3A_650, %swap3A_651], %swap3A_654 {strides = array<i32>} : memref<16x128xf32, #tpu.memory_space<vmem>>, vector<1x16xf32>,
      %scan3A_655 = arith.constant 2 : i32
      %broadcast_in_dim3A_656 = arith.constant 0.000000e+00 : f32
      %broadcast_in_dim3A_657 = vector.broadcast %broadcast_in_dim3A_656 : f32 to vector<16xf32>
      %mul3A_658 = arith.constant 16 : i32
      %mul3A_659 = arith.muli %scan3A_655, %mul3A_658 : i32
      %swap3A_660 = arith.index_cast %scan3A_636 : i32 to index
      %swap3A_661 = arith.index_cast %mul3A_659 : i32 to index
      %swap3A_662 = tpu.vector_load %arg9[%swap3A_660, %swap3A_661] {strides = array<i32>} : memref<16x128xf32, #tpu.memory_space<vmem>>, vector<1x16xf32>,
      %swap3A_663 = vector.shape_cast %swap3A_662 : vector<1x16xf32> to vector<16xf32>
      %swap3A_664 = vector.shape_cast %broadcast_in_dim3A_657 : vector<16xf32> to vector<1x16xf32>
      tpu.vector_store %arg9[%swap3A_660, %swap3A_661], %swap3A_664 {strides = array<i32>} : memref<16x128xf32, #tpu.memory_space<vmem>>, vector<1x16xf32>,
      %scan3A_665 = arith.constant 3 : i32
      %broadcast_in_dim3A_666 = arith.constant 0.000000e+00 : f32
      %broadcast_in_dim3A_667 = vector.broadcast %broadcast_in_dim3A_666 : f32 to vector<16xf32>
      %mul3A_668 = arith.constant 16 : i32
      %mul3A_669 = arith.muli %scan3A_665, %mul3A_668 : i32
      %swap3A_670 = arith.index_cast %scan3A_636 : i32 to index
      %swap3A_671 = arith.index_cast %mul3A_669 : i32 to index
      %swap3A_672 = tpu.vector_load %arg9[%swap3A_670, %swap3A_671] {strides = array<i32>} : memref<16x128xf32, #tpu.memory_space<vmem>>, vector<1x16xf32>,
      %swap3A_673 = vector.shape_cast %swap3A_672 : vector<1x16xf32> to vector<16xf32>
      %swap3A_674 = vector.shape_cast %broadcast_in_dim3A_667 : vector<16xf32> to vector<1x16xf32>
      tpu.vector_store %arg9[%swap3A_670, %swap3A_671], %swap3A_674 {strides = array<i32>} : memref<16x128xf32, #tpu.memory_space<vmem>>, vector<1x16xf32>,
      %scan3A_675 = arith.constant 4 : i32
      %broadcast_in_dim3A_676 = arith.constant 0.000000e+00 : f32
      %broadcast_in_dim3A_677 = vector.broadcast %broadcast_in_dim3A_676 : f32 to vector<16xf32>
      %mul3A_678 = arith.constant 16 : i32
      %mul3A_679 = arith.muli %scan3A_675, %mul3A_678 : i32
      %swap3A_680 = arith.index_cast %scan3A_636 : i32 to index
      %swap3A_681 = arith.index_cast %mul3A_679 : i32 to index
      %swap3A_682 = tpu.vector_load %arg9[%swap3A_680, %swap3A_681] {strides = array<i32>} : memref<16x128xf32, #tpu.memory_space<vmem>>, vector<1x16xf32>,
      %swap3A_683 = vector.shape_cast %swap3A_682 : vector<1x16xf32> to vector<16xf32>
      %swap3A_684 = vector.shape_cast %broadcast_in_dim3A_677 : vector<16xf32> to vector<1x16xf32>
      tpu.vector_store %arg9[%swap3A_680, %swap3A_681], %swap3A_684 {strides = array<i32>} : memref<16x128xf32, #tpu.memory_space<vmem>>, vector<1x16xf32>,
      %scan3A_685 = arith.constant 5 : i32
      %broadcast_in_dim3A_686 = arith.constant 0.000000e+00 : f32
      %broadcast_in_dim3A_687 = vector.broadcast %broadcast_in_dim3A_686 : f32 to vector<16xf32>
      %mul3A_688 = arith.constant 16 : i32
      %mul3A_689 = arith.muli %scan3A_685, %mul3A_688 : i32
      %swap3A_690 = arith.index_cast %scan3A_636 : i32 to index
      %swap3A_691 = arith.index_cast %mul3A_689 : i32 to index
      %swap3A_692 = tpu.vector_load %arg9[%swap3A_690, %swap3A_691] {strides = array<i32>} : memref<16x128xf32, #tpu.memory_space<vmem>>, vector<1x16xf32>,
      %swap3A_693 = vector.shape_cast %swap3A_692 : vector<1x16xf32> to vector<16xf32>
      %swap3A_694 = vector.shape_cast %broadcast_in_dim3A_687 : vector<16xf32> to vector<1x16xf32>
      tpu.vector_store %arg9[%swap3A_690, %swap3A_691], %swap3A_694 {strides = array<i32>} : memref<16x128xf32, #tpu.memory_space<vmem>>, vector<1x16xf32>,
      %scan3A_695 = arith.constant 6 : i32
      %broadcast_in_dim3A_696 = arith.constant 0.000000e+00 : f32
      %broadcast_in_dim3A_697 = vector.broadcast %broadcast_in_dim3A_696 : f32 to vector<16xf32>
      %mul3A_698 = arith.constant 16 : i32
      %mul3A_699 = arith.muli %scan3A_695, %mul3A_698 : i32
      %swap3A_700 = arith.index_cast %scan3A_636 : i32 to index
      %swap3A_701 = arith.index_cast %mul3A_699 : i32 to index
      %swap3A_702 = tpu.vector_load %arg9[%swap3A_700, %swap3A_701] {strides = array<i32>} : memref<16x128xf32, #tpu.memory_space<vmem>>, vector<1x16xf32>,
      %swap3A_703 = vector.shape_cast %swap3A_702 : vector<1x16xf32> to vector<16xf32>
      %swap3A_704 = vector.shape_cast %broadcast_in_dim3A_697 : vector<16xf32> to vector<1x16xf32>
      tpu.vector_store %arg9[%swap3A_700, %swap3A_701], %swap3A_704 {strides = array<i32>} : memref<16x128xf32, #tpu.memory_space<vmem>>, vector<1x16xf32>,
      %scan3A_705 = arith.constant 7 : i32
      %broadcast_in_dim3A_706 = arith.constant 0.000000e+00 : f32
      %broadcast_in_dim3A_707 = vector.broadcast %broadcast_in_dim3A_706 : f32 to vector<16xf32>
      %mul3A_708 = arith.constant 16 : i32
      %mul3A_709 = arith.muli %scan3A_705, %mul3A_708 : i32
      %swap3A_710 = arith.index_cast %scan3A_636 : i32 to index
      %swap3A_711 = arith.index_cast %mul3A_709 : i32 to index
      %swap3A_712 = tpu.vector_load %arg9[%swap3A_710, %swap3A_711] {strides = array<i32>} : memref<16x128xf32, #tpu.memory_space<vmem>>, vector<1x16xf32>,
      %swap3A_713 = vector.shape_cast %swap3A_712 : vector<1x16xf32> to vector<16xf32>
      %swap3A_714 = vector.shape_cast %broadcast_in_dim3A_707 : vector<16xf32> to vector<1x16xf32>
      tpu.vector_store %arg9[%swap3A_710, %swap3A_711], %swap3A_714 {strides = array<i32>} : memref<16x128xf32, #tpu.memory_space<vmem>>, vector<1x16xf32>,
      %scan3A_715 = arith.constant 8 : i32
    }
    %scan3A_5 = arith.constant 16 : i32
    %add3A = arith.constant 0 : i32
    %add3A_6 = arith.addi %mul3A_0, %add3A : i32
    %dma_start3A = arith.constant 0 : i32
    %dma_start3A_7 = tpu.memref_slice %arg10[%add3A_6, %dma_start3A] : memref<10240x128xf32, #tpu.memory_space<vmem_shared>> -> memref<16x128xf32, #tpu.memory_space<vmem_shared>>
    %dma_start3A_8 = arith.constant 0 : i32
    %dma_start3A_9 = tpu.memref_slice %arg10[%add3A_6, %dma_start3A_8] : memref<10240x128xf32, #tpu.memory_space<vmem_shared>> -> memref<16x128xf32, #tpu.memory_space<vmem_shared>>
    tpu.enqueue_dma source(%arg9 : memref<16x128xf32, #tpu.memory_space<vmem>>) target(%dma_start3A_9 : memref<16x128xf32, #tpu.memory_space<vmem_shared>>) target_semaphore(%arg31 : memref<!tpu.dma_semaphore, #tpu.memory_space<semaphore_mem>>)
    %add3A_10 = arith.constant 16 : i32
    %add3A_11 = arith.addi %mul3A_0, %add3A_10 : i32
    %dma_start3A_12 = arith.constant 0 : i32
    %dma_start3A_13 = tpu.memref_slice %arg10[%add3A_11, %dma_start3A_12] : memref<10240x128xf32, #tpu.memory_space<vmem_shared>> -> memref<16x128xf32, #tpu.memory_space<vmem_shared>>
    %dma_start3A_14 = arith.constant 0 : i32
    %dma_start3A_15 = tpu.memref_slice %arg10[%add3A_11, %dma_start3A_14] : memref<10240x128xf32, #tpu.memory_space<vmem_shared>> -> memref<16x128xf32, #tpu.memory_space<vmem_shared>>
    tpu.enqueue_dma source(%arg9 : memref<16x128xf32, #tpu.memory_space<vmem>>) target(%dma_start3A_15 : memref<16x128xf32, #tpu.memory_space<vmem_shared>>) target_semaphore(%arg31 : memref<!tpu.dma_semaphore, #tpu.memory_space<semaphore_mem>>)
    %add3A_16 = arith.constant 32 : i32
    %add3A_17 = arith.addi %mul3A_0, %add3A_16 : i32
    %dma_start3A_18 = arith.constant 0 : i32
    %dma_start3A_19 = tpu.memref_slice %arg10[%add3A_17, %dma_start3A_18] : memref<10240x128xf32, #tpu.memory_space<vmem_shared>> -> memref<16x128xf32, #tpu.memory_space<vmem_shared>>
    %dma_start3A_20 = arith.constant 0 : i32
    %dma_start3A_21 = tpu.memref_slice %arg10[%add3A_17, %dma_start3A_20] : memref<10240x128xf32, #tpu.memory_space<vmem_shared>> -> memref<16x128xf32, #tpu.memory_space<vmem_shared>>
    tpu.enqueue_dma source(%arg9 : memref<16x128xf32, #tpu.memory_space<vmem>>) target(%dma_start3A_21 : memref<16x128xf32, #tpu.memory_space<vmem_shared>>) target_semaphore(%arg31 : memref<!tpu.dma_semaphore, #tpu.memory_space<semaphore_mem>>)
    %add3A_22 = arith.constant 48 : i32
    %add3A_23 = arith.addi %mul3A_0, %add3A_22 : i32
    %dma_start3A_24 = arith.constant 0 : i32
    %dma_start3A_25 = tpu.memref_slice %arg10[%add3A_23, %dma_start3A_24] : memref<10240x128xf32, #tpu.memory_space<vmem_shared>> -> memref<16x128xf32, #tpu.memory_space<vmem_shared>>
    %dma_start3A_26 = arith.constant 0 : i32
    %dma_start3A_27 = tpu.memref_slice %arg10[%add3A_23, %dma_start3A_26] : memref<10240x128xf32, #tpu.memory_space<vmem_shared>> -> memref<16x128xf32, #tpu.memory_space<vmem_shared>>
    tpu.enqueue_dma source(%arg9 : memref<16x128xf32, #tpu.memory_space<vmem>>) target(%dma_start3A_27 : memref<16x128xf32, #tpu.memory_space<vmem_shared>>) target_semaphore(%arg31 : memref<!tpu.dma_semaphore, #tpu.memory_space<semaphore_mem>>)
    %add3A_28 = arith.constant 64 : i32
    %add3A_29 = arith.addi %mul3A_0, %add3A_28 : i32
    %dma_start3A_30 = arith.constant 0 : i32
    %dma_start3A_31 = tpu.memref_slice %arg10[%add3A_29, %dma_start3A_30] : memref<10240x128xf32, #tpu.memory_space<vmem_shared>> -> memref<16x128xf32, #tpu.memory_space<vmem_shared>>
    %dma_start3A_32 = arith.constant 0 : i32
    %dma_start3A_33 = tpu.memref_slice %arg10[%add3A_29, %dma_start3A_32] : memref<10240x128xf32, #tpu.memory_space<vmem_shared>> -> memref<16x128xf32, #tpu.memory_space<vmem_shared>>
    tpu.enqueue_dma source(%arg9 : memref<16x128xf32, #tpu.memory_space<vmem>>) target(%dma_start3A_33 : memref<16x128xf32, #tpu.memory_space<vmem_shared>>) target_semaphore(%arg31 : memref<!tpu.dma_semaphore, #tpu.memory_space<semaphore_mem>>)
    %add3A_34 = arith.constant 80 : i32
    %add3A_35 = arith.addi %mul3A_0, %add3A_34 : i32
    %dma_start3A_36 = arith.constant 0 : i32
    %dma_start3A_37 = tpu.memref_slice %arg10[%add3A_35, %dma_start3A_36] : memref<10240x128xf32, #tpu.memory_space<vmem_shared>> -> memref<16x128xf32, #tpu.memory_space<vmem_shared>>
    %dma_start3A_38 = arith.constant 0 : i32
    %dma_start3A_39 = tpu.memref_slice %arg10[%add3A_35, %dma_start3A_38] : memref<10240x128xf32, #tpu.memory_space<vmem_shared>> -> memref<16x128xf32, #tpu.memory_space<vmem_shared>>
    tpu.enqueue_dma source(%arg9 : memref<16x128xf32, #tpu.memory_space<vmem>>) target(%dma_start3A_39 : memref<16x128xf32, #tpu.memory_space<vmem_shared>>) target_semaphore(%arg31 : memref<!tpu.dma_semaphore, #tpu.memory_space<semaphore_mem>>)
    %add3A_40 = arith.constant 96 : i32
    %add3A_41 = arith.addi %mul3A_0, %add3A_40 : i32
    %dma_start3A_42 = arith.constant 0 : i32
    %dma_start3A_43 = tpu.memref_slice %arg10[%add3A_41, %dma_start3A_42] : memref<10240x128xf32, #tpu.memory_space<vmem_shared>> -> memref<16x128xf32, #tpu.memory_space<vmem_shared>>
    %dma_start3A_44 = arith.constant 0 : i32
    %dma_start3A_45 = tpu.memref_slice %arg10[%add3A_41, %dma_start3A_44] : memref<10240x128xf32, #tpu.memory_space<vmem_shared>> -> memref<16x128xf32, #tpu.memory_space<vmem_shared>>
    tpu.enqueue_dma source(%arg9 : memref<16x128xf32, #tpu.memory_space<vmem>>) target(%dma_start3A_45 : memref<16x128xf32, #tpu.memory_space<vmem_shared>>) target_semaphore(%arg31 : memref<!tpu.dma_semaphore, #tpu.memory_space<semaphore_mem>>)
    %add3A_46 = arith.constant 112 : i32
    %add3A_47 = arith.addi %mul3A_0, %add3A_46 : i32
    %dma_start3A_48 = arith.constant 0 : i32
    %dma_start3A_49 = tpu.memref_slice %arg10[%add3A_47, %dma_start3A_48] : memref<10240x128xf32, #tpu.memory_space<vmem_shared>> -> memref<16x128xf32, #tpu.memory_space<vmem_shared>>
    %dma_start3A_50 = arith.constant 0 : i32
    %dma_start3A_51 = tpu.memref_slice %arg10[%add3A_47, %dma_start3A_50] : memref<10240x128xf32, #tpu.memory_space<vmem_shared>> -> memref<16x128xf32, #tpu.memory_space<vmem_shared>>
    tpu.enqueue_dma source(%arg9 : memref<16x128xf32, #tpu.memory_space<vmem>>) target(%dma_start3A_51 : memref<16x128xf32, #tpu.memory_space<vmem_shared>>) target_semaphore(%arg31 : memref<!tpu.dma_semaphore, #tpu.memory_space<semaphore_mem>>)
    %add3A_52 = arith.constant 128 : i32
    %add3A_53 = arith.addi %mul3A_0, %add3A_52 : i32
    %dma_start3A_54 = arith.constant 0 : i32
    %dma_start3A_55 = tpu.memref_slice %arg10[%add3A_53, %dma_start3A_54] : memref<10240x128xf32, #tpu.memory_space<vmem_shared>> -> memref<16x128xf32, #tpu.memory_space<vmem_shared>>
    %dma_start3A_56 = arith.constant 0 : i32
    %dma_start3A_57 = tpu.memref_slice %arg10[%add3A_53, %dma_start3A_56] : memref<10240x128xf32, #tpu.memory_space<vmem_shared>> -> memref<16x128xf32, #tpu.memory_space<vmem_shared>>
    tpu.enqueue_dma source(%arg9 : memref<16x128xf32, #tpu.memory_space<vmem>>) target(%dma_start3A_57 : memref<16x128xf32, #tpu.memory_space<vmem_shared>>) target_semaphore(%arg31 : memref<!tpu.dma_semaphore, #tpu.memory_space<semaphore_mem>>)
    %add3A_58 = arith.constant 144 : i32
    %add3A_59 = arith.addi %mul3A_0, %add3A_58 : i32
    %dma_start3A_60 = arith.constant 0 : i32
    %dma_start3A_61 = tpu.memref_slice %arg10[%add3A_59, %dma_start3A_60] : memref<10240x128xf32, #tpu.memory_space<vmem_shared>> -> memref<16x128xf32, #tpu.memory_space<vmem_shared>>
    %dma_start3A_62 = arith.constant 0 : i32
    %dma_start3A_63 = tpu.memref_slice %arg10[%add3A_59, %dma_start3A_62] : memref<10240x128xf32, #tpu.memory_space<vmem_shared>> -> memref<16x128xf32, #tpu.memory_space<vmem_shared>>
    tpu.enqueue_dma source(%arg9 : memref<16x128xf32, #tpu.memory_space<vmem>>) target(%dma_start3A_63 : memref<16x128xf32, #tpu.memory_space<vmem_shared>>) target_semaphore(%arg31 : memref<!tpu.dma_semaphore, #tpu.memory_space<semaphore_mem>>)
    %add3A_64 = arith.constant 160 : i32
    %add3A_65 = arith.addi %mul3A_0, %add3A_64 : i32
    %dma_start3A_66 = arith.constant 0 : i32
    %dma_start3A_67 = tpu.memref_slice %arg10[%add3A_65, %dma_start3A_66] : memref<10240x128xf32, #tpu.memory_space<vmem_shared>> -> memref<16x128xf32, #tpu.memory_space<vmem_shared>>
    %dma_start3A_68 = arith.constant 0 : i32
    %dma_start3A_69 = tpu.memref_slice %arg10[%add3A_65, %dma_start3A_68] : memref<10240x128xf32, #tpu.memory_space<vmem_shared>> -> memref<16x128xf32, #tpu.memory_space<vmem_shared>>
    tpu.enqueue_dma source(%arg9 : memref<16x128xf32, #tpu.memory_space<vmem>>) target(%dma_start3A_69 : memref<16x128xf32, #tpu.memory_space<vmem_shared>>) target_semaphore(%arg31 : memref<!tpu.dma_semaphore, #tpu.memory_space<semaphore_mem>>)
    %add3A_70 = arith.constant 176 : i32
    %add3A_71 = arith.addi %mul3A_0, %add3A_70 : i32
    %dma_start3A_72 = arith.constant 0 : i32
    %dma_start3A_73 = tpu.memref_slice %arg10[%add3A_71, %dma_start3A_72] : memref<10240x128xf32, #tpu.memory_space<vmem_shared>> -> memref<16x128xf32, #tpu.memory_space<vmem_shared>>
    %dma_start3A_74 = arith.constant 0 : i32
    %dma_start3A_75 = tpu.memref_slice %arg10[%add3A_71, %dma_start3A_74] : memref<10240x128xf32, #tpu.memory_space<vmem_shared>> -> memref<16x128xf32, #tpu.memory_space<vmem_shared>>
    tpu.enqueue_dma source(%arg9 : memref<16x128xf32, #tpu.memory_space<vmem>>) target(%dma_start3A_75 : memref<16x128xf32, #tpu.memory_space<vmem_shared>>) target_semaphore(%arg31 : memref<!tpu.dma_semaphore, #tpu.memory_space<semaphore_mem>>)
    %add3A_76 = arith.constant 192 : i32
    %add3A_77 = arith.addi %mul3A_0, %add3A_76 : i32
    %dma_start3A_78 = arith.constant 0 : i32
    %dma_start3A_79 = tpu.memref_slice %arg10[%add3A_77, %dma_start3A_78] : memref<10240x128xf32, #tpu.memory_space<vmem_shared>> -> memref<16x128xf32, #tpu.memory_space<vmem_shared>>
    %dma_start3A_80 = arith.constant 0 : i32
    %dma_start3A_81 = tpu.memref_slice %arg10[%add3A_77, %dma_start3A_80] : memref<10240x128xf32, #tpu.memory_space<vmem_shared>> -> memref<16x128xf32, #tpu.memory_space<vmem_shared>>
    tpu.enqueue_dma source(%arg9 : memref<16x128xf32, #tpu.memory_space<vmem>>) target(%dma_start3A_81 : memref<16x128xf32, #tpu.memory_space<vmem_shared>>) target_semaphore(%arg31 : memref<!tpu.dma_semaphore, #tpu.memory_space<semaphore_mem>>)
    %add3A_82 = arith.constant 208 : i32
    %add3A_83 = arith.addi %mul3A_0, %add3A_82 : i32
    %dma_start3A_84 = arith.constant 0 : i32
    %dma_start3A_85 = tpu.memref_slice %arg10[%add3A_83, %dma_start3A_84] : memref<10240x128xf32, #tpu.memory_space<vmem_shared>> -> memref<16x128xf32, #tpu.memory_space<vmem_shared>>
    %dma_start3A_86 = arith.constant 0 : i32
    %dma_start3A_87 = tpu.memref_slice %arg10[%add3A_83, %dma_start3A_86] : memref<10240x128xf32, #tpu.memory_space<vmem_shared>> -> memref<16x128xf32, #tpu.memory_space<vmem_shared>>
    tpu.enqueue_dma source(%arg9 : memref<16x128xf32, #tpu.memory_space<vmem>>) target(%dma_start3A_87 : memref<16x128xf32, #tpu.memory_space<vmem_shared>>) target_semaphore(%arg31 : memref<!tpu.dma_semaphore, #tpu.memory_space<semaphore_mem>>)
    %add3A_88 = arith.constant 224 : i32
    %add3A_89 = arith.addi %mul3A_0, %add3A_88 : i32
    %dma_start3A_90 = arith.constant 0 : i32
    %dma_start3A_91 = tpu.memref_slice %arg10[%add3A_89, %dma_start3A_90] : memref<10240x128xf32, #tpu.memory_space<vmem_shared>> -> memref<16x128xf32, #tpu.memory_space<vmem_shared>>
    %dma_start3A_92 = arith.constant 0 : i32
    %dma_start3A_93 = tpu.memref_slice %arg10[%add3A_89, %dma_start3A_92] : memref<10240x128xf32, #tpu.memory_space<vmem_shared>> -> memref<16x128xf32, #tpu.memory_space<vmem_shared>>
    tpu.enqueue_dma source(%arg9 : memref<16x128xf32, #tpu.memory_space<vmem>>) target(%dma_start3A_93 : memref<16x128xf32, #tpu.memory_space<vmem_shared>>) target_semaphore(%arg31 : memref<!tpu.dma_semaphore, #tpu.memory_space<semaphore_mem>>)
    %add3A_94 = arith.constant 240 : i32
    %add3A_95 = arith.addi %mul3A_0, %add3A_94 : i32
    %dma_start3A_96 = arith.constant 0 : i32
    %dma_start3A_97 = tpu.memref_slice %arg10[%add3A_95, %dma_start3A_96] : memref<10240x128xf32, #tpu.memory_space<vmem_shared>> -> memref<16x128xf32, #tpu.memory_space<vmem_shared>>
    %dma_start3A_98 = arith.constant 0 : i32
    %dma_start3A_99 = tpu.memref_slice %arg10[%add3A_95, %dma_start3A_98] : memref<10240x128xf32, #tpu.memory_space<vmem_shared>> -> memref<16x128xf32, #tpu.memory_space<vmem_shared>>
    tpu.enqueue_dma source(%arg9 : memref<16x128xf32, #tpu.memory_space<vmem>>) target(%dma_start3A_99 : memref<16x128xf32, #tpu.memory_space<vmem_shared>>) target_semaphore(%arg31 : memref<!tpu.dma_semaphore, #tpu.memory_space<semaphore_mem>>)
    %add3A_100 = arith.constant 256 : i32
    %add3A_101 = arith.addi %mul3A_0, %add3A_100 : i32
    %dma_start3A_102 = arith.constant 0 : i32
    %dma_start3A_103 = tpu.memref_slice %arg10[%add3A_101, %dma_start3A_102] : memref<10240x128xf32, #tpu.memory_space<vmem_shared>> -> memref<16x128xf32, #tpu.memory_space<vmem_shared>>
    %dma_start3A_104 = arith.constant 0 : i32
    %dma_start3A_105 = tpu.memref_slice %arg10[%add3A_101, %dma_start3A_104] : memref<10240x128xf32, #tpu.memory_space<vmem_shared>> -> memref<16x128xf32, #tpu.memory_space<vmem_shared>>
    tpu.enqueue_dma source(%arg9 : memref<16x128xf32, #tpu.memory_space<vmem>>) target(%dma_start3A_105 : memref<16x128xf32, #tpu.memory_space<vmem_shared>>) target_semaphore(%arg31 : memref<!tpu.dma_semaphore, #tpu.memory_space<semaphore_mem>>)
    %add3A_106 = arith.constant 272 : i32
    %add3A_107 = arith.addi %mul3A_0, %add3A_106 : i32
    %dma_start3A_108 = arith.constant 0 : i32
    %dma_start3A_109 = tpu.memref_slice %arg10[%add3A_107, %dma_start3A_108] : memref<10240x128xf32, #tpu.memory_space<vmem_shared>> -> memref<16x128xf32, #tpu.memory_space<vmem_shared>>
    %dma_start3A_110 = arith.constant 0 : i32
    %dma_start3A_111 = tpu.memref_slice %arg10[%add3A_107, %dma_start3A_110] : memref<10240x128xf32, #tpu.memory_space<vmem_shared>> -> memref<16x128xf32, #tpu.memory_space<vmem_shared>>
    tpu.enqueue_dma source(%arg9 : memref<16x128xf32, #tpu.memory_space<vmem>>) target(%dma_start3A_111 : memref<16x128xf32, #tpu.memory_space<vmem_shared>>) target_semaphore(%arg31 : memref<!tpu.dma_semaphore, #tpu.memory_space<semaphore_mem>>)
    %add3A_112 = arith.constant 288 : i32
    %add3A_113 = arith.addi %mul3A_0, %add3A_112 : i32
    %dma_start3A_114 = arith.constant 0 : i32
    %dma_start3A_115 = tpu.memref_slice %arg10[%add3A_113, %dma_start3A_114] : memref<10240x128xf32, #tpu.memory_space<vmem_shared>> -> memref<16x128xf32, #tpu.memory_space<vmem_shared>>
    %dma_start3A_116 = arith.constant 0 : i32
    %dma_start3A_117 = tpu.memref_slice %arg10[%add3A_113, %dma_start3A_116] : memref<10240x128xf32, #tpu.memory_space<vmem_shared>> -> memref<16x128xf32, #tpu.memory_space<vmem_shared>>
    tpu.enqueue_dma source(%arg9 : memref<16x128xf32, #tpu.memory_space<vmem>>) target(%dma_start3A_117 : memref<16x128xf32, #tpu.memory_space<vmem_shared>>) target_semaphore(%arg31 : memref<!tpu.dma_semaphore, #tpu.memory_space<semaphore_mem>>)
    %add3A_118 = arith.constant 304 : i32
    %add3A_119 = arith.addi %mul3A_0, %add3A_118 : i32
    %dma_start3A_120 = arith.constant 0 : i32
    %dma_start3A_121 = tpu.memref_slice %arg10[%add3A_119, %dma_start3A_120] : memref<10240x128xf32, #tpu.memory_space<vmem_shared>> -> memref<16x128xf32, #tpu.memory_space<vmem_shared>>
    %dma_start3A_122 = arith.constant 0 : i32
    %dma_start3A_123 = tpu.memref_slice %arg10[%add3A_119, %dma_start3A_122] : memref<10240x128xf32, #tpu.memory_space<vmem_shared>> -> memref<16x128xf32, #tpu.memory_space<vmem_shared>>
    tpu.enqueue_dma source(%arg9 : memref<16x128xf32, #tpu.memory_space<vmem>>) target(%dma_start3A_123 : memref<16x128xf32, #tpu.memory_space<vmem_shared>>) target_semaphore(%arg31 : memref<!tpu.dma_semaphore, #tpu.memory_space<semaphore_mem>>)
    %add3A_124 = arith.constant 320 : i32
    %add3A_125 = arith.addi %mul3A_0, %add3A_124 : i32
    %dma_start3A_126 = arith.constant 0 : i32
    %dma_start3A_127 = tpu.memref_slice %arg10[%add3A_125, %dma_start3A_126] : memref<10240x128xf32, #tpu.memory_space<vmem_shared>> -> memref<16x128xf32, #tpu.memory_space<vmem_shared>>
    %dma_start3A_128 = arith.constant 0 : i32
    %dma_start3A_129 = tpu.memref_slice %arg10[%add3A_125, %dma_start3A_128] : memref<10240x128xf32, #tpu.memory_space<vmem_shared>> -> memref<16x128xf32, #tpu.memory_space<vmem_shared>>
    tpu.enqueue_dma source(%arg9 : memref<16x128xf32, #tpu.memory_space<vmem>>) target(%dma_start3A_129 : memref<16x128xf32, #tpu.memory_space<vmem_shared>>) target_semaphore(%arg31 : memref<!tpu.dma_semaphore, #tpu.memory_space<semaphore_mem>>)
    %add3A_130 = arith.constant 336 : i32
    %add3A_131 = arith.addi %mul3A_0, %add3A_130 : i32
    %dma_start3A_132 = arith.constant 0 : i32
    %dma_start3A_133 = tpu.memref_slice %arg10[%add3A_131, %dma_start3A_132] : memref<10240x128xf32, #tpu.memory_space<vmem_shared>> -> memref<16x128xf32, #tpu.memory_space<vmem_shared>>
    %dma_start3A_134 = arith.constant 0 : i32
    %dma_start3A_135 = tpu.memref_slice %arg10[%add3A_131, %dma_start3A_134] : memref<10240x128xf32, #tpu.memory_space<vmem_shared>> -> memref<16x128xf32, #tpu.memory_space<vmem_shared>>
    tpu.enqueue_dma source(%arg9 : memref<16x128xf32, #tpu.memory_space<vmem>>) target(%dma_start3A_135 : memref<16x128xf32, #tpu.memory_space<vmem_shared>>) target_semaphore(%arg31 : memref<!tpu.dma_semaphore, #tpu.memory_space<semaphore_mem>>)
    %add3A_136 = arith.constant 352 : i32
    %add3A_137 = arith.addi %mul3A_0, %add3A_136 : i32
    %dma_start3A_138 = arith.constant 0 : i32
    %dma_start3A_139 = tpu.memref_slice %arg10[%add3A_137, %dma_start3A_138] : memref<10240x128xf32, #tpu.memory_space<vmem_shared>> -> memref<16x128xf32, #tpu.memory_space<vmem_shared>>
    %dma_start3A_140 = arith.constant 0 : i32
    %dma_start3A_141 = tpu.memref_slice %arg10[%add3A_137, %dma_start3A_140] : memref<10240x128xf32, #tpu.memory_space<vmem_shared>> -> memref<16x128xf32, #tpu.memory_space<vmem_shared>>
    tpu.enqueue_dma source(%arg9 : memref<16x128xf32, #tpu.memory_space<vmem>>) target(%dma_start3A_141 : memref<16x128xf32, #tpu.memory_space<vmem_shared>>) target_semaphore(%arg31 : memref<!tpu.dma_semaphore, #tpu.memory_space<semaphore_mem>>)
    %add3A_142 = arith.constant 368 : i32
    %add3A_143 = arith.addi %mul3A_0, %add3A_142 : i32
    %dma_start3A_144 = arith.constant 0 : i32
    %dma_start3A_145 = tpu.memref_slice %arg10[%add3A_143, %dma_start3A_144] : memref<10240x128xf32, #tpu.memory_space<vmem_shared>> -> memref<16x128xf32, #tpu.memory_space<vmem_shared>>
    %dma_start3A_146 = arith.constant 0 : i32
    %dma_start3A_147 = tpu.memref_slice %arg10[%add3A_143, %dma_start3A_146] : memref<10240x128xf32, #tpu.memory_space<vmem_shared>> -> memref<16x128xf32, #tpu.memory_space<vmem_shared>>
    tpu.enqueue_dma source(%arg9 : memref<16x128xf32, #tpu.memory_space<vmem>>) target(%dma_start3A_147 : memref<16x128xf32, #tpu.memory_space<vmem_shared>>) target_semaphore(%arg31 : memref<!tpu.dma_semaphore, #tpu.memory_space<semaphore_mem>>)
    %add3A_148 = arith.constant 384 : i32
    %add3A_149 = arith.addi %mul3A_0, %add3A_148 : i32
    %dma_start3A_150 = arith.constant 0 : i32
    %dma_start3A_151 = tpu.memref_slice %arg10[%add3A_149, %dma_start3A_150] : memref<10240x128xf32, #tpu.memory_space<vmem_shared>> -> memref<16x128xf32, #tpu.memory_space<vmem_shared>>
    %dma_start3A_152 = arith.constant 0 : i32
    %dma_start3A_153 = tpu.memref_slice %arg10[%add3A_149, %dma_start3A_152] : memref<10240x128xf32, #tpu.memory_space<vmem_shared>> -> memref<16x128xf32, #tpu.memory_space<vmem_shared>>
    tpu.enqueue_dma source(%arg9 : memref<16x128xf32, #tpu.memory_space<vmem>>) target(%dma_start3A_153 : memref<16x128xf32, #tpu.memory_space<vmem_shared>>) target_semaphore(%arg31 : memref<!tpu.dma_semaphore, #tpu.memory_space<semaphore_mem>>)
    %add3A_154 = arith.constant 400 : i32
    %add3A_155 = arith.addi %mul3A_0, %add3A_154 : i32
    %dma_start3A_156 = arith.constant 0 : i32
    %dma_start3A_157 = tpu.memref_slice %arg10[%add3A_155, %dma_start3A_156] : memref<10240x128xf32, #tpu.memory_space<vmem_shared>> -> memref<16x128xf32, #tpu.memory_space<vmem_shared>>
    %dma_start3A_158 = arith.constant 0 : i32
    %dma_start3A_159 = tpu.memref_slice %arg10[%add3A_155, %dma_start3A_158] : memref<10240x128xf32, #tpu.memory_space<vmem_shared>> -> memref<16x128xf32, #tpu.memory_space<vmem_shared>>
    tpu.enqueue_dma source(%arg9 : memref<16x128xf32, #tpu.memory_space<vmem>>) target(%dma_start3A_159 : memref<16x128xf32, #tpu.memory_space<vmem_shared>>) target_semaphore(%arg31 : memref<!tpu.dma_semaphore, #tpu.memory_space<semaphore_mem>>)
    %add3A_160 = arith.constant 416 : i32
    %add3A_161 = arith.addi %mul3A_0, %add3A_160 : i32
    %dma_start3A_162 = arith.constant 0 : i32
    %dma_start3A_163 = tpu.memref_slice %arg10[%add3A_161, %dma_start3A_162] : memref<10240x128xf32, #tpu.memory_space<vmem_shared>> -> memref<16x128xf32, #tpu.memory_space<vmem_shared>>
    %dma_start3A_164 = arith.constant 0 : i32
    %dma_start3A_165 = tpu.memref_slice %arg10[%add3A_161, %dma_start3A_164] : memref<10240x128xf32, #tpu.memory_space<vmem_shared>> -> memref<16x128xf32, #tpu.memory_space<vmem_shared>>
    tpu.enqueue_dma source(%arg9 : memref<16x128xf32, #tpu.memory_space<vmem>>) target(%dma_start3A_165 : memref<16x128xf32, #tpu.memory_space<vmem_shared>>) target_semaphore(%arg31 : memref<!tpu.dma_semaphore, #tpu.memory_space<semaphore_mem>>)
    %add3A_166 = arith.constant 432 : i32
    %add3A_167 = arith.addi %mul3A_0, %add3A_166 : i32
    %dma_start3A_168 = arith.constant 0 : i32
    %dma_start3A_169 = tpu.memref_slice %arg10[%add3A_167, %dma_start3A_168] : memref<10240x128xf32, #tpu.memory_space<vmem_shared>> -> memref<16x128xf32, #tpu.memory_space<vmem_shared>>
    %dma_start3A_170 = arith.constant 0 : i32
    %dma_start3A_171 = tpu.memref_slice %arg10[%add3A_167, %dma_start3A_170] : memref<10240x128xf32, #tpu.memory_space<vmem_shared>> -> memref<16x128xf32, #tpu.memory_space<vmem_shared>>
    tpu.enqueue_dma source(%arg9 : memref<16x128xf32, #tpu.memory_space<vmem>>) target(%dma_start3A_171 : memref<16x128xf32, #tpu.memory_space<vmem_shared>>) target_semaphore(%arg31 : memref<!tpu.dma_semaphore, #tpu.memory_space<semaphore_mem>>)
    %add3A_172 = arith.constant 448 : i32
    %add3A_173 = arith.addi %mul3A_0, %add3A_172 : i32
    %dma_start3A_174 = arith.constant 0 : i32
    %dma_start3A_175 = tpu.memref_slice %arg10[%add3A_173, %dma_start3A_174] : memref<10240x128xf32, #tpu.memory_space<vmem_shared>> -> memref<16x128xf32, #tpu.memory_space<vmem_shared>>
    %dma_start3A_176 = arith.constant 0 : i32
    %dma_start3A_177 = tpu.memref_slice %arg10[%add3A_173, %dma_start3A_176] : memref<10240x128xf32, #tpu.memory_space<vmem_shared>> -> memref<16x128xf32, #tpu.memory_space<vmem_shared>>
    tpu.enqueue_dma source(%arg9 : memref<16x128xf32, #tpu.memory_space<vmem>>) target(%dma_start3A_177 : memref<16x128xf32, #tpu.memory_space<vmem_shared>>) target_semaphore(%arg31 : memref<!tpu.dma_semaphore, #tpu.memory_space<semaphore_mem>>)
    %add3A_178 = arith.constant 464 : i32
    %add3A_179 = arith.addi %mul3A_0, %add3A_178 : i32
    %dma_start3A_180 = arith.constant 0 : i32
    %dma_start3A_181 = tpu.memref_slice %arg10[%add3A_179, %dma_start3A_180] : memref<10240x128xf32, #tpu.memory_space<vmem_shared>> -> memref<16x128xf32, #tpu.memory_space<vmem_shared>>
    %dma_start3A_182 = arith.constant 0 : i32
    %dma_start3A_183 = tpu.memref_slice %arg10[%add3A_179, %dma_start3A_182] : memref<10240x128xf32, #tpu.memory_space<vmem_shared>> -> memref<16x128xf32, #tpu.memory_space<vmem_shared>>
    tpu.enqueue_dma source(%arg9 : memref<16x128xf32, #tpu.memory_space<vmem>>) target(%dma_start3A_183 : memref<16x128xf32, #tpu.memory_space<vmem_shared>>) target_semaphore(%arg31 : memref<!tpu.dma_semaphore, #tpu.memory_space<semaphore_mem>>)
    %add3A_184 = arith.constant 480 : i32
    %add3A_185 = arith.addi %mul3A_0, %add3A_184 : i32
    %dma_start3A_186 = arith.constant 0 : i32
    %dma_start3A_187 = tpu.memref_slice %arg10[%add3A_185, %dma_start3A_186] : memref<10240x128xf32, #tpu.memory_space<vmem_shared>> -> memref<16x128xf32, #tpu.memory_space<vmem_shared>>
    %dma_start3A_188 = arith.constant 0 : i32
    %dma_start3A_189 = tpu.memref_slice %arg10[%add3A_185, %dma_start3A_188] : memref<10240x128xf32, #tpu.memory_space<vmem_shared>> -> memref<16x128xf32, #tpu.memory_space<vmem_shared>>
    tpu.enqueue_dma source(%arg9 : memref<16x128xf32, #tpu.memory_space<vmem>>) target(%dma_start3A_189 : memref<16x128xf32, #tpu.memory_space<vmem_shared>>) target_semaphore(%arg31 : memref<!tpu.dma_semaphore, #tpu.memory_space<semaphore_mem>>)
    %add3A_190 = arith.constant 496 : i32
    %add3A_191 = arith.addi %mul3A_0, %add3A_190 : i32
    %dma_start3A_192 = arith.constant 0 : i32
    %dma_start3A_193 = tpu.memref_slice %arg10[%add3A_191, %dma_start3A_192] : memref<10240x128xf32, #tpu.memory_space<vmem_shared>> -> memref<16x128xf32, #tpu.memory_space<vmem_shared>>
    %dma_start3A_194 = arith.constant 0 : i32
    %dma_start3A_195 = tpu.memref_slice %arg10[%add3A_191, %dma_start3A_194] : memref<10240x128xf32, #tpu.memory_space<vmem_shared>> -> memref<16x128xf32, #tpu.memory_space<vmem_shared>>
    tpu.enqueue_dma source(%arg9 : memref<16x128xf32, #tpu.memory_space<vmem>>) target(%dma_start3A_195 : memref<16x128xf32, #tpu.memory_space<vmem_shared>>) target_semaphore(%arg31 : memref<!tpu.dma_semaphore, #tpu.memory_space<semaphore_mem>>)
    %add3A_196 = arith.constant 512 : i32
    %add3A_197 = arith.addi %mul3A_0, %add3A_196 : i32
    %dma_start3A_198 = arith.constant 0 : i32
    %dma_start3A_199 = tpu.memref_slice %arg10[%add3A_197, %dma_start3A_198] : memref<10240x128xf32, #tpu.memory_space<vmem_shared>> -> memref<16x128xf32, #tpu.memory_space<vmem_shared>>
    %dma_start3A_200 = arith.constant 0 : i32
    %dma_start3A_201 = tpu.memref_slice %arg10[%add3A_197, %dma_start3A_200] : memref<10240x128xf32, #tpu.memory_space<vmem_shared>> -> memref<16x128xf32, #tpu.memory_space<vmem_shared>>
    tpu.enqueue_dma source(%arg9 : memref<16x128xf32, #tpu.memory_space<vmem>>) target(%dma_start3A_201 : memref<16x128xf32, #tpu.memory_space<vmem_shared>>) target_semaphore(%arg31 : memref<!tpu.dma_semaphore, #tpu.memory_space<semaphore_mem>>)
    %add3A_202 = arith.constant 528 : i32
    %add3A_203 = arith.addi %mul3A_0, %add3A_202 : i32
    %dma_start3A_204 = arith.constant 0 : i32
    %dma_start3A_205 = tpu.memref_slice %arg10[%add3A_203, %dma_start3A_204] : memref<10240x128xf32, #tpu.memory_space<vmem_shared>> -> memref<16x128xf32, #tpu.memory_space<vmem_shared>>
    %dma_start3A_206 = arith.constant 0 : i32
    %dma_start3A_207 = tpu.memref_slice %arg10[%add3A_203, %dma_start3A_206] : memref<10240x128xf32, #tpu.memory_space<vmem_shared>> -> memref<16x128xf32, #tpu.memory_space<vmem_shared>>
    tpu.enqueue_dma source(%arg9 : memref<16x128xf32, #tpu.memory_space<vmem>>) target(%dma_start3A_207 : memref<16x128xf32, #tpu.memory_space<vmem_shared>>) target_semaphore(%arg31 : memref<!tpu.dma_semaphore, #tpu.memory_space<semaphore_mem>>)
    %add3A_208 = arith.constant 544 : i32
    %add3A_209 = arith.addi %mul3A_0, %add3A_208 : i32
    %dma_start3A_210 = arith.constant 0 : i32
    %dma_start3A_211 = tpu.memref_slice %arg10[%add3A_209, %dma_start3A_210] : memref<10240x128xf32, #tpu.memory_space<vmem_shared>> -> memref<16x128xf32, #tpu.memory_space<vmem_shared>>
    %dma_start3A_212 = arith.constant 0 : i32
    %dma_start3A_213 = tpu.memref_slice %arg10[%add3A_209, %dma_start3A_212] : memref<10240x128xf32, #tpu.memory_space<vmem_shared>> -> memref<16x128xf32, #tpu.memory_space<vmem_shared>>
    tpu.enqueue_dma source(%arg9 : memref<16x128xf32, #tpu.memory_space<vmem>>) target(%dma_start3A_213 : memref<16x128xf32, #tpu.memory_space<vmem_shared>>) target_semaphore(%arg31 : memref<!tpu.dma_semaphore, #tpu.memory_space<semaphore_mem>>)
    %add3A_214 = arith.constant 560 : i32
    %add3A_215 = arith.addi %mul3A_0, %add3A_214 : i32
    %dma_start3A_216 = arith.constant 0 : i32
    %dma_start3A_217 = tpu.memref_slice %arg10[%add3A_215, %dma_start3A_216] : memref<10240x128xf32, #tpu.memory_space<vmem_shared>> -> memref<16x128xf32, #tpu.memory_space<vmem_shared>>
    %dma_start3A_218 = arith.constant 0 : i32
    %dma_start3A_219 = tpu.memref_slice %arg10[%add3A_215, %dma_start3A_218] : memref<10240x128xf32, #tpu.memory_space<vmem_shared>> -> memref<16x128xf32, #tpu.memory_space<vmem_shared>>
    tpu.enqueue_dma source(%arg9 : memref<16x128xf32, #tpu.memory_space<vmem>>) target(%dma_start3A_219 : memref<16x128xf32, #tpu.memory_space<vmem_shared>>) target_semaphore(%arg31 : memref<!tpu.dma_semaphore, #tpu.memory_space<semaphore_mem>>)
    %add3A_220 = arith.constant 576 : i32
    %add3A_221 = arith.addi %mul3A_0, %add3A_220 : i32
    %dma_start3A_222 = arith.constant 0 : i32
    %dma_start3A_223 = tpu.memref_slice %arg10[%add3A_221, %dma_start3A_222] : memref<10240x128xf32, #tpu.memory_space<vmem_shared>> -> memref<16x128xf32, #tpu.memory_space<vmem_shared>>
    %dma_start3A_224 = arith.constant 0 : i32
    %dma_start3A_225 = tpu.memref_slice %arg10[%add3A_221, %dma_start3A_224] : memref<10240x128xf32, #tpu.memory_space<vmem_shared>> -> memref<16x128xf32, #tpu.memory_space<vmem_shared>>
    tpu.enqueue_dma source(%arg9 : memref<16x128xf32, #tpu.memory_space<vmem>>) target(%dma_start3A_225 : memref<16x128xf32, #tpu.memory_space<vmem_shared>>) target_semaphore(%arg31 : memref<!tpu.dma_semaphore, #tpu.memory_space<semaphore_mem>>)
    %add3A_226 = arith.constant 592 : i32
    %add3A_227 = arith.addi %mul3A_0, %add3A_226 : i32
    %dma_start3A_228 = arith.constant 0 : i32
    %dma_start3A_229 = tpu.memref_slice %arg10[%add3A_227, %dma_start3A_228] : memref<10240x128xf32, #tpu.memory_space<vmem_shared>> -> memref<16x128xf32, #tpu.memory_space<vmem_shared>>
    %dma_start3A_230 = arith.constant 0 : i32
    %dma_start3A_231 = tpu.memref_slice %arg10[%add3A_227, %dma_start3A_230] : memref<10240x128xf32, #tpu.memory_space<vmem_shared>> -> memref<16x128xf32, #tpu.memory_space<vmem_shared>>
    tpu.enqueue_dma source(%arg9 : memref<16x128xf32, #tpu.memory_space<vmem>>) target(%dma_start3A_231 : memref<16x128xf32, #tpu.memory_space<vmem_shared>>) target_semaphore(%arg31 : memref<!tpu.dma_semaphore, #tpu.memory_space<semaphore_mem>>)
    %add3A_232 = arith.constant 608 : i32
    %add3A_233 = arith.addi %mul3A_0, %add3A_232 : i32
    %dma_start3A_234 = arith.constant 0 : i32
    %dma_start3A_235 = tpu.memref_slice %arg10[%add3A_233, %dma_start3A_234] : memref<10240x128xf32, #tpu.memory_space<vmem_shared>> -> memref<16x128xf32, #tpu.memory_space<vmem_shared>>
    %dma_start3A_236 = arith.constant 0 : i32
    %dma_start3A_237 = tpu.memref_slice %arg10[%add3A_233, %dma_start3A_236] : memref<10240x128xf32, #tpu.memory_space<vmem_shared>> -> memref<16x128xf32, #tpu.memory_space<vmem_shared>>
    tpu.enqueue_dma source(%arg9 : memref<16x128xf32, #tpu.memory_space<vmem>>) target(%dma_start3A_237 : memref<16x128xf32, #tpu.memory_space<vmem_shared>>) target_semaphore(%arg31 : memref<!tpu.dma_semaphore, #tpu.memory_space<semaphore_mem>>)
    %add3A_238 = arith.constant 624 : i32
    %add3A_239 = arith.addi %mul3A_0, %add3A_238 : i32
    %dma_start3A_240 = arith.constant 0 : i32
    %dma_start3A_241 = tpu.memref_slice %arg10[%add3A_239, %dma_start3A_240] : memref<10240x128xf32, #tpu.memory_space<vmem_shared>> -> memref<16x128xf32, #tpu.memory_space<vmem_shared>>
    %dma_start3A_242 = arith.constant 0 : i32
    %dma_start3A_243 = tpu.memref_slice %arg10[%add3A_239, %dma_start3A_242] : memref<10240x128xf32, #tpu.memory_space<vmem_shared>> -> memref<16x128xf32, #tpu.memory_space<vmem_shared>>
    tpu.enqueue_dma source(%arg9 : memref<16x128xf32, #tpu.memory_space<vmem>>) target(%dma_start3A_243 : memref<16x128xf32, #tpu.memory_space<vmem_shared>>) target_semaphore(%arg31 : memref<!tpu.dma_semaphore, #tpu.memory_space<semaphore_mem>>)
    %dma_start3A_244 = arith.constant 0 : i32
    %dma_start3A_245 = arith.constant 0 : i32
    %dma_start3A_246 = arith.constant 0 : i32
    %dma_start3A_247 = tpu.memref_slice %arg6[%dma_start3A_245, %dma_start3A_246] : memref<8x40xi32, #tpu.memory_space<vmem>> -> memref<1x40xi32, #tpu.memory_space<vmem>>
    %dma_start3A_248 = tpu.memref_squeeze %dma_start3A_247 : memref<1x40xi32, #tpu.memory_space<vmem>> -> memref<40xi32, #tpu.memory_space<vmem>>
    %dma_start3A_249 = arith.constant 0 : i32
    %dma_start3A_250 = tpu.memref_slice %arg3[%arg1, %dma_start3A_244, %dma_start3A_249] : memref<16x500x40xi32, #tpu.memory_space<hbm>> -> memref<1x1x40xi32, #tpu.memory_space<hbm>>
    %dma_start3A_251 = tpu.memref_squeeze %dma_start3A_250 : memref<1x1x40xi32, #tpu.memory_space<hbm>> -> memref<40xi32, #tpu.memory_space<hbm>>
    %dma_start3A_252 = arith.constant 0 : i32
    %dma_start3A_253 = tpu.memref_slice %arg6[%dma_start3A_245, %dma_start3A_252] : memref<8x40xi32, #tpu.memory_space<vmem>> -> memref<1x40xi32, #tpu.memory_space<vmem>>
    %dma_start3A_254 = tpu.memref_squeeze %dma_start3A_253 : memref<1x40xi32, #tpu.memory_space<vmem>> -> memref<40xi32, #tpu.memory_space<vmem>>
    %dma_start3A_255 = arith.constant 0 : i32
    %dma_start3A_256 = tpu.memref_slice %arg3[%arg1, %dma_start3A_244, %dma_start3A_255] : memref<16x500x40xi32, #tpu.memory_space<hbm>> -> memref<1x1x40xi32, #tpu.memory_space<hbm>>
    %dma_start3A_257 = tpu.memref_squeeze %dma_start3A_256 : memref<1x1x40xi32, #tpu.memory_space<hbm>> -> memref<40xi32, #tpu.memory_space<hbm>>
    tpu.enqueue_dma source(%dma_start3A_257 : memref<40xi32, #tpu.memory_space<hbm>>) target(%dma_start3A_254 : memref<40xi32, #tpu.memory_space<vmem>>) target_semaphore(%arg11 : memref<!tpu.dma_semaphore, #tpu.memory_space<semaphore_mem>>)
    %dma_start3A_258 = arith.constant 0 : i32
    %dma_start3A_259 = arith.constant 0 : i32
    %dma_start3A_260 = arith.constant 0 : i32
    %dma_start3A_261 = tpu.memref_slice %arg7[%dma_start3A_259, %dma_start3A_260] : memref<8x40xi32, #tpu.memory_space<vmem>> -> memref<1x40xi32, #tpu.memory_space<vmem>>
    %dma_start3A_262 = tpu.memref_squeeze %dma_start3A_261 : memref<1x40xi32, #tpu.memory_space<vmem>> -> memref<40xi32, #tpu.memory_space<vmem>>
    %dma_start3A_263 = arith.constant 0 : i32
    %dma_start3A_264 = tpu.memref_slice %arg4[%arg1, %dma_start3A_258, %dma_start3A_263] : memref<16x500x40xi32, #tpu.memory_space<hbm>> -> memref<1x1x40xi32, #tpu.memory_space<hbm>>
    %dma_start3A_265 = tpu.memref_squeeze %dma_start3A_264 : memref<1x1x40xi32, #tpu.memory_space<hbm>> -> memref<40xi32, #tpu.memory_space<hbm>>
    %dma_start3A_266 = arith.constant 0 : i32
    %dma_start3A_267 = tpu.memref_slice %arg7[%dma_start3A_259, %dma_start3A_266] : memref<8x40xi32, #tpu.memory_space<vmem>> -> memref<1x40xi32, #tpu.memory_space<vmem>>
    %dma_start3A_268 = tpu.memref_squeeze %dma_start3A_267 : memref<1x40xi32, #tpu.memory_space<vmem>> -> memref<40xi32, #tpu.memory_space<vmem>>
    %dma_start3A_269 = arith.constant 0 : i32
    %dma_start3A_270 = tpu.memref_slice %arg4[%arg1, %dma_start3A_258, %dma_start3A_269] : memref<16x500x40xi32, #tpu.memory_space<hbm>> -> memref<1x1x40xi32, #tpu.memory_space<hbm>>
    %dma_start3A_271 = tpu.memref_squeeze %dma_start3A_270 : memref<1x1x40xi32, #tpu.memory_space<hbm>> -> memref<40xi32, #tpu.memory_space<hbm>>
    tpu.enqueue_dma source(%dma_start3A_271 : memref<40xi32, #tpu.memory_space<hbm>>) target(%dma_start3A_268 : memref<40xi32, #tpu.memory_space<vmem>>) target_semaphore(%arg19 : memref<!tpu.dma_semaphore, #tpu.memory_space<semaphore_mem>>)
    %dma_start3A_272 = arith.constant 1 : i32
    %dma_start3A_273 = arith.constant 1 : i32
    %dma_start3A_274 = arith.constant 0 : i32
    %dma_start3A_275 = tpu.memref_slice %arg6[%dma_start3A_273, %dma_start3A_274] : memref<8x40xi32, #tpu.memory_space<vmem>> -> memref<1x40xi32, #tpu.memory_space<vmem>>
    %dma_start3A_276 = tpu.memref_squeeze %dma_start3A_275 : memref<1x40xi32, #tpu.memory_space<vmem>> -> memref<40xi32, #tpu.memory_space<vmem>>
    %dma_start3A_277 = arith.constant 0 : i32
    %dma_start3A_278 = tpu.memref_slice %arg3[%arg1, %dma_start3A_272, %dma_start3A_277] : memref<16x500x40xi32, #tpu.memory_space<hbm>> -> memref<1x1x40xi32, #tpu.memory_space<hbm>>
    %dma_start3A_279 = tpu.memref_squeeze %dma_start3A_278 : memref<1x1x40xi32, #tpu.memory_space<hbm>> -> memref<40xi32, #tpu.memory_space<hbm>>
    %dma_start3A_280 = arith.constant 0 : i32
    %dma_start3A_281 = tpu.memref_slice %arg6[%dma_start3A_273, %dma_start3A_280] : memref<8x40xi32, #tpu.memory_space<vmem>> -> memref<1x40xi32, #tpu.memory_space<vmem>>
    %dma_start3A_282 = tpu.memref_squeeze %dma_start3A_281 : memref<1x40xi32, #tpu.memory_space<vmem>> -> memref<40xi32, #tpu.memory_space<vmem>>
    %dma_start3A_283 = arith.constant 0 : i32
    %dma_start3A_284 = tpu.memref_slice %arg3[%arg1, %dma_start3A_272, %dma_start3A_283] : memref<16x500x40xi32, #tpu.memory_space<hbm>> -> memref<1x1x40xi32, #tpu.memory_space<hbm>>
    %dma_start3A_285 = tpu.memref_squeeze %dma_start3A_284 : memref<1x1x40xi32, #tpu.memory_space<hbm>> -> memref<40xi32, #tpu.memory_space<hbm>>
    tpu.enqueue_dma source(%dma_start3A_285 : memref<40xi32, #tpu.memory_space<hbm>>) target(%dma_start3A_282 : memref<40xi32, #tpu.memory_space<vmem>>) target_semaphore(%arg12 : memref<!tpu.dma_semaphore, #tpu.memory_space<semaphore_mem>>)
    %dma_start3A_286 = arith.constant 1 : i32
    %dma_start3A_287 = arith.constant 1 : i32
    %dma_start3A_288 = arith.constant 0 : i32
    %dma_start3A_289 = tpu.memref_slice %arg7[%dma_start3A_287, %dma_start3A_288] : memref<8x40xi32, #tpu.memory_space<vmem>> -> memref<1x40xi32, #tpu.memory_space<vmem>>
    %dma_start3A_290 = tpu.memref_squeeze %dma_start3A_289 : memref<1x40xi32, #tpu.memory_space<vmem>> -> memref<40xi32, #tpu.memory_space<vmem>>
    %dma_start3A_291 = arith.constant 0 : i32
    %dma_start3A_292 = tpu.memref_slice %arg4[%arg1, %dma_start3A_286, %dma_start3A_291] : memref<16x500x40xi32, #tpu.memory_space<hbm>> -> memref<1x1x40xi32, #tpu.memory_space<hbm>>
    %dma_start3A_293 = tpu.memref_squeeze %dma_start3A_292 : memref<1x1x40xi32, #tpu.memory_space<hbm>> -> memref<40xi32, #tpu.memory_space<hbm>>
    %dma_start3A_294 = arith.constant 0 : i32
    %dma_start3A_295 = tpu.memref_slice %arg7[%dma_start3A_287, %dma_start3A_294] : memref<8x40xi32, #tpu.memory_space<vmem>> -> memref<1x40xi32, #tpu.memory_space<vmem>>
    %dma_start3A_296 = tpu.memref_squeeze %dma_start3A_295 : memref<1x40xi32, #tpu.memory_space<vmem>> -> memref<40xi32, #tpu.memory_space<vmem>>
    %dma_start3A_297 = arith.constant 0 : i32
    %dma_start3A_298 = tpu.memref_slice %arg4[%arg1, %dma_start3A_286, %dma_start3A_297] : memref<16x500x40xi32, #tpu.memory_space<hbm>> -> memref<1x1x40xi32, #tpu.memory_space<hbm>>
    %dma_start3A_299 = tpu.memref_squeeze %dma_start3A_298 : memref<1x1x40xi32, #tpu.memory_space<hbm>> -> memref<40xi32, #tpu.memory_space<hbm>>
    tpu.enqueue_dma source(%dma_start3A_299 : memref<40xi32, #tpu.memory_space<hbm>>) target(%dma_start3A_296 : memref<40xi32, #tpu.memory_space<vmem>>) target_semaphore(%arg20 : memref<!tpu.dma_semaphore, #tpu.memory_space<semaphore_mem>>)
    %dma_start3A_300 = arith.constant 2 : i32
    %dma_start3A_301 = arith.constant 2 : i32
    %dma_start3A_302 = arith.constant 0 : i32
    %dma_start3A_303 = tpu.memref_slice %arg6[%dma_start3A_301, %dma_start3A_302] : memref<8x40xi32, #tpu.memory_space<vmem>> -> memref<1x40xi32, #tpu.memory_space<vmem>>
    %dma_start3A_304 = tpu.memref_squeeze %dma_start3A_303 : memref<1x40xi32, #tpu.memory_space<vmem>> -> memref<40xi32, #tpu.memory_space<vmem>>
    %dma_start3A_305 = arith.constant 0 : i32
    %dma_start3A_306 = tpu.memref_slice %arg3[%arg1, %dma_start3A_300, %dma_start3A_305] : memref<16x500x40xi32, #tpu.memory_space<hbm>> -> memref<1x1x40xi32, #tpu.memory_space<hbm>>
    %dma_start3A_307 = tpu.memref_squeeze %dma_start3A_306 : memref<1x1x40xi32, #tpu.memory_space<hbm>> -> memref<40xi32, #tpu.memory_space<hbm>>
    %dma_start3A_308 = arith.constant 0 : i32
    %dma_start3A_309 = tpu.memref_slice %arg6[%dma_start3A_301, %dma_start3A_308] : memref<8x40xi32, #tpu.memory_space<vmem>> -> memref<1x40xi32, #tpu.memory_space<vmem>>
    %dma_start3A_310 = tpu.memref_squeeze %dma_start3A_309 : memref<1x40xi32, #tpu.memory_space<vmem>> -> memref<40xi32, #tpu.memory_space<vmem>>
    %dma_start3A_311 = arith.constant 0 : i32
    %dma_start3A_312 = tpu.memref_slice %arg3[%arg1, %dma_start3A_300, %dma_start3A_311] : memref<16x500x40xi32, #tpu.memory_space<hbm>> -> memref<1x1x40xi32, #tpu.memory_space<hbm>>
    %dma_start3A_313 = tpu.memref_squeeze %dma_start3A_312 : memref<1x1x40xi32, #tpu.memory_space<hbm>> -> memref<40xi32, #tpu.memory_space<hbm>>
    tpu.enqueue_dma source(%dma_start3A_313 : memref<40xi32, #tpu.memory_space<hbm>>) target(%dma_start3A_310 : memref<40xi32, #tpu.memory_space<vmem>>) target_semaphore(%arg13 : memref<!tpu.dma_semaphore, #tpu.memory_space<semaphore_mem>>)
    %dma_start3A_314 = arith.constant 2 : i32
    %dma_start3A_315 = arith.constant 2 : i32
    %dma_start3A_316 = arith.constant 0 : i32
    %dma_start3A_317 = tpu.memref_slice %arg7[%dma_start3A_315, %dma_start3A_316] : memref<8x40xi32, #tpu.memory_space<vmem>> -> memref<1x40xi32, #tpu.memory_space<vmem>>
    %dma_start3A_318 = tpu.memref_squeeze %dma_start3A_317 : memref<1x40xi32, #tpu.memory_space<vmem>> -> memref<40xi32, #tpu.memory_space<vmem>>
    %dma_start3A_319 = arith.constant 0 : i32
    %dma_start3A_320 = tpu.memref_slice %arg4[%arg1, %dma_start3A_314, %dma_start3A_319] : memref<16x500x40xi32, #tpu.memory_space<hbm>> -> memref<1x1x40xi32, #tpu.memory_space<hbm>>
    %dma_start3A_321 = tpu.memref_squeeze %dma_start3A_320 : memref<1x1x40xi32, #tpu.memory_space<hbm>> -> memref<40xi32, #tpu.memory_space<hbm>>
    %dma_start3A_322 = arith.constant 0 : i32
    %dma_start3A_323 = tpu.memref_slice %arg7[%dma_start3A_315, %dma_start3A_322] : memref<8x40xi32, #tpu.memory_space<vmem>> -> memref<1x40xi32, #tpu.memory_space<vmem>>
    %dma_start3A_324 = tpu.memref_squeeze %dma_start3A_323 : memref<1x40xi32, #tpu.memory_space<vmem>> -> memref<40xi32, #tpu.memory_space<vmem>>
    %dma_start3A_325 = arith.constant 0 : i32
    %dma_start3A_326 = tpu.memref_slice %arg4[%arg1, %dma_start3A_314, %dma_start3A_325] : memref<16x500x40xi32, #tpu.memory_space<hbm>> -> memref<1x1x40xi32, #tpu.memory_space<hbm>>
    %dma_start3A_327 = tpu.memref_squeeze %dma_start3A_326 : memref<1x1x40xi32, #tpu.memory_space<hbm>> -> memref<40xi32, #tpu.memory_space<hbm>>
    tpu.enqueue_dma source(%dma_start3A_327 : memref<40xi32, #tpu.memory_space<hbm>>) target(%dma_start3A_324 : memref<40xi32, #tpu.memory_space<vmem>>) target_semaphore(%arg21 : memref<!tpu.dma_semaphore, #tpu.memory_space<semaphore_mem>>)
    %dma_start3A_328 = arith.constant 3 : i32
    %dma_start3A_329 = arith.constant 3 : i32
    %dma_start3A_330 = arith.constant 0 : i32
    %dma_start3A_331 = tpu.memref_slice %arg6[%dma_start3A_329, %dma_start3A_330] : memref<8x40xi32, #tpu.memory_space<vmem>> -> memref<1x40xi32, #tpu.memory_space<vmem>>
    %dma_start3A_332 = tpu.memref_squeeze %dma_start3A_331 : memref<1x40xi32, #tpu.memory_space<vmem>> -> memref<40xi32, #tpu.memory_space<vmem>>
    %dma_start3A_333 = arith.constant 0 : i32
    %dma_start3A_334 = tpu.memref_slice %arg3[%arg1, %dma_start3A_328, %dma_start3A_333] : memref<16x500x40xi32, #tpu.memory_space<hbm>> -> memref<1x1x40xi32, #tpu.memory_space<hbm>>
    %dma_start3A_335 = tpu.memref_squeeze %dma_start3A_334 : memref<1x1x40xi32, #tpu.memory_space<hbm>> -> memref<40xi32, #tpu.memory_space<hbm>>
    %dma_start3A_336 = arith.constant 0 : i32
    %dma_start3A_337 = tpu.memref_slice %arg6[%dma_start3A_329, %dma_start3A_336] : memref<8x40xi32, #tpu.memory_space<vmem>> -> memref<1x40xi32, #tpu.memory_space<vmem>>
    %dma_start3A_338 = tpu.memref_squeeze %dma_start3A_337 : memref<1x40xi32, #tpu.memory_space<vmem>> -> memref<40xi32, #tpu.memory_space<vmem>>
    %dma_start3A_339 = arith.constant 0 : i32
    %dma_start3A_340 = tpu.memref_slice %arg3[%arg1, %dma_start3A_328, %dma_start3A_339] : memref<16x500x40xi32, #tpu.memory_space<hbm>> -> memref<1x1x40xi32, #tpu.memory_space<hbm>>
    %dma_start3A_341 = tpu.memref_squeeze %dma_start3A_340 : memref<1x1x40xi32, #tpu.memory_space<hbm>> -> memref<40xi32, #tpu.memory_space<hbm>>
    tpu.enqueue_dma source(%dma_start3A_341 : memref<40xi32, #tpu.memory_space<hbm>>) target(%dma_start3A_338 : memref<40xi32, #tpu.memory_space<vmem>>) target_semaphore(%arg14 : memref<!tpu.dma_semaphore, #tpu.memory_space<semaphore_mem>>)
    %dma_start3A_342 = arith.constant 3 : i32
    %dma_start3A_343 = arith.constant 3 : i32
    %dma_start3A_344 = arith.constant 0 : i32
    %dma_start3A_345 = tpu.memref_slice %arg7[%dma_start3A_343, %dma_start3A_344] : memref<8x40xi32, #tpu.memory_space<vmem>> -> memref<1x40xi32, #tpu.memory_space<vmem>>
    %dma_start3A_346 = tpu.memref_squeeze %dma_start3A_345 : memref<1x40xi32, #tpu.memory_space<vmem>> -> memref<40xi32, #tpu.memory_space<vmem>>
    %dma_start3A_347 = arith.constant 0 : i32
    %dma_start3A_348 = tpu.memref_slice %arg4[%arg1, %dma_start3A_342, %dma_start3A_347] : memref<16x500x40xi32, #tpu.memory_space<hbm>> -> memref<1x1x40xi32, #tpu.memory_space<hbm>>
    %dma_start3A_349 = tpu.memref_squeeze %dma_start3A_348 : memref<1x1x40xi32, #tpu.memory_space<hbm>> -> memref<40xi32, #tpu.memory_space<hbm>>
    %dma_start3A_350 = arith.constant 0 : i32
    %dma_start3A_351 = tpu.memref_slice %arg7[%dma_start3A_343, %dma_start3A_350] : memref<8x40xi32, #tpu.memory_space<vmem>> -> memref<1x40xi32, #tpu.memory_space<vmem>>
    %dma_start3A_352 = tpu.memref_squeeze %dma_start3A_351 : memref<1x40xi32, #tpu.memory_space<vmem>> -> memref<40xi32, #tpu.memory_space<vmem>>
    %dma_start3A_353 = arith.constant 0 : i32
    %dma_start3A_354 = tpu.memref_slice %arg4[%arg1, %dma_start3A_342, %dma_start3A_353] : memref<16x500x40xi32, #tpu.memory_space<hbm>> -> memref<1x1x40xi32, #tpu.memory_space<hbm>>
    %dma_start3A_355 = tpu.memref_squeeze %dma_start3A_354 : memref<1x1x40xi32, #tpu.memory_space<hbm>> -> memref<40xi32, #tpu.memory_space<hbm>>
    tpu.enqueue_dma source(%dma_start3A_355 : memref<40xi32, #tpu.memory_space<hbm>>) target(%dma_start3A_352 : memref<40xi32, #tpu.memory_space<vmem>>) target_semaphore(%arg22 : memref<!tpu.dma_semaphore, #tpu.memory_space<semaphore_mem>>)
    %dma_start3A_356 = arith.constant 4 : i32
    %dma_start3A_357 = arith.constant 4 : i32
    %dma_start3A_358 = arith.constant 0 : i32
    %dma_start3A_359 = tpu.memref_slice %arg6[%dma_start3A_357, %dma_start3A_358] : memref<8x40xi32, #tpu.memory_space<vmem>> -> memref<1x40xi32, #tpu.memory_space<vmem>>
    %dma_start3A_360 = tpu.memref_squeeze %dma_start3A_359 : memref<1x40xi32, #tpu.memory_space<vmem>> -> memref<40xi32, #tpu.memory_space<vmem>>
    %dma_start3A_361 = arith.constant 0 : i32
    %dma_start3A_362 = tpu.memref_slice %arg3[%arg1, %dma_start3A_356, %dma_start3A_361] : memref<16x500x40xi32, #tpu.memory_space<hbm>> -> memref<1x1x40xi32, #tpu.memory_space<hbm>>
    %dma_start3A_363 = tpu.memref_squeeze %dma_start3A_362 : memref<1x1x40xi32, #tpu.memory_space<hbm>> -> memref<40xi32, #tpu.memory_space<hbm>>
    %dma_start3A_364 = arith.constant 0 : i32
    %dma_start3A_365 = tpu.memref_slice %arg6[%dma_start3A_357, %dma_start3A_364] : memref<8x40xi32, #tpu.memory_space<vmem>> -> memref<1x40xi32, #tpu.memory_space<vmem>>
    %dma_start3A_366 = tpu.memref_squeeze %dma_start3A_365 : memref<1x40xi32, #tpu.memory_space<vmem>> -> memref<40xi32, #tpu.memory_space<vmem>>
    %dma_start3A_367 = arith.constant 0 : i32
    %dma_start3A_368 = tpu.memref_slice %arg3[%arg1, %dma_start3A_356, %dma_start3A_367] : memref<16x500x40xi32, #tpu.memory_space<hbm>> -> memref<1x1x40xi32, #tpu.memory_space<hbm>>
    %dma_start3A_369 = tpu.memref_squeeze %dma_start3A_368 : memref<1x1x40xi32, #tpu.memory_space<hbm>> -> memref<40xi32, #tpu.memory_space<hbm>>
    tpu.enqueue_dma source(%dma_start3A_369 : memref<40xi32, #tpu.memory_space<hbm>>) target(%dma_start3A_366 : memref<40xi32, #tpu.memory_space<vmem>>) target_semaphore(%arg15 : memref<!tpu.dma_semaphore, #tpu.memory_space<semaphore_mem>>)
    %dma_start3A_370 = arith.constant 4 : i32
    %dma_start3A_371 = arith.constant 4 : i32
    %dma_start3A_372 = arith.constant 0 : i32
    %dma_start3A_373 = tpu.memref_slice %arg7[%dma_start3A_371, %dma_start3A_372] : memref<8x40xi32, #tpu.memory_space<vmem>> -> memref<1x40xi32, #tpu.memory_space<vmem>>
    %dma_start3A_374 = tpu.memref_squeeze %dma_start3A_373 : memref<1x40xi32, #tpu.memory_space<vmem>> -> memref<40xi32, #tpu.memory_space<vmem>>
    %dma_start3A_375 = arith.constant 0 : i32
    %dma_start3A_376 = tpu.memref_slice %arg4[%arg1, %dma_start3A_370, %dma_start3A_375] : memref<16x500x40xi32, #tpu.memory_space<hbm>> -> memref<1x1x40xi32, #tpu.memory_space<hbm>>
    %dma_start3A_377 = tpu.memref_squeeze %dma_start3A_376 : memref<1x1x40xi32, #tpu.memory_space<hbm>> -> memref<40xi32, #tpu.memory_space<hbm>>
    %dma_start3A_378 = arith.constant 0 : i32
    %dma_start3A_379 = tpu.memref_slice %arg7[%dma_start3A_371, %dma_start3A_378] : memref<8x40xi32, #tpu.memory_space<vmem>> -> memref<1x40xi32, #tpu.memory_space<vmem>>
    %dma_start3A_380 = tpu.memref_squeeze %dma_start3A_379 : memref<1x40xi32, #tpu.memory_space<vmem>> -> memref<40xi32, #tpu.memory_space<vmem>>
    %dma_start3A_381 = arith.constant 0 : i32
    %dma_start3A_382 = tpu.memref_slice %arg4[%arg1, %dma_start3A_370, %dma_start3A_381] : memref<16x500x40xi32, #tpu.memory_space<hbm>> -> memref<1x1x40xi32, #tpu.memory_space<hbm>>
    %dma_start3A_383 = tpu.memref_squeeze %dma_start3A_382 : memref<1x1x40xi32, #tpu.memory_space<hbm>> -> memref<40xi32, #tpu.memory_space<hbm>>
    tpu.enqueue_dma source(%dma_start3A_383 : memref<40xi32, #tpu.memory_space<hbm>>) target(%dma_start3A_380 : memref<40xi32, #tpu.memory_space<vmem>>) target_semaphore(%arg23 : memref<!tpu.dma_semaphore, #tpu.memory_space<semaphore_mem>>)
    %add3A_384 = arith.constant 0 : i32
    %add3A_385 = arith.addi %mul3A_0, %add3A_384 : i32
    %dma_wait3A = arith.constant 0 : i32
    %dma_wait3A_386 = tpu.memref_slice %arg10[%add3A_385, %dma_wait3A] : memref<10240x128xf32, #tpu.memory_space<vmem_shared>> -> memref<16x128xf32, #tpu.memory_space<vmem_shared>>
    %dma_wait3A_387 = arith.constant 0 : i32
    %dma_wait3A_388 = tpu.memref_slice %arg10[%add3A_385, %dma_wait3A_387] : memref<10240x128xf32, #tpu.memory_space<vmem_shared>> -> memref<16x128xf32, #tpu.memory_space<vmem_shared>>
    tpu.wait_dma2 semaphore(%arg31 : memref<!tpu.dma_semaphore, #tpu.memory_space<semaphore_mem>>) src(%arg9 : memref<16x128xf32, #tpu.memory_space<vmem>>) dst(%dma_wait3A_388 : memref<16x128xf32, #tpu.memory_space<vmem_shared>>)
    %add3A_389 = arith.constant 16 : i32
    %add3A_390 = arith.addi %mul3A_0, %add3A_389 : i32
    %dma_wait3A_391 = arith.constant 0 : i32
    %dma_wait3A_392 = tpu.memref_slice %arg10[%add3A_390, %dma_wait3A_391] : memref<10240x128xf32, #tpu.memory_space<vmem_shared>> -> memref<16x128xf32, #tpu.memory_space<vmem_shared>>
    %dma_wait3A_393 = arith.constant 0 : i32
    %dma_wait3A_394 = tpu.memref_slice %arg10[%add3A_390, %dma_wait3A_393] : memref<10240x128xf32, #tpu.memory_space<vmem_shared>> -> memref<16x128xf32, #tpu.memory_space<vmem_shared>>
    tpu.wait_dma2 semaphore(%arg31 : memref<!tpu.dma_semaphore, #tpu.memory_space<semaphore_mem>>) src(%arg9 : memref<16x128xf32, #tpu.memory_space<vmem>>) dst(%dma_wait3A_394 : memref<16x128xf32, #tpu.memory_space<vmem_shared>>)
    %add3A_395 = arith.constant 32 : i32
    %add3A_396 = arith.addi %mul3A_0, %add3A_395 : i32
    %dma_wait3A_397 = arith.constant 0 : i32
    %dma_wait3A_398 = tpu.memref_slice %arg10[%add3A_396, %dma_wait3A_397] : memref<10240x128xf32, #tpu.memory_space<vmem_shared>> -> memref<16x128xf32, #tpu.memory_space<vmem_shared>>
    %dma_wait3A_399 = arith.constant 0 : i32
    %dma_wait3A_400 = tpu.memref_slice %arg10[%add3A_396, %dma_wait3A_399] : memref<10240x128xf32, #tpu.memory_space<vmem_shared>> -> memref<16x128xf32, #tpu.memory_space<vmem_shared>>
    tpu.wait_dma2 semaphore(%arg31 : memref<!tpu.dma_semaphore, #tpu.memory_space<semaphore_mem>>) src(%arg9 : memref<16x128xf32, #tpu.memory_space<vmem>>) dst(%dma_wait3A_400 : memref<16x128xf32, #tpu.memory_space<vmem_shared>>)
    %add3A_401 = arith.constant 48 : i32
    %add3A_402 = arith.addi %mul3A_0, %add3A_401 : i32
    %dma_wait3A_403 = arith.constant 0 : i32
    %dma_wait3A_404 = tpu.memref_slice %arg10[%add3A_402, %dma_wait3A_403] : memref<10240x128xf32, #tpu.memory_space<vmem_shared>> -> memref<16x128xf32, #tpu.memory_space<vmem_shared>>
    %dma_wait3A_405 = arith.constant 0 : i32
    %dma_wait3A_406 = tpu.memref_slice %arg10[%add3A_402, %dma_wait3A_405] : memref<10240x128xf32, #tpu.memory_space<vmem_shared>> -> memref<16x128xf32, #tpu.memory_space<vmem_shared>>
    tpu.wait_dma2 semaphore(%arg31 : memref<!tpu.dma_semaphore, #tpu.memory_space<semaphore_mem>>) src(%arg9 : memref<16x128xf32, #tpu.memory_space<vmem>>) dst(%dma_wait3A_406 : memref<16x128xf32, #tpu.memory_space<vmem_shared>>)
    %add3A_407 = arith.constant 64 : i32
    %add3A_408 = arith.addi %mul3A_0, %add3A_407 : i32
    %dma_wait3A_409 = arith.constant 0 : i32
    %dma_wait3A_410 = tpu.memref_slice %arg10[%add3A_408, %dma_wait3A_409] : memref<10240x128xf32, #tpu.memory_space<vmem_shared>> -> memref<16x128xf32, #tpu.memory_space<vmem_shared>>
    %dma_wait3A_411 = arith.constant 0 : i32
    %dma_wait3A_412 = tpu.memref_slice %arg10[%add3A_408, %dma_wait3A_411] : memref<10240x128xf32, #tpu.memory_space<vmem_shared>> -> memref<16x128xf32, #tpu.memory_space<vmem_shared>>
    tpu.wait_dma2 semaphore(%arg31 : memref<!tpu.dma_semaphore, #tpu.memory_space<semaphore_mem>>) src(%arg9 : memref<16x128xf32, #tpu.memory_space<vmem>>) dst(%dma_wait3A_412 : memref<16x128xf32, #tpu.memory_space<vmem_shared>>)
    %add3A_413 = arith.constant 80 : i32
    %add3A_414 = arith.addi %mul3A_0, %add3A_413 : i32
    %dma_wait3A_415 = arith.constant 0 : i32
    %dma_wait3A_416 = tpu.memref_slice %arg10[%add3A_414, %dma_wait3A_415] : memref<10240x128xf32, #tpu.memory_space<vmem_shared>> -> memref<16x128xf32, #tpu.memory_space<vmem_shared>>
    %dma_wait3A_417 = arith.constant 0 : i32
    %dma_wait3A_418 = tpu.memref_slice %arg10[%add3A_414, %dma_wait3A_417] : memref<10240x128xf32, #tpu.memory_space<vmem_shared>> -> memref<16x128xf32, #tpu.memory_space<vmem_shared>>
    tpu.wait_dma2 semaphore(%arg31 : memref<!tpu.dma_semaphore, #tpu.memory_space<semaphore_mem>>) src(%arg9 : memref<16x128xf32, #tpu.memory_space<vmem>>) dst(%dma_wait3A_418 : memref<16x128xf32, #tpu.memory_space<vmem_shared>>)
    %add3A_419 = arith.constant 96 : i32
    %add3A_420 = arith.addi %mul3A_0, %add3A_419 : i32
    %dma_wait3A_421 = arith.constant 0 : i32
    %dma_wait3A_422 = tpu.memref_slice %arg10[%add3A_420, %dma_wait3A_421] : memref<10240x128xf32, #tpu.memory_space<vmem_shared>> -> memref<16x128xf32, #tpu.memory_space<vmem_shared>>
    %dma_wait3A_423 = arith.constant 0 : i32
    %dma_wait3A_424 = tpu.memref_slice %arg10[%add3A_420, %dma_wait3A_423] : memref<10240x128xf32, #tpu.memory_space<vmem_shared>> -> memref<16x128xf32, #tpu.memory_space<vmem_shared>>
    tpu.wait_dma2 semaphore(%arg31 : memref<!tpu.dma_semaphore, #tpu.memory_space<semaphore_mem>>) src(%arg9 : memref<16x128xf32, #tpu.memory_space<vmem>>) dst(%dma_wait3A_424 : memref<16x128xf32, #tpu.memory_space<vmem_shared>>)
    %add3A_425 = arith.constant 112 : i32
    %add3A_426 = arith.addi %mul3A_0, %add3A_425 : i32
    %dma_wait3A_427 = arith.constant 0 : i32
    %dma_wait3A_428 = tpu.memref_slice %arg10[%add3A_426, %dma_wait3A_427] : memref<10240x128xf32, #tpu.memory_space<vmem_shared>> -> memref<16x128xf32, #tpu.memory_space<vmem_shared>>
    %dma_wait3A_429 = arith.constant 0 : i32
    %dma_wait3A_430 = tpu.memref_slice %arg10[%add3A_426, %dma_wait3A_429] : memref<10240x128xf32, #tpu.memory_space<vmem_shared>> -> memref<16x128xf32, #tpu.memory_space<vmem_shared>>
    tpu.wait_dma2 semaphore(%arg31 : memref<!tpu.dma_semaphore, #tpu.memory_space<semaphore_mem>>) src(%arg9 : memref<16x128xf32, #tpu.memory_space<vmem>>) dst(%dma_wait3A_430 : memref<16x128xf32, #tpu.memory_space<vmem_shared>>)
    %add3A_431 = arith.constant 128 : i32
    %add3A_432 = arith.addi %mul3A_0, %add3A_431 : i32
    %dma_wait3A_433 = arith.constant 0 : i32
    %dma_wait3A_434 = tpu.memref_slice %arg10[%add3A_432, %dma_wait3A_433] : memref<10240x128xf32, #tpu.memory_space<vmem_shared>> -> memref<16x128xf32, #tpu.memory_space<vmem_shared>>
    %dma_wait3A_435 = arith.constant 0 : i32
    %dma_wait3A_436 = tpu.memref_slice %arg10[%add3A_432, %dma_wait3A_435] : memref<10240x128xf32, #tpu.memory_space<vmem_shared>> -> memref<16x128xf32, #tpu.memory_space<vmem_shared>>
    tpu.wait_dma2 semaphore(%arg31 : memref<!tpu.dma_semaphore, #tpu.memory_space<semaphore_mem>>) src(%arg9 : memref<16x128xf32, #tpu.memory_space<vmem>>) dst(%dma_wait3A_436 : memref<16x128xf32, #tpu.memory_space<vmem_shared>>)
    %add3A_437 = arith.constant 144 : i32
    %add3A_438 = arith.addi %mul3A_0, %add3A_437 : i32
    %dma_wait3A_439 = arith.constant 0 : i32
    %dma_wait3A_440 = tpu.memref_slice %arg10[%add3A_438, %dma_wait3A_439] : memref<10240x128xf32, #tpu.memory_space<vmem_shared>> -> memref<16x128xf32, #tpu.memory_space<vmem_shared>>
    %dma_wait3A_441 = arith.constant 0 : i32
    %dma_wait3A_442 = tpu.memref_slice %arg10[%add3A_438, %dma_wait3A_441] : memref<10240x128xf32, #tpu.memory_space<vmem_shared>> -> memref<16x128xf32, #tpu.memory_space<vmem_shared>>
    tpu.wait_dma2 semaphore(%arg31 : memref<!tpu.dma_semaphore, #tpu.memory_space<semaphore_mem>>) src(%arg9 : memref<16x128xf32, #tpu.memory_space<vmem>>) dst(%dma_wait3A_442 : memref<16x128xf32, #tpu.memory_space<vmem_shared>>)
    %add3A_443 = arith.constant 160 : i32
    %add3A_444 = arith.addi %mul3A_0, %add3A_443 : i32
    %dma_wait3A_445 = arith.constant 0 : i32
    %dma_wait3A_446 = tpu.memref_slice %arg10[%add3A_444, %dma_wait3A_445] : memref<10240x128xf32, #tpu.memory_space<vmem_shared>> -> memref<16x128xf32, #tpu.memory_space<vmem_shared>>
    %dma_wait3A_447 = arith.constant 0 : i32
    %dma_wait3A_448 = tpu.memref_slice %arg10[%add3A_444, %dma_wait3A_447] : memref<10240x128xf32, #tpu.memory_space<vmem_shared>> -> memref<16x128xf32, #tpu.memory_space<vmem_shared>>
    tpu.wait_dma2 semaphore(%arg31 : memref<!tpu.dma_semaphore, #tpu.memory_space<semaphore_mem>>) src(%arg9 : memref<16x128xf32, #tpu.memory_space<vmem>>) dst(%dma_wait3A_448 : memref<16x128xf32, #tpu.memory_space<vmem_shared>>)
    %add3A_449 = arith.constant 176 : i32
    %add3A_450 = arith.addi %mul3A_0, %add3A_449 : i32
    %dma_wait3A_451 = arith.constant 0 : i32
    %dma_wait3A_452 = tpu.memref_slice %arg10[%add3A_450, %dma_wait3A_451] : memref<10240x128xf32, #tpu.memory_space<vmem_shared>> -> memref<16x128xf32, #tpu.memory_space<vmem_shared>>
    %dma_wait3A_453 = arith.constant 0 : i32
    %dma_wait3A_454 = tpu.memref_slice %arg10[%add3A_450, %dma_wait3A_453] : memref<10240x128xf32, #tpu.memory_space<vmem_shared>> -> memref<16x128xf32, #tpu.memory_space<vmem_shared>>
    tpu.wait_dma2 semaphore(%arg31 : memref<!tpu.dma_semaphore, #tpu.memory_space<semaphore_mem>>) src(%arg9 : memref<16x128xf32, #tpu.memory_space<vmem>>) dst(%dma_wait3A_454 : memref<16x128xf32, #tpu.memory_space<vmem_shared>>)
    %add3A_455 = arith.constant 192 : i32
    %add3A_456 = arith.addi %mul3A_0, %add3A_455 : i32
    %dma_wait3A_457 = arith.constant 0 : i32
    %dma_wait3A_458 = tpu.memref_slice %arg10[%add3A_456, %dma_wait3A_457] : memref<10240x128xf32, #tpu.memory_space<vmem_shared>> -> memref<16x128xf32, #tpu.memory_space<vmem_shared>>
    %dma_wait3A_459 = arith.constant 0 : i32
    %dma_wait3A_460 = tpu.memref_slice %arg10[%add3A_456, %dma_wait3A_459] : memref<10240x128xf32, #tpu.memory_space<vmem_shared>> -> memref<16x128xf32, #tpu.memory_space<vmem_shared>>
    tpu.wait_dma2 semaphore(%arg31 : memref<!tpu.dma_semaphore, #tpu.memory_space<semaphore_mem>>) src(%arg9 : memref<16x128xf32, #tpu.memory_space<vmem>>) dst(%dma_wait3A_460 : memref<16x128xf32, #tpu.memory_space<vmem_shared>>)
    %add3A_461 = arith.constant 208 : i32
    %add3A_462 = arith.addi %mul3A_0, %add3A_461 : i32
    %dma_wait3A_463 = arith.constant 0 : i32
    %dma_wait3A_464 = tpu.memref_slice %arg10[%add3A_462, %dma_wait3A_463] : memref<10240x128xf32, #tpu.memory_space<vmem_shared>> -> memref<16x128xf32, #tpu.memory_space<vmem_shared>>
    %dma_wait3A_465 = arith.constant 0 : i32
    %dma_wait3A_466 = tpu.memref_slice %arg10[%add3A_462, %dma_wait3A_465] : memref<10240x128xf32, #tpu.memory_space<vmem_shared>> -> memref<16x128xf32, #tpu.memory_space<vmem_shared>>
    tpu.wait_dma2 semaphore(%arg31 : memref<!tpu.dma_semaphore, #tpu.memory_space<semaphore_mem>>) src(%arg9 : memref<16x128xf32, #tpu.memory_space<vmem>>) dst(%dma_wait3A_466 : memref<16x128xf32, #tpu.memory_space<vmem_shared>>)
    %add3A_467 = arith.constant 224 : i32
    %add3A_468 = arith.addi %mul3A_0, %add3A_467 : i32
    %dma_wait3A_469 = arith.constant 0 : i32
    %dma_wait3A_470 = tpu.memref_slice %arg10[%add3A_468, %dma_wait3A_469] : memref<10240x128xf32, #tpu.memory_space<vmem_shared>> -> memref<16x128xf32, #tpu.memory_space<vmem_shared>>
    %dma_wait3A_471 = arith.constant 0 : i32
    %dma_wait3A_472 = tpu.memref_slice %arg10[%add3A_468, %dma_wait3A_471] : memref<10240x128xf32, #tpu.memory_space<vmem_shared>> -> memref<16x128xf32, #tpu.memory_space<vmem_shared>>
    tpu.wait_dma2 semaphore(%arg31 : memref<!tpu.dma_semaphore, #tpu.memory_space<semaphore_mem>>) src(%arg9 : memref<16x128xf32, #tpu.memory_space<vmem>>) dst(%dma_wait3A_472 : memref<16x128xf32, #tpu.memory_space<vmem_shared>>)
    %add3A_473 = arith.constant 240 : i32
    %add3A_474 = arith.addi %mul3A_0, %add3A_473 : i32
    %dma_wait3A_475 = arith.constant 0 : i32
    %dma_wait3A_476 = tpu.memref_slice %arg10[%add3A_474, %dma_wait3A_475] : memref<10240x128xf32, #tpu.memory_space<vmem_shared>> -> memref<16x128xf32, #tpu.memory_space<vmem_shared>>
    %dma_wait3A_477 = arith.constant 0 : i32
    %dma_wait3A_478 = tpu.memref_slice %arg10[%add3A_474, %dma_wait3A_477] : memref<10240x128xf32, #tpu.memory_space<vmem_shared>> -> memref<16x128xf32, #tpu.memory_space<vmem_shared>>
    tpu.wait_dma2 semaphore(%arg31 : memref<!tpu.dma_semaphore, #tpu.memory_space<semaphore_mem>>) src(%arg9 : memref<16x128xf32, #tpu.memory_space<vmem>>) dst(%dma_wait3A_478 : memref<16x128xf32, #tpu.memory_space<vmem_shared>>)
    %add3A_479 = arith.constant 256 : i32
    %add3A_480 = arith.addi %mul3A_0, %add3A_479 : i32
    %dma_wait3A_481 = arith.constant 0 : i32
    %dma_wait3A_482 = tpu.memref_slice %arg10[%add3A_480, %dma_wait3A_481] : memref<10240x128xf32, #tpu.memory_space<vmem_shared>> -> memref<16x128xf32, #tpu.memory_space<vmem_shared>>
    %dma_wait3A_483 = arith.constant 0 : i32
    %dma_wait3A_484 = tpu.memref_slice %arg10[%add3A_480, %dma_wait3A_483] : memref<10240x128xf32, #tpu.memory_space<vmem_shared>> -> memref<16x128xf32, #tpu.memory_space<vmem_shared>>
    tpu.wait_dma2 semaphore(%arg31 : memref<!tpu.dma_semaphore, #tpu.memory_space<semaphore_mem>>) src(%arg9 : memref<16x128xf32, #tpu.memory_space<vmem>>) dst(%dma_wait3A_484 : memref<16x128xf32, #tpu.memory_space<vmem_shared>>)
    %add3A_485 = arith.constant 272 : i32
    %add3A_486 = arith.addi %mul3A_0, %add3A_485 : i32
    %dma_wait3A_487 = arith.constant 0 : i32
    %dma_wait3A_488 = tpu.memref_slice %arg10[%add3A_486, %dma_wait3A_487] : memref<10240x128xf32, #tpu.memory_space<vmem_shared>> -> memref<16x128xf32, #tpu.memory_space<vmem_shared>>
    %dma_wait3A_489 = arith.constant 0 : i32
    %dma_wait3A_490 = tpu.memref_slice %arg10[%add3A_486, %dma_wait3A_489] : memref<10240x128xf32, #tpu.memory_space<vmem_shared>> -> memref<16x128xf32, #tpu.memory_space<vmem_shared>>
    tpu.wait_dma2 semaphore(%arg31 : memref<!tpu.dma_semaphore, #tpu.memory_space<semaphore_mem>>) src(%arg9 : memref<16x128xf32, #tpu.memory_space<vmem>>) dst(%dma_wait3A_490 : memref<16x128xf32, #tpu.memory_space<vmem_shared>>)
    %add3A_491 = arith.constant 288 : i32
    %add3A_492 = arith.addi %mul3A_0, %add3A_491 : i32
    %dma_wait3A_493 = arith.constant 0 : i32
    %dma_wait3A_494 = tpu.memref_slice %arg10[%add3A_492, %dma_wait3A_493] : memref<10240x128xf32, #tpu.memory_space<vmem_shared>> -> memref<16x128xf32, #tpu.memory_space<vmem_shared>>
    %dma_wait3A_495 = arith.constant 0 : i32
    %dma_wait3A_496 = tpu.memref_slice %arg10[%add3A_492, %dma_wait3A_495] : memref<10240x128xf32, #tpu.memory_space<vmem_shared>> -> memref<16x128xf32, #tpu.memory_space<vmem_shared>>
    tpu.wait_dma2 semaphore(%arg31 : memref<!tpu.dma_semaphore, #tpu.memory_space<semaphore_mem>>) src(%arg9 : memref<16x128xf32, #tpu.memory_space<vmem>>) dst(%dma_wait3A_496 : memref<16x128xf32, #tpu.memory_space<vmem_shared>>)
    %add3A_497 = arith.constant 304 : i32
    %add3A_498 = arith.addi %mul3A_0, %add3A_497 : i32
    %dma_wait3A_499 = arith.constant 0 : i32
    %dma_wait3A_500 = tpu.memref_slice %arg10[%add3A_498, %dma_wait3A_499] : memref<10240x128xf32, #tpu.memory_space<vmem_shared>> -> memref<16x128xf32, #tpu.memory_space<vmem_shared>>
    %dma_wait3A_501 = arith.constant 0 : i32
    %dma_wait3A_502 = tpu.memref_slice %arg10[%add3A_498, %dma_wait3A_501] : memref<10240x128xf32, #tpu.memory_space<vmem_shared>> -> memref<16x128xf32, #tpu.memory_space<vmem_shared>>
    tpu.wait_dma2 semaphore(%arg31 : memref<!tpu.dma_semaphore, #tpu.memory_space<semaphore_mem>>) src(%arg9 : memref<16x128xf32, #tpu.memory_space<vmem>>) dst(%dma_wait3A_502 : memref<16x128xf32, #tpu.memory_space<vmem_shared>>)
    %add3A_503 = arith.constant 320 : i32
    %add3A_504 = arith.addi %mul3A_0, %add3A_503 : i32
    %dma_wait3A_505 = arith.constant 0 : i32
    %dma_wait3A_506 = tpu.memref_slice %arg10[%add3A_504, %dma_wait3A_505] : memref<10240x128xf32, #tpu.memory_space<vmem_shared>> -> memref<16x128xf32, #tpu.memory_space<vmem_shared>>
    %dma_wait3A_507 = arith.constant 0 : i32
    %dma_wait3A_508 = tpu.memref_slice %arg10[%add3A_504, %dma_wait3A_507] : memref<10240x128xf32, #tpu.memory_space<vmem_shared>> -> memref<16x128xf32, #tpu.memory_space<vmem_shared>>
    tpu.wait_dma2 semaphore(%arg31 : memref<!tpu.dma_semaphore, #tpu.memory_space<semaphore_mem>>) src(%arg9 : memref<16x128xf32, #tpu.memory_space<vmem>>) dst(%dma_wait3A_508 : memref<16x128xf32, #tpu.memory_space<vmem_shared>>)
    %add3A_509 = arith.constant 336 : i32
    %add3A_510 = arith.addi %mul3A_0, %add3A_509 : i32
    %dma_wait3A_511 = arith.constant 0 : i32
    %dma_wait3A_512 = tpu.memref_slice %arg10[%add3A_510, %dma_wait3A_511] : memref<10240x128xf32, #tpu.memory_space<vmem_shared>> -> memref<16x128xf32, #tpu.memory_space<vmem_shared>>
    %dma_wait3A_513 = arith.constant 0 : i32
    %dma_wait3A_514 = tpu.memref_slice %arg10[%add3A_510, %dma_wait3A_513] : memref<10240x128xf32, #tpu.memory_space<vmem_shared>> -> memref<16x128xf32, #tpu.memory_space<vmem_shared>>
    tpu.wait_dma2 semaphore(%arg31 : memref<!tpu.dma_semaphore, #tpu.memory_space<semaphore_mem>>) src(%arg9 : memref<16x128xf32, #tpu.memory_space<vmem>>) dst(%dma_wait3A_514 : memref<16x128xf32, #tpu.memory_space<vmem_shared>>)
    %add3A_515 = arith.constant 352 : i32
    %add3A_516 = arith.addi %mul3A_0, %add3A_515 : i32
    %dma_wait3A_517 = arith.constant 0 : i32
    %dma_wait3A_518 = tpu.memref_slice %arg10[%add3A_516, %dma_wait3A_517] : memref<10240x128xf32, #tpu.memory_space<vmem_shared>> -> memref<16x128xf32, #tpu.memory_space<vmem_shared>>
    %dma_wait3A_519 = arith.constant 0 : i32
    %dma_wait3A_520 = tpu.memref_slice %arg10[%add3A_516, %dma_wait3A_519] : memref<10240x128xf32, #tpu.memory_space<vmem_shared>> -> memref<16x128xf32, #tpu.memory_space<vmem_shared>>
    tpu.wait_dma2 semaphore(%arg31 : memref<!tpu.dma_semaphore, #tpu.memory_space<semaphore_mem>>) src(%arg9 : memref<16x128xf32, #tpu.memory_space<vmem>>) dst(%dma_wait3A_520 : memref<16x128xf32, #tpu.memory_space<vmem_shared>>)
    %add3A_521 = arith.constant 368 : i32
    %add3A_522 = arith.addi %mul3A_0, %add3A_521 : i32
    %dma_wait3A_523 = arith.constant 0 : i32
    %dma_wait3A_524 = tpu.memref_slice %arg10[%add3A_522, %dma_wait3A_523] : memref<10240x128xf32, #tpu.memory_space<vmem_shared>> -> memref<16x128xf32, #tpu.memory_space<vmem_shared>>
    %dma_wait3A_525 = arith.constant 0 : i32
    %dma_wait3A_526 = tpu.memref_slice %arg10[%add3A_522, %dma_wait3A_525] : memref<10240x128xf32, #tpu.memory_space<vmem_shared>> -> memref<16x128xf32, #tpu.memory_space<vmem_shared>>
    tpu.wait_dma2 semaphore(%arg31 : memref<!tpu.dma_semaphore, #tpu.memory_space<semaphore_mem>>) src(%arg9 : memref<16x128xf32, #tpu.memory_space<vmem>>) dst(%dma_wait3A_526 : memref<16x128xf32, #tpu.memory_space<vmem_shared>>)
    %add3A_527 = arith.constant 384 : i32
    %add3A_528 = arith.addi %mul3A_0, %add3A_527 : i32
    %dma_wait3A_529 = arith.constant 0 : i32
    %dma_wait3A_530 = tpu.memref_slice %arg10[%add3A_528, %dma_wait3A_529] : memref<10240x128xf32, #tpu.memory_space<vmem_shared>> -> memref<16x128xf32, #tpu.memory_space<vmem_shared>>
    %dma_wait3A_531 = arith.constant 0 : i32
    %dma_wait3A_532 = tpu.memref_slice %arg10[%add3A_528, %dma_wait3A_531] : memref<10240x128xf32, #tpu.memory_space<vmem_shared>> -> memref<16x128xf32, #tpu.memory_space<vmem_shared>>
    tpu.wait_dma2 semaphore(%arg31 : memref<!tpu.dma_semaphore, #tpu.memory_space<semaphore_mem>>) src(%arg9 : memref<16x128xf32, #tpu.memory_space<vmem>>) dst(%dma_wait3A_532 : memref<16x128xf32, #tpu.memory_space<vmem_shared>>)
    %add3A_533 = arith.constant 400 : i32
    %add3A_534 = arith.addi %mul3A_0, %add3A_533 : i32
    %dma_wait3A_535 = arith.constant 0 : i32
    %dma_wait3A_536 = tpu.memref_slice %arg10[%add3A_534, %dma_wait3A_535] : memref<10240x128xf32, #tpu.memory_space<vmem_shared>> -> memref<16x128xf32, #tpu.memory_space<vmem_shared>>
    %dma_wait3A_537 = arith.constant 0 : i32
    %dma_wait3A_538 = tpu.memref_slice %arg10[%add3A_534, %dma_wait3A_537] : memref<10240x128xf32, #tpu.memory_space<vmem_shared>> -> memref<16x128xf32, #tpu.memory_space<vmem_shared>>
    tpu.wait_dma2 semaphore(%arg31 : memref<!tpu.dma_semaphore, #tpu.memory_space<semaphore_mem>>) src(%arg9 : memref<16x128xf32, #tpu.memory_space<vmem>>) dst(%dma_wait3A_538 : memref<16x128xf32, #tpu.memory_space<vmem_shared>>)
    %add3A_539 = arith.constant 416 : i32
    %add3A_540 = arith.addi %mul3A_0, %add3A_539 : i32
    %dma_wait3A_541 = arith.constant 0 : i32
    %dma_wait3A_542 = tpu.memref_slice %arg10[%add3A_540, %dma_wait3A_541] : memref<10240x128xf32, #tpu.memory_space<vmem_shared>> -> memref<16x128xf32, #tpu.memory_space<vmem_shared>>
    %dma_wait3A_543 = arith.constant 0 : i32
    %dma_wait3A_544 = tpu.memref_slice %arg10[%add3A_540, %dma_wait3A_543] : memref<10240x128xf32, #tpu.memory_space<vmem_shared>> -> memref<16x128xf32, #tpu.memory_space<vmem_shared>>
    tpu.wait_dma2 semaphore(%arg31 : memref<!tpu.dma_semaphore, #tpu.memory_space<semaphore_mem>>) src(%arg9 : memref<16x128xf32, #tpu.memory_space<vmem>>) dst(%dma_wait3A_544 : memref<16x128xf32, #tpu.memory_space<vmem_shared>>)
    %add3A_545 = arith.constant 432 : i32
    %add3A_546 = arith.addi %mul3A_0, %add3A_545 : i32
    %dma_wait3A_547 = arith.constant 0 : i32
    %dma_wait3A_548 = tpu.memref_slice %arg10[%add3A_546, %dma_wait3A_547] : memref<10240x128xf32, #tpu.memory_space<vmem_shared>> -> memref<16x128xf32, #tpu.memory_space<vmem_shared>>
    %dma_wait3A_549 = arith.constant 0 : i32
    %dma_wait3A_550 = tpu.memref_slice %arg10[%add3A_546, %dma_wait3A_549] : memref<10240x128xf32, #tpu.memory_space<vmem_shared>> -> memref<16x128xf32, #tpu.memory_space<vmem_shared>>
    tpu.wait_dma2 semaphore(%arg31 : memref<!tpu.dma_semaphore, #tpu.memory_space<semaphore_mem>>) src(%arg9 : memref<16x128xf32, #tpu.memory_space<vmem>>) dst(%dma_wait3A_550 : memref<16x128xf32, #tpu.memory_space<vmem_shared>>)
    %add3A_551 = arith.constant 448 : i32
    %add3A_552 = arith.addi %mul3A_0, %add3A_551 : i32
    %dma_wait3A_553 = arith.constant 0 : i32
    %dma_wait3A_554 = tpu.memref_slice %arg10[%add3A_552, %dma_wait3A_553] : memref<10240x128xf32, #tpu.memory_space<vmem_shared>> -> memref<16x128xf32, #tpu.memory_space<vmem_shared>>
    %dma_wait3A_555 = arith.constant 0 : i32
    %dma_wait3A_556 = tpu.memref_slice %arg10[%add3A_552, %dma_wait3A_555] : memref<10240x128xf32, #tpu.memory_space<vmem_shared>> -> memref<16x128xf32, #tpu.memory_space<vmem_shared>>
    tpu.wait_dma2 semaphore(%arg31 : memref<!tpu.dma_semaphore, #tpu.memory_space<semaphore_mem>>) src(%arg9 : memref<16x128xf32, #tpu.memory_space<vmem>>) dst(%dma_wait3A_556 : memref<16x128xf32, #tpu.memory_space<vmem_shared>>)
    %add3A_557 = arith.constant 464 : i32
    %add3A_558 = arith.addi %mul3A_0, %add3A_557 : i32
    %dma_wait3A_559 = arith.constant 0 : i32
    %dma_wait3A_560 = tpu.memref_slice %arg10[%add3A_558, %dma_wait3A_559] : memref<10240x128xf32, #tpu.memory_space<vmem_shared>> -> memref<16x128xf32, #tpu.memory_space<vmem_shared>>
    %dma_wait3A_561 = arith.constant 0 : i32
    %dma_wait3A_562 = tpu.memref_slice %arg10[%add3A_558, %dma_wait3A_561] : memref<10240x128xf32, #tpu.memory_space<vmem_shared>> -> memref<16x128xf32, #tpu.memory_space<vmem_shared>>
    tpu.wait_dma2 semaphore(%arg31 : memref<!tpu.dma_semaphore, #tpu.memory_space<semaphore_mem>>) src(%arg9 : memref<16x128xf32, #tpu.memory_space<vmem>>) dst(%dma_wait3A_562 : memref<16x128xf32, #tpu.memory_space<vmem_shared>>)
    %add3A_563 = arith.constant 480 : i32
    %add3A_564 = arith.addi %mul3A_0, %add3A_563 : i32
    %dma_wait3A_565 = arith.constant 0 : i32
    %dma_wait3A_566 = tpu.memref_slice %arg10[%add3A_564, %dma_wait3A_565] : memref<10240x128xf32, #tpu.memory_space<vmem_shared>> -> memref<16x128xf32, #tpu.memory_space<vmem_shared>>
    %dma_wait3A_567 = arith.constant 0 : i32
    %dma_wait3A_568 = tpu.memref_slice %arg10[%add3A_564, %dma_wait3A_567] : memref<10240x128xf32, #tpu.memory_space<vmem_shared>> -> memref<16x128xf32, #tpu.memory_space<vmem_shared>>
    tpu.wait_dma2 semaphore(%arg31 : memref<!tpu.dma_semaphore, #tpu.memory_space<semaphore_mem>>) src(%arg9 : memref<16x128xf32, #tpu.memory_space<vmem>>) dst(%dma_wait3A_568 : memref<16x128xf32, #tpu.memory_space<vmem_shared>>)
    %add3A_569 = arith.constant 496 : i32
    %add3A_570 = arith.addi %mul3A_0, %add3A_569 : i32
    %dma_wait3A_571 = arith.constant 0 : i32
    %dma_wait3A_572 = tpu.memref_slice %arg10[%add3A_570, %dma_wait3A_571] : memref<10240x128xf32, #tpu.memory_space<vmem_shared>> -> memref<16x128xf32, #tpu.memory_space<vmem_shared>>
    %dma_wait3A_573 = arith.constant 0 : i32
    %dma_wait3A_574 = tpu.memref_slice %arg10[%add3A_570, %dma_wait3A_573] : memref<10240x128xf32, #tpu.memory_space<vmem_shared>> -> memref<16x128xf32, #tpu.memory_space<vmem_shared>>
    tpu.wait_dma2 semaphore(%arg31 : memref<!tpu.dma_semaphore, #tpu.memory_space<semaphore_mem>>) src(%arg9 : memref<16x128xf32, #tpu.memory_space<vmem>>) dst(%dma_wait3A_574 : memref<16x128xf32, #tpu.memory_space<vmem_shared>>)
    %add3A_575 = arith.constant 512 : i32
    %add3A_576 = arith.addi %mul3A_0, %add3A_575 : i32
    %dma_wait3A_577 = arith.constant 0 : i32
    %dma_wait3A_578 = tpu.memref_slice %arg10[%add3A_576, %dma_wait3A_577] : memref<10240x128xf32, #tpu.memory_space<vmem_shared>> -> memref<16x128xf32, #tpu.memory_space<vmem_shared>>
    %dma_wait3A_579 = arith.constant 0 : i32
    %dma_wait3A_580 = tpu.memref_slice %arg10[%add3A_576, %dma_wait3A_579] : memref<10240x128xf32, #tpu.memory_space<vmem_shared>> -> memref<16x128xf32, #tpu.memory_space<vmem_shared>>
    tpu.wait_dma2 semaphore(%arg31 : memref<!tpu.dma_semaphore, #tpu.memory_space<semaphore_mem>>) src(%arg9 : memref<16x128xf32, #tpu.memory_space<vmem>>) dst(%dma_wait3A_580 : memref<16x128xf32, #tpu.memory_space<vmem_shared>>)
    %add3A_581 = arith.constant 528 : i32
    %add3A_582 = arith.addi %mul3A_0, %add3A_581 : i32
    %dma_wait3A_583 = arith.constant 0 : i32
    %dma_wait3A_584 = tpu.memref_slice %arg10[%add3A_582, %dma_wait3A_583] : memref<10240x128xf32, #tpu.memory_space<vmem_shared>> -> memref<16x128xf32, #tpu.memory_space<vmem_shared>>
    %dma_wait3A_585 = arith.constant 0 : i32
    %dma_wait3A_586 = tpu.memref_slice %arg10[%add3A_582, %dma_wait3A_585] : memref<10240x128xf32, #tpu.memory_space<vmem_shared>> -> memref<16x128xf32, #tpu.memory_space<vmem_shared>>
    tpu.wait_dma2 semaphore(%arg31 : memref<!tpu.dma_semaphore, #tpu.memory_space<semaphore_mem>>) src(%arg9 : memref<16x128xf32, #tpu.memory_space<vmem>>) dst(%dma_wait3A_586 : memref<16x128xf32, #tpu.memory_space<vmem_shared>>)
    %add3A_587 = arith.constant 544 : i32
    %add3A_588 = arith.addi %mul3A_0, %add3A_587 : i32
    %dma_wait3A_589 = arith.constant 0 : i32
    %dma_wait3A_590 = tpu.memref_slice %arg10[%add3A_588, %dma_wait3A_589] : memref<10240x128xf32, #tpu.memory_space<vmem_shared>> -> memref<16x128xf32, #tpu.memory_space<vmem_shared>>
    %dma_wait3A_591 = arith.constant 0 : i32
    %dma_wait3A_592 = tpu.memref_slice %arg10[%add3A_588, %dma_wait3A_591] : memref<10240x128xf32, #tpu.memory_space<vmem_shared>> -> memref<16x128xf32, #tpu.memory_space<vmem_shared>>
    tpu.wait_dma2 semaphore(%arg31 : memref<!tpu.dma_semaphore, #tpu.memory_space<semaphore_mem>>) src(%arg9 : memref<16x128xf32, #tpu.memory_space<vmem>>) dst(%dma_wait3A_592 : memref<16x128xf32, #tpu.memory_space<vmem_shared>>)
    %add3A_593 = arith.constant 560 : i32
    %add3A_594 = arith.addi %mul3A_0, %add3A_593 : i32
    %dma_wait3A_595 = arith.constant 0 : i32
    %dma_wait3A_596 = tpu.memref_slice %arg10[%add3A_594, %dma_wait3A_595] : memref<10240x128xf32, #tpu.memory_space<vmem_shared>> -> memref<16x128xf32, #tpu.memory_space<vmem_shared>>
    %dma_wait3A_597 = arith.constant 0 : i32
    %dma_wait3A_598 = tpu.memref_slice %arg10[%add3A_594, %dma_wait3A_597] : memref<10240x128xf32, #tpu.memory_space<vmem_shared>> -> memref<16x128xf32, #tpu.memory_space<vmem_shared>>
    tpu.wait_dma2 semaphore(%arg31 : memref<!tpu.dma_semaphore, #tpu.memory_space<semaphore_mem>>) src(%arg9 : memref<16x128xf32, #tpu.memory_space<vmem>>) dst(%dma_wait3A_598 : memref<16x128xf32, #tpu.memory_space<vmem_shared>>)
    %add3A_599 = arith.constant 576 : i32
    %add3A_600 = arith.addi %mul3A_0, %add3A_599 : i32
    %dma_wait3A_601 = arith.constant 0 : i32
    %dma_wait3A_602 = tpu.memref_slice %arg10[%add3A_600, %dma_wait3A_601] : memref<10240x128xf32, #tpu.memory_space<vmem_shared>> -> memref<16x128xf32, #tpu.memory_space<vmem_shared>>
    %dma_wait3A_603 = arith.constant 0 : i32
    %dma_wait3A_604 = tpu.memref_slice %arg10[%add3A_600, %dma_wait3A_603] : memref<10240x128xf32, #tpu.memory_space<vmem_shared>> -> memref<16x128xf32, #tpu.memory_space<vmem_shared>>
    tpu.wait_dma2 semaphore(%arg31 : memref<!tpu.dma_semaphore, #tpu.memory_space<semaphore_mem>>) src(%arg9 : memref<16x128xf32, #tpu.memory_space<vmem>>) dst(%dma_wait3A_604 : memref<16x128xf32, #tpu.memory_space<vmem_shared>>)
    %add3A_605 = arith.constant 592 : i32
    %add3A_606 = arith.addi %mul3A_0, %add3A_605 : i32
    %dma_wait3A_607 = arith.constant 0 : i32
    %dma_wait3A_608 = tpu.memref_slice %arg10[%add3A_606, %dma_wait3A_607] : memref<10240x128xf32, #tpu.memory_space<vmem_shared>> -> memref<16x128xf32, #tpu.memory_space<vmem_shared>>
    %dma_wait3A_609 = arith.constant 0 : i32
    %dma_wait3A_610 = tpu.memref_slice %arg10[%add3A_606, %dma_wait3A_609] : memref<10240x128xf32, #tpu.memory_space<vmem_shared>> -> memref<16x128xf32, #tpu.memory_space<vmem_shared>>
    tpu.wait_dma2 semaphore(%arg31 : memref<!tpu.dma_semaphore, #tpu.memory_space<semaphore_mem>>) src(%arg9 : memref<16x128xf32, #tpu.memory_space<vmem>>) dst(%dma_wait3A_610 : memref<16x128xf32, #tpu.memory_space<vmem_shared>>)
    %add3A_611 = arith.constant 608 : i32
    %add3A_612 = arith.addi %mul3A_0, %add3A_611 : i32
    %dma_wait3A_613 = arith.constant 0 : i32
    %dma_wait3A_614 = tpu.memref_slice %arg10[%add3A_612, %dma_wait3A_613] : memref<10240x128xf32, #tpu.memory_space<vmem_shared>> -> memref<16x128xf32, #tpu.memory_space<vmem_shared>>
    %dma_wait3A_615 = arith.constant 0 : i32
    %dma_wait3A_616 = tpu.memref_slice %arg10[%add3A_612, %dma_wait3A_615] : memref<10240x128xf32, #tpu.memory_space<vmem_shared>> -> memref<16x128xf32, #tpu.memory_space<vmem_shared>>
    tpu.wait_dma2 semaphore(%arg31 : memref<!tpu.dma_semaphore, #tpu.memory_space<semaphore_mem>>) src(%arg9 : memref<16x128xf32, #tpu.memory_space<vmem>>) dst(%dma_wait3A_616 : memref<16x128xf32, #tpu.memory_space<vmem_shared>>)
    %add3A_617 = arith.constant 624 : i32
    %add3A_618 = arith.addi %mul3A_0, %add3A_617 : i32
    %dma_wait3A_619 = arith.constant 0 : i32
    %dma_wait3A_620 = tpu.memref_slice %arg10[%add3A_618, %dma_wait3A_619] : memref<10240x128xf32, #tpu.memory_space<vmem_shared>> -> memref<16x128xf32, #tpu.memory_space<vmem_shared>>
    %dma_wait3A_621 = arith.constant 0 : i32
    %dma_wait3A_622 = tpu.memref_slice %arg10[%add3A_618, %dma_wait3A_621] : memref<10240x128xf32, #tpu.memory_space<vmem_shared>> -> memref<16x128xf32, #tpu.memory_space<vmem_shared>>
    tpu.wait_dma2 semaphore(%arg31 : memref<!tpu.dma_semaphore, #tpu.memory_space<semaphore_mem>>) src(%arg9 : memref<16x128xf32, #tpu.memory_space<vmem>>) dst(%dma_wait3A_622 : memref<16x128xf32, #tpu.memory_space<vmem_shared>>)
    %barrier3A = arith.constant 0 : index
    tpu.barrier barrier_id(%barrier3A)
    %scan3A_623 = arith.constant 0 : i32
    %scan3A_624 = arith.constant 0 : i32
    %scan3A_625 = arith.constant 63 : i32
    %scan3A_626 = arith.addi %scan3A_624, %scan3A_625 : i32
    %scan3A_627 = arith.constant 1 : i32
    scf.for %scan3A_636 = %scan3A_624 to %scan3A_626 step %scan3A_627  : i32 {
      %mul3A_637 = arith.constant 8 : i32
      %mul3A_638 = arith.muli %scan3A_636, %mul3A_637 : i32
      %add3A_639 = arith.constant 0 : i32
      %add3A_640 = arith.addi %mul3A_638, %add3A_639 : i32
      %lt3A_641 = arith.constant 500 : i32
      %lt3A_642 = arith.cmpi slt, %add3A_640, %lt3A_641 : i32
      %convert_element_type3A_643 = arith.extui %lt3A_642 : i1 to i32
      %cond3A_644 = arith.constant 0 : i32
      %cond3A_645 = arith.cmpi ne, %convert_element_type3A_643, %cond3A_644 : i32
      scf.if %cond3A_645 {
        %dma_wait3A_858 = arith.constant 0 : i32
        %dma_wait3A_859 = arith.constant 0 : i32
        %dma_wait3A_860 = tpu.memref_slice %arg7[%dma_wait3A_858, %dma_wait3A_859] : memref<8x40xi32, #tpu.memory_space<vmem>> -> memref<1x40xi32, #tpu.memory_space<vmem>>
        %dma_wait3A_861 = tpu.memref_squeeze %dma_wait3A_860 : memref<1x40xi32, #tpu.memory_space<vmem>> -> memref<40xi32, #tpu.memory_space<vmem>>
        %dma_wait3A_862 = arith.constant 0 : i32
        %dma_wait3A_863 = tpu.memref_slice %arg4[%arg1, %add3A_640, %dma_wait3A_862] : memref<16x500x40xi32, #tpu.memory_space<hbm>> -> memref<1x1x40xi32, #tpu.memory_space<hbm>>
        %dma_wait3A_864 = tpu.memref_squeeze %dma_wait3A_863 : memref<1x1x40xi32, #tpu.memory_space<hbm>> -> memref<40xi32, #tpu.memory_space<hbm>>
        %dma_wait3A_865 = arith.constant 0 : i32
        %dma_wait3A_866 = tpu.memref_slice %arg7[%dma_wait3A_858, %dma_wait3A_865] : memref<8x40xi32, #tpu.memory_space<vmem>> -> memref<1x40xi32, #tpu.memory_space<vmem>>
        %dma_wait3A_867 = tpu.memref_squeeze %dma_wait3A_866 : memref<1x40xi32, #tpu.memory_space<vmem>> -> memref<40xi32, #tpu.memory_space<vmem>>
        %dma_wait3A_868 = arith.constant 0 : i32
        %dma_wait3A_869 = tpu.memref_slice %arg4[%arg1, %add3A_640, %dma_wait3A_868] : memref<16x500x40xi32, #tpu.memory_space<hbm>> -> memref<1x1x40xi32, #tpu.memory_space<hbm>>
        %dma_wait3A_870 = tpu.memref_squeeze %dma_wait3A_869 : memref<1x1x40xi32, #tpu.memory_space<hbm>> -> memref<40xi32, #tpu.memory_space<hbm>>
        tpu.wait_dma2 semaphore(%arg19 : memref<!tpu.dma_semaphore, #tpu.memory_space<semaphore_mem>>) src(%dma_wait3A_870 : memref<40xi32, #tpu.memory_space<hbm>>) dst(%dma_wait3A_867 : memref<40xi32, #tpu.memory_space<vmem>>)
        %dma_start3A_871 = arith.constant 0 : i32
        %dma_start3A_872 = arith.constant 0 : i32
        %dma_start3A_873 = arith.constant 0 : i32
        %dma_start3A_874 = arith.constant 0 : i32
        %dma_start3A_875 = tpu.memref_slice %arg8[%dma_start3A_872, %dma_start3A_873, %dma_start3A_874] : memref<4x40x128xf32, #tpu.memory_space<vmem>> -> memref<1x40x128xf32, #tpu.memory_space<vmem>>
        %dma_start3A_876 = tpu.memref_squeeze %dma_start3A_875 : memref<1x40x128xf32, #tpu.memory_space<vmem>> -> memref<40x128xf32, #tpu.memory_space<vmem>>
        %dma_start3A_877 = arith.constant 0 : i32
        %dma_start3A_878 = tpu.memref_slice %arg7[%dma_start3A_871, %dma_start3A_877] : memref<8x40xi32, #tpu.memory_space<vmem>> -> memref<1x40xi32, #tpu.memory_space<vmem>>
        %dma_start3A_879 = tpu.memref_squeeze %dma_start3A_878 : memref<1x40xi32, #tpu.memory_space<vmem>> -> memref<40xi32, #tpu.memory_space<vmem>>
        %dma_start3A_880 = arith.constant 0 : i32
        %dma_start3A_881 = arith.constant 0 : i32
        %dma_start3A_882 = tpu.memref_slice %arg2[%dma_start3A_880, %dma_start3A_881] : memref<10000x128xf32, #tpu.memory_space<hbm>> -> memref<10000x128xf32, #tpu.memory_space<hbm>>
        tpu.enqueue_indirect_dma source(%dma_start3A_882 : memref<10000x128xf32, #tpu.memory_space<hbm>>) target(%dma_start3A_876 : memref<40x128xf32, #tpu.memory_space<vmem>>) offsets(%dma_start3A_879 : memref<40xi32, #tpu.memory_space<vmem>>) semaphore(%arg27 : memref<!tpu.dma_semaphore, #tpu.memory_space<semaphore_mem>>)
      } else {
      }
      %sub3A = arith.constant 3 : i32
      %sub3A_646 = arith.subi %add3A_640, %sub3A : i32
      %ge3A = arith.constant 0 : i32
      %ge3A_647 = arith.cmpi sge, %sub3A_646, %ge3A : i32
      %lt3A_648 = arith.constant 500 : i32
      %lt3A_649 = arith.cmpi slt, %sub3A_646, %lt3A_648 : i32
      %and3A = arith.andi %ge3A_647, %lt3A_649 : i1
      %convert_element_type3A_650 = arith.extui %and3A : i1 to i32
      %cond3A_651 = arith.constant 0 : i32
      %cond3A_652 = arith.cmpi ne, %convert_element_type3A_650, %cond3A_651 : i32
      scf.if %cond3A_652 {
        %dma_wait3A_858 = arith.constant 5 : i32
        %dma_wait3A_859 = arith.constant 1 : i32
        %dma_wait3A_860 = arith.constant 0 : i32
        %dma_wait3A_861 = arith.constant 0 : i32
        %dma_wait3A_862 = tpu.memref_slice %arg8[%dma_wait3A_859, %dma_wait3A_860, %dma_wait3A_861] : memref<4x40x128xf32, #tpu.memory_space<vmem>> -> memref<1x40x128xf32, #tpu.memory_space<vmem>>
        %dma_wait3A_863 = tpu.memref_squeeze %dma_wait3A_862 : memref<1x40x128xf32, #tpu.memory_space<vmem>> -> memref<40x128xf32, #tpu.memory_space<vmem>>
        %dma_wait3A_864 = arith.constant 0 : i32
        %dma_wait3A_865 = tpu.memref_slice %arg7[%dma_wait3A_858, %dma_wait3A_864] : memref<8x40xi32, #tpu.memory_space<vmem>> -> memref<1x40xi32, #tpu.memory_space<vmem>>
        %dma_wait3A_866 = tpu.memref_squeeze %dma_wait3A_865 : memref<1x40xi32, #tpu.memory_space<vmem>> -> memref<40xi32, #tpu.memory_space<vmem>>
        %dma_wait3A_867 = arith.constant 0 : i32
        %dma_wait3A_868 = arith.constant 0 : i32
        %dma_wait3A_869 = tpu.memref_slice %arg2[%dma_wait3A_867, %dma_wait3A_868] : memref<10000x128xf32, #tpu.memory_space<hbm>> -> memref<10000x128xf32, #tpu.memory_space<hbm>>
        tpu.wait_indirect_dma semaphore(%arg28 : memref<!tpu.dma_semaphore, #tpu.memory_space<semaphore_mem>>) src(%dma_wait3A_869 : memref<10000x128xf32, #tpu.memory_space<hbm>>) dst(%dma_wait3A_863 : memref<40x128xf32, #tpu.memory_space<vmem>>)
        %dma_wait3A_870 = arith.constant 5 : i32
        %dma_wait3A_871 = arith.constant 0 : i32
        %dma_wait3A_872 = tpu.memref_slice %arg6[%dma_wait3A_870, %dma_wait3A_871] : memref<8x40xi32, #tpu.memory_space<vmem>> -> memref<1x40xi32, #tpu.memory_space<vmem>>
        %dma_wait3A_873 = tpu.memref_squeeze %dma_wait3A_872 : memref<1x40xi32, #tpu.memory_space<vmem>> -> memref<40xi32, #tpu.memory_space<vmem>>
        %dma_wait3A_874 = arith.constant 0 : i32
        %dma_wait3A_875 = tpu.memref_slice %arg3[%arg1, %sub3A_646, %dma_wait3A_874] : memref<16x500x40xi32, #tpu.memory_space<hbm>> -> memref<1x1x40xi32, #tpu.memory_space<hbm>>
        %dma_wait3A_876 = tpu.memref_squeeze %dma_wait3A_875 : memref<1x1x40xi32, #tpu.memory_space<hbm>> -> memref<40xi32, #tpu.memory_space<hbm>>
        %dma_wait3A_877 = arith.constant 0 : i32
        %dma_wait3A_878 = tpu.memref_slice %arg6[%dma_wait3A_870, %dma_wait3A_877] : memref<8x40xi32, #tpu.memory_space<vmem>> -> memref<1x40xi32, #tpu.memory_space<vmem>>
        %dma_wait3A_879 = tpu.memref_squeeze %dma_wait3A_878 : memref<1x40xi32, #tpu.memory_space<vmem>> -> memref<40xi32, #tpu.memory_space<vmem>>
        %dma_wait3A_880 = arith.constant 0 : i32
        %dma_wait3A_881 = tpu.memref_slice %arg3[%arg1, %sub3A_646, %dma_wait3A_880] : memref<16x500x40xi32, #tpu.memory_space<hbm>> -> memref<1x1x40xi32, #tpu.memory_space<hbm>>
        %dma_wait3A_882 = tpu.memref_squeeze %dma_wait3A_881 : memref<1x1x40xi32, #tpu.memory_space<hbm>> -> memref<40xi32, #tpu.memory_space<hbm>>
        tpu.wait_dma2 semaphore(%arg16 : memref<!tpu.dma_semaphore, #tpu.memory_space<semaphore_mem>>) src(%dma_wait3A_882 : memref<40xi32, #tpu.memory_space<hbm>>) dst(%dma_wait3A_879 : memref<40xi32, #tpu.memory_space<vmem>>)
        %run_scoped3A = arith.constant 1 : i32
        %run_scoped3A_883 = arith.constant 5 : i32
        "tpu.region"() ({
          %run_scoped3A_884 = tpu.sem_alloc : memref<!tpu.dma_semaphore, #tpu.memory_space<semaphore_mem>>
          %dma_start3A_885 = arith.constant 0 : i32
          %dma_start3A_886 = arith.constant 0 : i32
          %dma_start3A_887 = tpu.memref_slice %arg8[%run_scoped3A, %dma_start3A_885, %dma_start3A_886] : memref<4x40x128xf32, #tpu.memory_space<vmem>> -> memref<1x40x128xf32, #tpu.memory_space<vmem>>
          %dma_start3A_888 = tpu.memref_squeeze %dma_start3A_887 : memref<1x40x128xf32, #tpu.memory_space<vmem>> -> memref<40x128xf32, #tpu.memory_space<vmem>>
          %dma_start3A_889 = arith.constant 0 : i32
          %dma_start3A_890 = tpu.memref_slice %arg6[%run_scoped3A_883, %dma_start3A_889] : memref<8x40xi32, #tpu.memory_space<vmem>> -> memref<1x40xi32, #tpu.memory_space<vmem>>
          %dma_start3A_891 = tpu.memref_squeeze %dma_start3A_890 : memref<1x40xi32, #tpu.memory_space<vmem>> -> memref<40xi32, #tpu.memory_space<vmem>>
          %dma_start3A_892 = arith.constant 0 : i32
          %dma_start3A_893 = arith.constant 0 : i32
          %dma_start3A_894 = tpu.memref_slice %arg10[%dma_start3A_892, %dma_start3A_893] : memref<10240x128xf32, #tpu.memory_space<vmem_shared>> -> memref<10240x128xf32, #tpu.memory_space<vmem_shared>>
          tpu.enqueue_indirect_dma source(%dma_start3A_888 : memref<40x128xf32, #tpu.memory_space<vmem>>) target(%dma_start3A_894 : memref<10240x128xf32, #tpu.memory_space<vmem_shared>>) offsets(%dma_start3A_891 : memref<40xi32, #tpu.memory_space<vmem>>) semaphore(%run_scoped3A_884 : memref<!tpu.dma_semaphore, #tpu.memory_space<semaphore_mem>>) {add = true}
          %dma_wait3A_895 = arith.constant 0 : i32
          %dma_wait3A_896 = arith.constant 0 : i32
          %dma_wait3A_897 = tpu.memref_slice %arg8[%run_scoped3A, %dma_wait3A_895, %dma_wait3A_896] : memref<4x40x128xf32, #tpu.memory_space<vmem>> -> memref<1x40x128xf32, #tpu.memory_space<vmem>>
          %dma_wait3A_898 = tpu.memref_squeeze %dma_wait3A_897 : memref<1x40x128xf32, #tpu.memory_space<vmem>> -> memref<40x128xf32, #tpu.memory_space<vmem>>
          %dma_wait3A_899 = arith.constant 0 : i32
          %dma_wait3A_900 = tpu.memref_slice %arg6[%run_scoped3A_883, %dma_wait3A_899] : memref<8x40xi32, #tpu.memory_space<vmem>> -> memref<1x40xi32, #tpu.memory_space<vmem>>
          %dma_wait3A_901 = tpu.memref_squeeze %dma_wait3A_900 : memref<1x40xi32, #tpu.memory_space<vmem>> -> memref<40xi32, #tpu.memory_space<vmem>>
          %dma_wait3A_902 = arith.constant 0 : i32
          %dma_wait3A_903 = arith.constant 0 : i32
          %dma_wait3A_904 = tpu.memref_slice %arg10[%dma_wait3A_902, %dma_wait3A_903] : memref<10240x128xf32, #tpu.memory_space<vmem_shared>> -> memref<10240x128xf32, #tpu.memory_space<vmem_shared>>
          tpu.wait_indirect_dma semaphore(%run_scoped3A_884 : memref<!tpu.dma_semaphore, #tpu.memory_space<semaphore_mem>>) src(%dma_wait3A_898 : memref<40x128xf32, #tpu.memory_space<vmem>>) dst(%dma_wait3A_904 : memref<10240x128xf32, #tpu.memory_space<vmem_shared>>)
          tpu.yield
        }) : () -> ()
      } else {
      }
      %add3A_653 = arith.constant 8 : i32
      %add3A_654 = arith.addi %add3A_640, %add3A_653 : i32
      %sub3A_655 = arith.constant 3 : i32
      %sub3A_656 = arith.subi %add3A_654, %sub3A_655 : i32
      %lt3A_657 = arith.constant 500 : i32
      %lt3A_658 = arith.cmpi slt, %sub3A_656, %lt3A_657 : i32
      %convert_element_type3A_659 = arith.extui %lt3A_658 : i1 to i32
      %cond3A_660 = arith.constant 0 : i32
      %cond3A_661 = arith.cmpi ne, %convert_element_type3A_659, %cond3A_660 : i32
      scf.if %cond3A_661 {
        %dma_start3A_858 = arith.constant 5 : i32
        %dma_start3A_859 = arith.constant 0 : i32
        %dma_start3A_860 = tpu.memref_slice %arg6[%dma_start3A_858, %dma_start3A_859] : memref<8x40xi32, #tpu.memory_space<vmem>> -> memref<1x40xi32, #tpu.memory_space<vmem>>
        %dma_start3A_861 = tpu.memref_squeeze %dma_start3A_860 : memref<1x40xi32, #tpu.memory_space<vmem>> -> memref<40xi32, #tpu.memory_space<vmem>>
        %dma_start3A_862 = arith.constant 0 : i32
        %dma_start3A_863 = tpu.memref_slice %arg3[%arg1, %sub3A_656, %dma_start3A_862] : memref<16x500x40xi32, #tpu.memory_space<hbm>> -> memref<1x1x40xi32, #tpu.memory_space<hbm>>
        %dma_start3A_864 = tpu.memref_squeeze %dma_start3A_863 : memref<1x1x40xi32, #tpu.memory_space<hbm>> -> memref<40xi32, #tpu.memory_space<hbm>>
        %dma_start3A_865 = arith.constant 0 : i32
        %dma_start3A_866 = tpu.memref_slice %arg6[%dma_start3A_858, %dma_start3A_865] : memref<8x40xi32, #tpu.memory_space<vmem>> -> memref<1x40xi32, #tpu.memory_space<vmem>>
        %dma_start3A_867 = tpu.memref_squeeze %dma_start3A_866 : memref<1x40xi32, #tpu.memory_space<vmem>> -> memref<40xi32, #tpu.memory_space<vmem>>
        %dma_start3A_868 = arith.constant 0 : i32
        %dma_start3A_869 = tpu.memref_slice %arg3[%arg1, %sub3A_656, %dma_start3A_868] : memref<16x500x40xi32, #tpu.memory_space<hbm>> -> memref<1x1x40xi32, #tpu.memory_space<hbm>>
        %dma_start3A_870 = tpu.memref_squeeze %dma_start3A_869 : memref<1x1x40xi32, #tpu.memory_space<hbm>> -> memref<40xi32, #tpu.memory_space<hbm>>
        tpu.enqueue_dma source(%dma_start3A_870 : memref<40xi32, #tpu.memory_space<hbm>>) target(%dma_start3A_867 : memref<40xi32, #tpu.memory_space<vmem>>) target_semaphore(%arg16 : memref<!tpu.dma_semaphore, #tpu.memory_space<semaphore_mem>>)
        %dma_start3A_871 = arith.constant 5 : i32
        %dma_start3A_872 = arith.constant 0 : i32
        %dma_start3A_873 = tpu.memref_slice %arg7[%dma_start3A_871, %dma_start3A_872] : memref<8x40xi32, #tpu.memory_space<vmem>> -> memref<1x40xi32, #tpu.memory_space<vmem>>
        %dma_start3A_874 = tpu.memref_squeeze %dma_start3A_873 : memref<1x40xi32, #tpu.memory_space<vmem>> -> memref<40xi32, #tpu.memory_space<vmem>>
        %dma_start3A_875 = arith.constant 0 : i32
        %dma_start3A_876 = tpu.memref_slice %arg4[%arg1, %sub3A_656, %dma_start3A_875] : memref<16x500x40xi32, #tpu.memory_space<hbm>> -> memref<1x1x40xi32, #tpu.memory_space<hbm>>
        %dma_start3A_877 = tpu.memref_squeeze %dma_start3A_876 : memref<1x1x40xi32, #tpu.memory_space<hbm>> -> memref<40xi32, #tpu.memory_space<hbm>>
        %dma_start3A_878 = arith.constant 0 : i32
        %dma_start3A_879 = tpu.memref_slice %arg7[%dma_start3A_871, %dma_start3A_878] : memref<8x40xi32, #tpu.memory_space<vmem>> -> memref<1x40xi32, #tpu.memory_space<vmem>>
        %dma_start3A_880 = tpu.memref_squeeze %dma_start3A_879 : memref<1x40xi32, #tpu.memory_space<vmem>> -> memref<40xi32, #tpu.memory_space<vmem>>
        %dma_start3A_881 = arith.constant 0 : i32
        %dma_start3A_882 = tpu.memref_slice %arg4[%arg1, %sub3A_656, %dma_start3A_881] : memref<16x500x40xi32, #tpu.memory_space<hbm>> -> memref<1x1x40xi32, #tpu.memory_space<hbm>>
        %dma_start3A_883 = tpu.memref_squeeze %dma_start3A_882 : memref<1x1x40xi32, #tpu.memory_space<hbm>> -> memref<40xi32, #tpu.memory_space<hbm>>
        tpu.enqueue_dma source(%dma_start3A_883 : memref<40xi32, #tpu.memory_space<hbm>>) target(%dma_start3A_880 : memref<40xi32, #tpu.memory_space<vmem>>) target_semaphore(%arg24 : memref<!tpu.dma_semaphore, #tpu.memory_space<semaphore_mem>>)
      } else {
      }
      %mul3A_662 = arith.constant 8 : i32
      %mul3A_663 = arith.muli %scan3A_636, %mul3A_662 : i32
      %add3A_664 = arith.constant 1 : i32
      %add3A_665 = arith.addi %mul3A_663, %add3A_664 : i32
      %lt3A_666 = arith.constant 500 : i32
      %lt3A_667 = arith.cmpi slt, %add3A_665, %lt3A_666 : i32
      %convert_element_type3A_668 = arith.extui %lt3A_667 : i1 to i32
      %cond3A_669 = arith.constant 0 : i32
      %cond3A_670 = arith.cmpi ne, %convert_element_type3A_668, %cond3A_669 : i32
      scf.if %cond3A_670 {
        %dma_wait3A_858 = arith.constant 1 : i32
        %dma_wait3A_859 = arith.constant 0 : i32
        %dma_wait3A_860 = tpu.memref_slice %arg7[%dma_wait3A_858, %dma_wait3A_859] : memref<8x40xi32, #tpu.memory_space<vmem>> -> memref<1x40xi32, #tpu.memory_space<vmem>>
        %dma_wait3A_861 = tpu.memref_squeeze %dma_wait3A_860 : memref<1x40xi32, #tpu.memory_space<vmem>> -> memref<40xi32, #tpu.memory_space<vmem>>
        %dma_wait3A_862 = arith.constant 0 : i32
        %dma_wait3A_863 = tpu.memref_slice %arg4[%arg1, %add3A_665, %dma_wait3A_862] : memref<16x500x40xi32, #tpu.memory_space<hbm>> -> memref<1x1x40xi32, #tpu.memory_space<hbm>>
        %dma_wait3A_864 = tpu.memref_squeeze %dma_wait3A_863 : memref<1x1x40xi32, #tpu.memory_space<hbm>> -> memref<40xi32, #tpu.memory_space<hbm>>
        %dma_wait3A_865 = arith.constant 0 : i32
        %dma_wait3A_866 = tpu.memref_slice %arg7[%dma_wait3A_858, %dma_wait3A_865] : memref<8x40xi32, #tpu.memory_space<vmem>> -> memref<1x40xi32, #tpu.memory_space<vmem>>
        %dma_wait3A_867 = tpu.memref_squeeze %dma_wait3A_866 : memref<1x40xi32, #tpu.memory_space<vmem>> -> memref<40xi32, #tpu.memory_space<vmem>>
        %dma_wait3A_868 = arith.constant 0 : i32
        %dma_wait3A_869 = tpu.memref_slice %arg4[%arg1, %add3A_665, %dma_wait3A_868] : memref<16x500x40xi32, #tpu.memory_space<hbm>> -> memref<1x1x40xi32, #tpu.memory_space<hbm>>
        %dma_wait3A_870 = tpu.memref_squeeze %dma_wait3A_869 : memref<1x1x40xi32, #tpu.memory_space<hbm>> -> memref<40xi32, #tpu.memory_space<hbm>>
        tpu.wait_dma2 semaphore(%arg20 : memref<!tpu.dma_semaphore, #tpu.memory_space<semaphore_mem>>) src(%dma_wait3A_870 : memref<40xi32, #tpu.memory_space<hbm>>) dst(%dma_wait3A_867 : memref<40xi32, #tpu.memory_space<vmem>>)
        %dma_start3A_871 = arith.constant 1 : i32
        %dma_start3A_872 = arith.constant 1 : i32
        %dma_start3A_873 = arith.constant 0 : i32
        %dma_start3A_874 = arith.constant 0 : i32
        %dma_start3A_875 = tpu.memref_slice %arg8[%dma_start3A_872, %dma_start3A_873, %dma_start3A_874] : memref<4x40x128xf32, #tpu.memory_space<vmem>> -> memref<1x40x128xf32, #tpu.memory_space<vmem>>
        %dma_start3A_876 = tpu.memref_squeeze %dma_start3A_875 : memref<1x40x128xf32, #tpu.memory_space<vmem>> -> memref<40x128xf32, #tpu.memory_space<vmem>>
        %dma_start3A_877 = arith.constant 0 : i32
        %dma_start3A_878 = tpu.memref_slice %arg7[%dma_start3A_871, %dma_start3A_877] : memref<8x40xi32, #tpu.memory_space<vmem>> -> memref<1x40xi32, #tpu.memory_space<vmem>>
        %dma_start3A_879 = tpu.memref_squeeze %dma_start3A_878 : memref<1x40xi32, #tpu.memory_space<vmem>> -> memref<40xi32, #tpu.memory_space<vmem>>
        %dma_start3A_880 = arith.constant 0 : i32
        %dma_start3A_881 = arith.constant 0 : i32
        %dma_start3A_882 = tpu.memref_slice %arg2[%dma_start3A_880, %dma_start3A_881] : memref<10000x128xf32, #tpu.memory_space<hbm>> -> memref<10000x128xf32, #tpu.memory_space<hbm>>
        tpu.enqueue_indirect_dma source(%dma_start3A_882 : memref<10000x128xf32, #tpu.memory_space<hbm>>) target(%dma_start3A_876 : memref<40x128xf32, #tpu.memory_space<vmem>>) offsets(%dma_start3A_879 : memref<40xi32, #tpu.memory_space<vmem>>) semaphore(%arg28 : memref<!tpu.dma_semaphore, #tpu.memory_space<semaphore_mem>>)
      } else {
      }
      %sub3A_671 = arith.constant 3 : i32
      %sub3A_672 = arith.subi %add3A_665, %sub3A_671 : i32
      %ge3A_673 = arith.constant 0 : i32
      %ge3A_674 = arith.cmpi sge, %sub3A_672, %ge3A_673 : i32
      %lt3A_675 = arith.constant 500 : i32
      %lt3A_676 = arith.cmpi slt, %sub3A_672, %lt3A_675 : i32
      %and3A_677 = arith.andi %ge3A_674, %lt3A_676 : i1
      %convert_element_type3A_678 = arith.extui %and3A_677 : i1 to i32
      %cond3A_679 = arith.constant 0 : i32
      %cond3A_680 = arith.cmpi ne, %convert_element_type3A_678, %cond3A_679 : i32
      scf.if %cond3A_680 {
        %dma_wait3A_858 = arith.constant 6 : i32
        %dma_wait3A_859 = arith.constant 2 : i32
        %dma_wait3A_860 = arith.constant 0 : i32
        %dma_wait3A_861 = arith.constant 0 : i32
        %dma_wait3A_862 = tpu.memref_slice %arg8[%dma_wait3A_859, %dma_wait3A_860, %dma_wait3A_861] : memref<4x40x128xf32, #tpu.memory_space<vmem>> -> memref<1x40x128xf32, #tpu.memory_space<vmem>>
        %dma_wait3A_863 = tpu.memref_squeeze %dma_wait3A_862 : memref<1x40x128xf32, #tpu.memory_space<vmem>> -> memref<40x128xf32, #tpu.memory_space<vmem>>
        %dma_wait3A_864 = arith.constant 0 : i32
        %dma_wait3A_865 = tpu.memref_slice %arg7[%dma_wait3A_858, %dma_wait3A_864] : memref<8x40xi32, #tpu.memory_space<vmem>> -> memref<1x40xi32, #tpu.memory_space<vmem>>
        %dma_wait3A_866 = tpu.memref_squeeze %dma_wait3A_865 : memref<1x40xi32, #tpu.memory_space<vmem>> -> memref<40xi32, #tpu.memory_space<vmem>>
        %dma_wait3A_867 = arith.constant 0 : i32
        %dma_wait3A_868 = arith.constant 0 : i32
        %dma_wait3A_869 = tpu.memref_slice %arg2[%dma_wait3A_867, %dma_wait3A_868] : memref<10000x128xf32, #tpu.memory_space<hbm>> -> memref<10000x128xf32, #tpu.memory_space<hbm>>
        tpu.wait_indirect_dma semaphore(%arg29 : memref<!tpu.dma_semaphore, #tpu.memory_space<semaphore_mem>>) src(%dma_wait3A_869 : memref<10000x128xf32, #tpu.memory_space<hbm>>) dst(%dma_wait3A_863 : memref<40x128xf32, #tpu.memory_space<vmem>>)
        %dma_wait3A_870 = arith.constant 6 : i32
        %dma_wait3A_871 = arith.constant 0 : i32
        %dma_wait3A_872 = tpu.memref_slice %arg6[%dma_wait3A_870, %dma_wait3A_871] : memref<8x40xi32, #tpu.memory_space<vmem>> -> memref<1x40xi32, #tpu.memory_space<vmem>>
        %dma_wait3A_873 = tpu.memref_squeeze %dma_wait3A_872 : memref<1x40xi32, #tpu.memory_space<vmem>> -> memref<40xi32, #tpu.memory_space<vmem>>
        %dma_wait3A_874 = arith.constant 0 : i32
        %dma_wait3A_875 = tpu.memref_slice %arg3[%arg1, %sub3A_672, %dma_wait3A_874] : memref<16x500x40xi32, #tpu.memory_space<hbm>> -> memref<1x1x40xi32, #tpu.memory_space<hbm>>
        %dma_wait3A_876 = tpu.memref_squeeze %dma_wait3A_875 : memref<1x1x40xi32, #tpu.memory_space<hbm>> -> memref<40xi32, #tpu.memory_space<hbm>>
        %dma_wait3A_877 = arith.constant 0 : i32
        %dma_wait3A_878 = tpu.memref_slice %arg6[%dma_wait3A_870, %dma_wait3A_877] : memref<8x40xi32, #tpu.memory_space<vmem>> -> memref<1x40xi32, #tpu.memory_space<vmem>>
        %dma_wait3A_879 = tpu.memref_squeeze %dma_wait3A_878 : memref<1x40xi32, #tpu.memory_space<vmem>> -> memref<40xi32, #tpu.memory_space<vmem>>
        %dma_wait3A_880 = arith.constant 0 : i32
        %dma_wait3A_881 = tpu.memref_slice %arg3[%arg1, %sub3A_672, %dma_wait3A_880] : memref<16x500x40xi32, #tpu.memory_space<hbm>> -> memref<1x1x40xi32, #tpu.memory_space<hbm>>
        %dma_wait3A_882 = tpu.memref_squeeze %dma_wait3A_881 : memref<1x1x40xi32, #tpu.memory_space<hbm>> -> memref<40xi32, #tpu.memory_space<hbm>>
        tpu.wait_dma2 semaphore(%arg17 : memref<!tpu.dma_semaphore, #tpu.memory_space<semaphore_mem>>) src(%dma_wait3A_882 : memref<40xi32, #tpu.memory_space<hbm>>) dst(%dma_wait3A_879 : memref<40xi32, #tpu.memory_space<vmem>>)
        %run_scoped3A = arith.constant 2 : i32
        %run_scoped3A_883 = arith.constant 6 : i32
        "tpu.region"() ({
          %run_scoped3A_884 = tpu.sem_alloc : memref<!tpu.dma_semaphore, #tpu.memory_space<semaphore_mem>>
          %dma_start3A_885 = arith.constant 0 : i32
          %dma_start3A_886 = arith.constant 0 : i32
          %dma_start3A_887 = tpu.memref_slice %arg8[%run_scoped3A, %dma_start3A_885, %dma_start3A_886] : memref<4x40x128xf32, #tpu.memory_space<vmem>> -> memref<1x40x128xf32, #tpu.memory_space<vmem>>
          %dma_start3A_888 = tpu.memref_squeeze %dma_start3A_887 : memref<1x40x128xf32, #tpu.memory_space<vmem>> -> memref<40x128xf32, #tpu.memory_space<vmem>>
          %dma_start3A_889 = arith.constant 0 : i32
          %dma_start3A_890 = tpu.memref_slice %arg6[%run_scoped3A_883, %dma_start3A_889] : memref<8x40xi32, #tpu.memory_space<vmem>> -> memref<1x40xi32, #tpu.memory_space<vmem>>
          %dma_start3A_891 = tpu.memref_squeeze %dma_start3A_890 : memref<1x40xi32, #tpu.memory_space<vmem>> -> memref<40xi32, #tpu.memory_space<vmem>>
          %dma_start3A_892 = arith.constant 0 : i32
          %dma_start3A_893 = arith.constant 0 : i32
          %dma_start3A_894 = tpu.memref_slice %arg10[%dma_start3A_892, %dma_start3A_893] : memref<10240x128xf32, #tpu.memory_space<vmem_shared>> -> memref<10240x128xf32, #tpu.memory_space<vmem_shared>>
          tpu.enqueue_indirect_dma source(%dma_start3A_888 : memref<40x128xf32, #tpu.memory_space<vmem>>) target(%dma_start3A_894 : memref<10240x128xf32, #tpu.memory_space<vmem_shared>>) offsets(%dma_start3A_891 : memref<40xi32, #tpu.memory_space<vmem>>) semaphore(%run_scoped3A_884 : memref<!tpu.dma_semaphore, #tpu.memory_space<semaphore_mem>>) {add = true}
          %dma_wait3A_895 = arith.constant 0 : i32
          %dma_wait3A_896 = arith.constant 0 : i32
          %dma_wait3A_897 = tpu.memref_slice %arg8[%run_scoped3A, %dma_wait3A_895, %dma_wait3A_896] : memref<4x40x128xf32, #tpu.memory_space<vmem>> -> memref<1x40x128xf32, #tpu.memory_space<vmem>>
          %dma_wait3A_898 = tpu.memref_squeeze %dma_wait3A_897 : memref<1x40x128xf32, #tpu.memory_space<vmem>> -> memref<40x128xf32, #tpu.memory_space<vmem>>
          %dma_wait3A_899 = arith.constant 0 : i32
          %dma_wait3A_900 = tpu.memref_slice %arg6[%run_scoped3A_883, %dma_wait3A_899] : memref<8x40xi32, #tpu.memory_space<vmem>> -> memref<1x40xi32, #tpu.memory_space<vmem>>
          %dma_wait3A_901 = tpu.memref_squeeze %dma_wait3A_900 : memref<1x40xi32, #tpu.memory_space<vmem>> -> memref<40xi32, #tpu.memory_space<vmem>>
          %dma_wait3A_902 = arith.constant 0 : i32
          %dma_wait3A_903 = arith.constant 0 : i32
          %dma_wait3A_904 = tpu.memref_slice %arg10[%dma_wait3A_902, %dma_wait3A_903] : memref<10240x128xf32, #tpu.memory_space<vmem_shared>> -> memref<10240x128xf32, #tpu.memory_space<vmem_shared>>
          tpu.wait_indirect_dma semaphore(%run_scoped3A_884 : memref<!tpu.dma_semaphore, #tpu.memory_space<semaphore_mem>>) src(%dma_wait3A_898 : memref<40x128xf32, #tpu.memory_space<vmem>>) dst(%dma_wait3A_904 : memref<10240x128xf32, #tpu.memory_space<vmem_shared>>)
          tpu.yield
        }) : () -> ()
      } else {
      }
      %add3A_681 = arith.constant 8 : i32
      %add3A_682 = arith.addi %add3A_665, %add3A_681 : i32
      %sub3A_683 = arith.constant 3 : i32
      %sub3A_684 = arith.subi %add3A_682, %sub3A_683 : i32
      %lt3A_685 = arith.constant 500 : i32
      %lt3A_686 = arith.cmpi slt, %sub3A_684, %lt3A_685 : i32
      %convert_element_type3A_687 = arith.extui %lt3A_686 : i1 to i32
      %cond3A_688 = arith.constant 0 : i32
      %cond3A_689 = arith.cmpi ne, %convert_element_type3A_687, %cond3A_688 : i32
      scf.if %cond3A_689 {
        %dma_start3A_858 = arith.constant 6 : i32
        %dma_start3A_859 = arith.constant 0 : i32
        %dma_start3A_860 = tpu.memref_slice %arg6[%dma_start3A_858, %dma_start3A_859] : memref<8x40xi32, #tpu.memory_space<vmem>> -> memref<1x40xi32, #tpu.memory_space<vmem>>
        %dma_start3A_861 = tpu.memref_squeeze %dma_start3A_860 : memref<1x40xi32, #tpu.memory_space<vmem>> -> memref<40xi32, #tpu.memory_space<vmem>>
        %dma_start3A_862 = arith.constant 0 : i32
        %dma_start3A_863 = tpu.memref_slice %arg3[%arg1, %sub3A_684, %dma_start3A_862] : memref<16x500x40xi32, #tpu.memory_space<hbm>> -> memref<1x1x40xi32, #tpu.memory_space<hbm>>
        %dma_start3A_864 = tpu.memref_squeeze %dma_start3A_863 : memref<1x1x40xi32, #tpu.memory_space<hbm>> -> memref<40xi32, #tpu.memory_space<hbm>>
        %dma_start3A_865 = arith.constant 0 : i32
        %dma_start3A_866 = tpu.memref_slice %arg6[%dma_start3A_858, %dma_start3A_865] : memref<8x40xi32, #tpu.memory_space<vmem>> -> memref<1x40xi32, #tpu.memory_space<vmem>>
        %dma_start3A_867 = tpu.memref_squeeze %dma_start3A_866 : memref<1x40xi32, #tpu.memory_space<vmem>> -> memref<40xi32, #tpu.memory_space<vmem>>
        %dma_start3A_868 = arith.constant 0 : i32
        %dma_start3A_869 = tpu.memref_slice %arg3[%arg1, %sub3A_684, %dma_start3A_868] : memref<16x500x40xi32, #tpu.memory_space<hbm>> -> memref<1x1x40xi32, #tpu.memory_space<hbm>>
        %dma_start3A_870 = tpu.memref_squeeze %dma_start3A_869 : memref<1x1x40xi32, #tpu.memory_space<hbm>> -> memref<40xi32, #tpu.memory_space<hbm>>
        tpu.enqueue_dma source(%dma_start3A_870 : memref<40xi32, #tpu.memory_space<hbm>>) target(%dma_start3A_867 : memref<40xi32, #tpu.memory_space<vmem>>) target_semaphore(%arg17 : memref<!tpu.dma_semaphore, #tpu.memory_space<semaphore_mem>>)
        %dma_start3A_871 = arith.constant 6 : i32
        %dma_start3A_872 = arith.constant 0 : i32
        %dma_start3A_873 = tpu.memref_slice %arg7[%dma_start3A_871, %dma_start3A_872] : memref<8x40xi32, #tpu.memory_space<vmem>> -> memref<1x40xi32, #tpu.memory_space<vmem>>
        %dma_start3A_874 = tpu.memref_squeeze %dma_start3A_873 : memref<1x40xi32, #tpu.memory_space<vmem>> -> memref<40xi32, #tpu.memory_space<vmem>>
        %dma_start3A_875 = arith.constant 0 : i32
        %dma_start3A_876 = tpu.memref_slice %arg4[%arg1, %sub3A_684, %dma_start3A_875] : memref<16x500x40xi32, #tpu.memory_space<hbm>> -> memref<1x1x40xi32, #tpu.memory_space<hbm>>
        %dma_start3A_877 = tpu.memref_squeeze %dma_start3A_876 : memref<1x1x40xi32, #tpu.memory_space<hbm>> -> memref<40xi32, #tpu.memory_space<hbm>>
        %dma_start3A_878 = arith.constant 0 : i32
        %dma_start3A_879 = tpu.memref_slice %arg7[%dma_start3A_871, %dma_start3A_878] : memref<8x40xi32, #tpu.memory_space<vmem>> -> memref<1x40xi32, #tpu.memory_space<vmem>>
        %dma_start3A_880 = tpu.memref_squeeze %dma_start3A_879 : memref<1x40xi32, #tpu.memory_space<vmem>> -> memref<40xi32, #tpu.memory_space<vmem>>
        %dma_start3A_881 = arith.constant 0 : i32
        %dma_start3A_882 = tpu.memref_slice %arg4[%arg1, %sub3A_684, %dma_start3A_881] : memref<16x500x40xi32, #tpu.memory_space<hbm>> -> memref<1x1x40xi32, #tpu.memory_space<hbm>>
        %dma_start3A_883 = tpu.memref_squeeze %dma_start3A_882 : memref<1x1x40xi32, #tpu.memory_space<hbm>> -> memref<40xi32, #tpu.memory_space<hbm>>
        tpu.enqueue_dma source(%dma_start3A_883 : memref<40xi32, #tpu.memory_space<hbm>>) target(%dma_start3A_880 : memref<40xi32, #tpu.memory_space<vmem>>) target_semaphore(%arg25 : memref<!tpu.dma_semaphore, #tpu.memory_space<semaphore_mem>>)
      } else {
      }
      %mul3A_690 = arith.constant 8 : i32
      %mul3A_691 = arith.muli %scan3A_636, %mul3A_690 : i32
      %add3A_692 = arith.constant 2 : i32
      %add3A_693 = arith.addi %mul3A_691, %add3A_692 : i32
      %lt3A_694 = arith.constant 500 : i32
      %lt3A_695 = arith.cmpi slt, %add3A_693, %lt3A_694 : i32
      %convert_element_type3A_696 = arith.extui %lt3A_695 : i1 to i32
      %cond3A_697 = arith.constant 0 : i32
      %cond3A_698 = arith.cmpi ne, %convert_element_type3A_696, %cond3A_697 : i32
      scf.if %cond3A_698 {
        %dma_wait3A_858 = arith.constant 2 : i32
        %dma_wait3A_859 = arith.constant 0 : i32
        %dma_wait3A_860 = tpu.memref_slice %arg7[%dma_wait3A_858, %dma_wait3A_859] : memref<8x40xi32, #tpu.memory_space<vmem>> -> memref<1x40xi32, #tpu.memory_space<vmem>>
        %dma_wait3A_861 = tpu.memref_squeeze %dma_wait3A_860 : memref<1x40xi32, #tpu.memory_space<vmem>> -> memref<40xi32, #tpu.memory_space<vmem>>
        %dma_wait3A_862 = arith.constant 0 : i32
        %dma_wait3A_863 = tpu.memref_slice %arg4[%arg1, %add3A_693, %dma_wait3A_862] : memref<16x500x40xi32, #tpu.memory_space<hbm>> -> memref<1x1x40xi32, #tpu.memory_space<hbm>>
        %dma_wait3A_864 = tpu.memref_squeeze %dma_wait3A_863 : memref<1x1x40xi32, #tpu.memory_space<hbm>> -> memref<40xi32, #tpu.memory_space<hbm>>
        %dma_wait3A_865 = arith.constant 0 : i32
        %dma_wait3A_866 = tpu.memref_slice %arg7[%dma_wait3A_858, %dma_wait3A_865] : memref<8x40xi32, #tpu.memory_space<vmem>> -> memref<1x40xi32, #tpu.memory_space<vmem>>
        %dma_wait3A_867 = tpu.memref_squeeze %dma_wait3A_866 : memref<1x40xi32, #tpu.memory_space<vmem>> -> memref<40xi32, #tpu.memory_space<vmem>>
        %dma_wait3A_868 = arith.constant 0 : i32
        %dma_wait3A_869 = tpu.memref_slice %arg4[%arg1, %add3A_693, %dma_wait3A_868] : memref<16x500x40xi32, #tpu.memory_space<hbm>> -> memref<1x1x40xi32, #tpu.memory_space<hbm>>
        %dma_wait3A_870 = tpu.memref_squeeze %dma_wait3A_869 : memref<1x1x40xi32, #tpu.memory_space<hbm>> -> memref<40xi32, #tpu.memory_space<hbm>>
        tpu.wait_dma2 semaphore(%arg21 : memref<!tpu.dma_semaphore, #tpu.memory_space<semaphore_mem>>) src(%dma_wait3A_870 : memref<40xi32, #tpu.memory_space<hbm>>) dst(%dma_wait3A_867 : memref<40xi32, #tpu.memory_space<vmem>>)
        %dma_start3A_871 = arith.constant 2 : i32
        %dma_start3A_872 = arith.constant 2 : i32
        %dma_start3A_873 = arith.constant 0 : i32
        %dma_start3A_874 = arith.constant 0 : i32
        %dma_start3A_875 = tpu.memref_slice %arg8[%dma_start3A_872, %dma_start3A_873, %dma_start3A_874] : memref<4x40x128xf32, #tpu.memory_space<vmem>> -> memref<1x40x128xf32, #tpu.memory_space<vmem>>
        %dma_start3A_876 = tpu.memref_squeeze %dma_start3A_875 : memref<1x40x128xf32, #tpu.memory_space<vmem>> -> memref<40x128xf32, #tpu.memory_space<vmem>>
        %dma_start3A_877 = arith.constant 0 : i32
        %dma_start3A_878 = tpu.memref_slice %arg7[%dma_start3A_871, %dma_start3A_877] : memref<8x40xi32, #tpu.memory_space<vmem>> -> memref<1x40xi32, #tpu.memory_space<vmem>>
        %dma_start3A_879 = tpu.memref_squeeze %dma_start3A_878 : memref<1x40xi32, #tpu.memory_space<vmem>> -> memref<40xi32, #tpu.memory_space<vmem>>
        %dma_start3A_880 = arith.constant 0 : i32
        %dma_start3A_881 = arith.constant 0 : i32
        %dma_start3A_882 = tpu.memref_slice %arg2[%dma_start3A_880, %dma_start3A_881] : memref<10000x128xf32, #tpu.memory_space<hbm>> -> memref<10000x128xf32, #tpu.memory_space<hbm>>
        tpu.enqueue_indirect_dma source(%dma_start3A_882 : memref<10000x128xf32, #tpu.memory_space<hbm>>) target(%dma_start3A_876 : memref<40x128xf32, #tpu.memory_space<vmem>>) offsets(%dma_start3A_879 : memref<40xi32, #tpu.memory_space<vmem>>) semaphore(%arg29 : memref<!tpu.dma_semaphore, #tpu.memory_space<semaphore_mem>>)
      } else {
      }
      %sub3A_699 = arith.constant 3 : i32
      %sub3A_700 = arith.subi %add3A_693, %sub3A_699 : i32
      %ge3A_701 = arith.constant 0 : i32
      %ge3A_702 = arith.cmpi sge, %sub3A_700, %ge3A_701 : i32
      %lt3A_703 = arith.constant 500 : i32
      %lt3A_704 = arith.cmpi slt, %sub3A_700, %lt3A_703 : i32
      %and3A_705 = arith.andi %ge3A_702, %lt3A_704 : i1
      %convert_element_type3A_706 = arith.extui %and3A_705 : i1 to i32
      %cond3A_707 = arith.constant 0 : i32
      %cond3A_708 = arith.cmpi ne, %convert_element_type3A_706, %cond3A_707 : i32
      scf.if %cond3A_708 {
        %dma_wait3A_858 = arith.constant 7 : i32
        %dma_wait3A_859 = arith.constant 3 : i32
        %dma_wait3A_860 = arith.constant 0 : i32
        %dma_wait3A_861 = arith.constant 0 : i32
        %dma_wait3A_862 = tpu.memref_slice %arg8[%dma_wait3A_859, %dma_wait3A_860, %dma_wait3A_861] : memref<4x40x128xf32, #tpu.memory_space<vmem>> -> memref<1x40x128xf32, #tpu.memory_space<vmem>>
        %dma_wait3A_863 = tpu.memref_squeeze %dma_wait3A_862 : memref<1x40x128xf32, #tpu.memory_space<vmem>> -> memref<40x128xf32, #tpu.memory_space<vmem>>
        %dma_wait3A_864 = arith.constant 0 : i32
        %dma_wait3A_865 = tpu.memref_slice %arg7[%dma_wait3A_858, %dma_wait3A_864] : memref<8x40xi32, #tpu.memory_space<vmem>> -> memref<1x40xi32, #tpu.memory_space<vmem>>
        %dma_wait3A_866 = tpu.memref_squeeze %dma_wait3A_865 : memref<1x40xi32, #tpu.memory_space<vmem>> -> memref<40xi32, #tpu.memory_space<vmem>>
        %dma_wait3A_867 = arith.constant 0 : i32
        %dma_wait3A_868 = arith.constant 0 : i32
        %dma_wait3A_869 = tpu.memref_slice %arg2[%dma_wait3A_867, %dma_wait3A_868] : memref<10000x128xf32, #tpu.memory_space<hbm>> -> memref<10000x128xf32, #tpu.memory_space<hbm>>
        tpu.wait_indirect_dma semaphore(%arg30 : memref<!tpu.dma_semaphore, #tpu.memory_space<semaphore_mem>>) src(%dma_wait3A_869 : memref<10000x128xf32, #tpu.memory_space<hbm>>) dst(%dma_wait3A_863 : memref<40x128xf32, #tpu.memory_space<vmem>>)
        %dma_wait3A_870 = arith.constant 7 : i32
        %dma_wait3A_871 = arith.constant 0 : i32
        %dma_wait3A_872 = tpu.memref_slice %arg6[%dma_wait3A_870, %dma_wait3A_871] : memref<8x40xi32, #tpu.memory_space<vmem>> -> memref<1x40xi32, #tpu.memory_space<vmem>>
        %dma_wait3A_873 = tpu.memref_squeeze %dma_wait3A_872 : memref<1x40xi32, #tpu.memory_space<vmem>> -> memref<40xi32, #tpu.memory_space<vmem>>
        %dma_wait3A_874 = arith.constant 0 : i32
        %dma_wait3A_875 = tpu.memref_slice %arg3[%arg1, %sub3A_700, %dma_wait3A_874] : memref<16x500x40xi32, #tpu.memory_space<hbm>> -> memref<1x1x40xi32, #tpu.memory_space<hbm>>
        %dma_wait3A_876 = tpu.memref_squeeze %dma_wait3A_875 : memref<1x1x40xi32, #tpu.memory_space<hbm>> -> memref<40xi32, #tpu.memory_space<hbm>>
        %dma_wait3A_877 = arith.constant 0 : i32
        %dma_wait3A_878 = tpu.memref_slice %arg6[%dma_wait3A_870, %dma_wait3A_877] : memref<8x40xi32, #tpu.memory_space<vmem>> -> memref<1x40xi32, #tpu.memory_space<vmem>>
        %dma_wait3A_879 = tpu.memref_squeeze %dma_wait3A_878 : memref<1x40xi32, #tpu.memory_space<vmem>> -> memref<40xi32, #tpu.memory_space<vmem>>
        %dma_wait3A_880 = arith.constant 0 : i32
        %dma_wait3A_881 = tpu.memref_slice %arg3[%arg1, %sub3A_700, %dma_wait3A_880] : memref<16x500x40xi32, #tpu.memory_space<hbm>> -> memref<1x1x40xi32, #tpu.memory_space<hbm>>
        %dma_wait3A_882 = tpu.memref_squeeze %dma_wait3A_881 : memref<1x1x40xi32, #tpu.memory_space<hbm>> -> memref<40xi32, #tpu.memory_space<hbm>>
        tpu.wait_dma2 semaphore(%arg18 : memref<!tpu.dma_semaphore, #tpu.memory_space<semaphore_mem>>) src(%dma_wait3A_882 : memref<40xi32, #tpu.memory_space<hbm>>) dst(%dma_wait3A_879 : memref<40xi32, #tpu.memory_space<vmem>>)
        %run_scoped3A = arith.constant 3 : i32
        %run_scoped3A_883 = arith.constant 7 : i32
        "tpu.region"() ({
          %run_scoped3A_884 = tpu.sem_alloc : memref<!tpu.dma_semaphore, #tpu.memory_space<semaphore_mem>>
          %dma_start3A_885 = arith.constant 0 : i32
          %dma_start3A_886 = arith.constant 0 : i32
          %dma_start3A_887 = tpu.memref_slice %arg8[%run_scoped3A, %dma_start3A_885, %dma_start3A_886] : memref<4x40x128xf32, #tpu.memory_space<vmem>> -> memref<1x40x128xf32, #tpu.memory_space<vmem>>
          %dma_start3A_888 = tpu.memref_squeeze %dma_start3A_887 : memref<1x40x128xf32, #tpu.memory_space<vmem>> -> memref<40x128xf32, #tpu.memory_space<vmem>>
          %dma_start3A_889 = arith.constant 0 : i32
          %dma_start3A_890 = tpu.memref_slice %arg6[%run_scoped3A_883, %dma_start3A_889] : memref<8x40xi32, #tpu.memory_space<vmem>> -> memref<1x40xi32, #tpu.memory_space<vmem>>
          %dma_start3A_891 = tpu.memref_squeeze %dma_start3A_890 : memref<1x40xi32, #tpu.memory_space<vmem>> -> memref<40xi32, #tpu.memory_space<vmem>>
          %dma_start3A_892 = arith.constant 0 : i32
          %dma_start3A_893 = arith.constant 0 : i32
          %dma_start3A_894 = tpu.memref_slice %arg10[%dma_start3A_892, %dma_start3A_893] : memref<10240x128xf32, #tpu.memory_space<vmem_shared>> -> memref<10240x128xf32, #tpu.memory_space<vmem_shared>>
          tpu.enqueue_indirect_dma source(%dma_start3A_888 : memref<40x128xf32, #tpu.memory_space<vmem>>) target(%dma_start3A_894 : memref<10240x128xf32, #tpu.memory_space<vmem_shared>>) offsets(%dma_start3A_891 : memref<40xi32, #tpu.memory_space<vmem>>) semaphore(%run_scoped3A_884 : memref<!tpu.dma_semaphore, #tpu.memory_space<semaphore_mem>>) {add = true}
          %dma_wait3A_895 = arith.constant 0 : i32
          %dma_wait3A_896 = arith.constant 0 : i32
          %dma_wait3A_897 = tpu.memref_slice %arg8[%run_scoped3A, %dma_wait3A_895, %dma_wait3A_896] : memref<4x40x128xf32, #tpu.memory_space<vmem>> -> memref<1x40x128xf32, #tpu.memory_space<vmem>>
          %dma_wait3A_898 = tpu.memref_squeeze %dma_wait3A_897 : memref<1x40x128xf32, #tpu.memory_space<vmem>> -> memref<40x128xf32, #tpu.memory_space<vmem>>
          %dma_wait3A_899 = arith.constant 0 : i32
          %dma_wait3A_900 = tpu.memref_slice %arg6[%run_scoped3A_883, %dma_wait3A_899] : memref<8x40xi32, #tpu.memory_space<vmem>> -> memref<1x40xi32, #tpu.memory_space<vmem>>
          %dma_wait3A_901 = tpu.memref_squeeze %dma_wait3A_900 : memref<1x40xi32, #tpu.memory_space<vmem>> -> memref<40xi32, #tpu.memory_space<vmem>>
          %dma_wait3A_902 = arith.constant 0 : i32
          %dma_wait3A_903 = arith.constant 0 : i32
          %dma_wait3A_904 = tpu.memref_slice %arg10[%dma_wait3A_902, %dma_wait3A_903] : memref<10240x128xf32, #tpu.memory_space<vmem_shared>> -> memref<10240x128xf32, #tpu.memory_space<vmem_shared>>
          tpu.wait_indirect_dma semaphore(%run_scoped3A_884 : memref<!tpu.dma_semaphore, #tpu.memory_space<semaphore_mem>>) src(%dma_wait3A_898 : memref<40x128xf32, #tpu.memory_space<vmem>>) dst(%dma_wait3A_904 : memref<10240x128xf32, #tpu.memory_space<vmem_shared>>)
          tpu.yield
        }) : () -> ()
      } else {
      }
      %add3A_709 = arith.constant 8 : i32
      %add3A_710 = arith.addi %add3A_693, %add3A_709 : i32
      %sub3A_711 = arith.constant 3 : i32
      %sub3A_712 = arith.subi %add3A_710, %sub3A_711 : i32
      %lt3A_713 = arith.constant 500 : i32
      %lt3A_714 = arith.cmpi slt, %sub3A_712, %lt3A_713 : i32
      %convert_element_type3A_715 = arith.extui %lt3A_714 : i1 to i32
      %cond3A_716 = arith.constant 0 : i32
      %cond3A_717 = arith.cmpi ne, %convert_element_type3A_715, %cond3A_716 : i32
      scf.if %cond3A_717 {
        %dma_start3A_858 = arith.constant 7 : i32
        %dma_start3A_859 = arith.constant 0 : i32
        %dma_start3A_860 = tpu.memref_slice %arg6[%dma_start3A_858, %dma_start3A_859] : memref<8x40xi32, #tpu.memory_space<vmem>> -> memref<1x40xi32, #tpu.memory_space<vmem>>
        %dma_start3A_861 = tpu.memref_squeeze %dma_start3A_860 : memref<1x40xi32, #tpu.memory_space<vmem>> -> memref<40xi32, #tpu.memory_space<vmem>>
        %dma_start3A_862 = arith.constant 0 : i32
        %dma_start3A_863 = tpu.memref_slice %arg3[%arg1, %sub3A_712, %dma_start3A_862] : memref<16x500x40xi32, #tpu.memory_space<hbm>> -> memref<1x1x40xi32, #tpu.memory_space<hbm>>
        %dma_start3A_864 = tpu.memref_squeeze %dma_start3A_863 : memref<1x1x40xi32, #tpu.memory_space<hbm>> -> memref<40xi32, #tpu.memory_space<hbm>>
        %dma_start3A_865 = arith.constant 0 : i32
        %dma_start3A_866 = tpu.memref_slice %arg6[%dma_start3A_858, %dma_start3A_865] : memref<8x40xi32, #tpu.memory_space<vmem>> -> memref<1x40xi32, #tpu.memory_space<vmem>>
        %dma_start3A_867 = tpu.memref_squeeze %dma_start3A_866 : memref<1x40xi32, #tpu.memory_space<vmem>> -> memref<40xi32, #tpu.memory_space<vmem>>
        %dma_start3A_868 = arith.constant 0 : i32
        %dma_start3A_869 = tpu.memref_slice %arg3[%arg1, %sub3A_712, %dma_start3A_868] : memref<16x500x40xi32, #tpu.memory_space<hbm>> -> memref<1x1x40xi32, #tpu.memory_space<hbm>>
        %dma_start3A_870 = tpu.memref_squeeze %dma_start3A_869 : memref<1x1x40xi32, #tpu.memory_space<hbm>> -> memref<40xi32, #tpu.memory_space<hbm>>
        tpu.enqueue_dma source(%dma_start3A_870 : memref<40xi32, #tpu.memory_space<hbm>>) target(%dma_start3A_867 : memref<40xi32, #tpu.memory_space<vmem>>) target_semaphore(%arg18 : memref<!tpu.dma_semaphore, #tpu.memory_space<semaphore_mem>>)
        %dma_start3A_871 = arith.constant 7 : i32
        %dma_start3A_872 = arith.constant 0 : i32
        %dma_start3A_873 = tpu.memref_slice %arg7[%dma_start3A_871, %dma_start3A_872] : memref<8x40xi32, #tpu.memory_space<vmem>> -> memref<1x40xi32, #tpu.memory_space<vmem>>
        %dma_start3A_874 = tpu.memref_squeeze %dma_start3A_873 : memref<1x40xi32, #tpu.memory_space<vmem>> -> memref<40xi32, #tpu.memory_space<vmem>>
        %dma_start3A_875 = arith.constant 0 : i32
        %dma_start3A_876 = tpu.memref_slice %arg4[%arg1, %sub3A_712, %dma_start3A_875] : memref<16x500x40xi32, #tpu.memory_space<hbm>> -> memref<1x1x40xi32, #tpu.memory_space<hbm>>
        %dma_start3A_877 = tpu.memref_squeeze %dma_start3A_876 : memref<1x1x40xi32, #tpu.memory_space<hbm>> -> memref<40xi32, #tpu.memory_space<hbm>>
        %dma_start3A_878 = arith.constant 0 : i32
        %dma_start3A_879 = tpu.memref_slice %arg7[%dma_start3A_871, %dma_start3A_878] : memref<8x40xi32, #tpu.memory_space<vmem>> -> memref<1x40xi32, #tpu.memory_space<vmem>>
        %dma_start3A_880 = tpu.memref_squeeze %dma_start3A_879 : memref<1x40xi32, #tpu.memory_space<vmem>> -> memref<40xi32, #tpu.memory_space<vmem>>
        %dma_start3A_881 = arith.constant 0 : i32
        %dma_start3A_882 = tpu.memref_slice %arg4[%arg1, %sub3A_712, %dma_start3A_881] : memref<16x500x40xi32, #tpu.memory_space<hbm>> -> memref<1x1x40xi32, #tpu.memory_space<hbm>>
        %dma_start3A_883 = tpu.memref_squeeze %dma_start3A_882 : memref<1x1x40xi32, #tpu.memory_space<hbm>> -> memref<40xi32, #tpu.memory_space<hbm>>
        tpu.enqueue_dma source(%dma_start3A_883 : memref<40xi32, #tpu.memory_space<hbm>>) target(%dma_start3A_880 : memref<40xi32, #tpu.memory_space<vmem>>) target_semaphore(%arg26 : memref<!tpu.dma_semaphore, #tpu.memory_space<semaphore_mem>>)
      } else {
      }
      %mul3A_718 = arith.constant 8 : i32
      %mul3A_719 = arith.muli %scan3A_636, %mul3A_718 : i32
      %add3A_720 = arith.constant 3 : i32
      %add3A_721 = arith.addi %mul3A_719, %add3A_720 : i32
      %lt3A_722 = arith.constant 500 : i32
      %lt3A_723 = arith.cmpi slt, %add3A_721, %lt3A_722 : i32
      %convert_element_type3A_724 = arith.extui %lt3A_723 : i1 to i32
      %cond3A_725 = arith.constant 0 : i32
      %cond3A_726 = arith.cmpi ne, %convert_element_type3A_724, %cond3A_725 : i32
      scf.if %cond3A_726 {
        %dma_wait3A_858 = arith.constant 3 : i32
        %dma_wait3A_859 = arith.constant 0 : i32
        %dma_wait3A_860 = tpu.memref_slice %arg7[%dma_wait3A_858, %dma_wait3A_859] : memref<8x40xi32, #tpu.memory_space<vmem>> -> memref<1x40xi32, #tpu.memory_space<vmem>>
        %dma_wait3A_861 = tpu.memref_squeeze %dma_wait3A_860 : memref<1x40xi32, #tpu.memory_space<vmem>> -> memref<40xi32, #tpu.memory_space<vmem>>
        %dma_wait3A_862 = arith.constant 0 : i32
        %dma_wait3A_863 = tpu.memref_slice %arg4[%arg1, %add3A_721, %dma_wait3A_862] : memref<16x500x40xi32, #tpu.memory_space<hbm>> -> memref<1x1x40xi32, #tpu.memory_space<hbm>>
        %dma_wait3A_864 = tpu.memref_squeeze %dma_wait3A_863 : memref<1x1x40xi32, #tpu.memory_space<hbm>> -> memref<40xi32, #tpu.memory_space<hbm>>
        %dma_wait3A_865 = arith.constant 0 : i32
        %dma_wait3A_866 = tpu.memref_slice %arg7[%dma_wait3A_858, %dma_wait3A_865] : memref<8x40xi32, #tpu.memory_space<vmem>> -> memref<1x40xi32, #tpu.memory_space<vmem>>
        %dma_wait3A_867 = tpu.memref_squeeze %dma_wait3A_866 : memref<1x40xi32, #tpu.memory_space<vmem>> -> memref<40xi32, #tpu.memory_space<vmem>>
        %dma_wait3A_868 = arith.constant 0 : i32
        %dma_wait3A_869 = tpu.memref_slice %arg4[%arg1, %add3A_721, %dma_wait3A_868] : memref<16x500x40xi32, #tpu.memory_space<hbm>> -> memref<1x1x40xi32, #tpu.memory_space<hbm>>
        %dma_wait3A_870 = tpu.memref_squeeze %dma_wait3A_869 : memref<1x1x40xi32, #tpu.memory_space<hbm>> -> memref<40xi32, #tpu.memory_space<hbm>>
        tpu.wait_dma2 semaphore(%arg22 : memref<!tpu.dma_semaphore, #tpu.memory_space<semaphore_mem>>) src(%dma_wait3A_870 : memref<40xi32, #tpu.memory_space<hbm>>) dst(%dma_wait3A_867 : memref<40xi32, #tpu.memory_space<vmem>>)
        %dma_start3A_871 = arith.constant 3 : i32
        %dma_start3A_872 = arith.constant 3 : i32
        %dma_start3A_873 = arith.constant 0 : i32
        %dma_start3A_874 = arith.constant 0 : i32
        %dma_start3A_875 = tpu.memref_slice %arg8[%dma_start3A_872, %dma_start3A_873, %dma_start3A_874] : memref<4x40x128xf32, #tpu.memory_space<vmem>> -> memref<1x40x128xf32, #tpu.memory_space<vmem>>
        %dma_start3A_876 = tpu.memref_squeeze %dma_start3A_875 : memref<1x40x128xf32, #tpu.memory_space<vmem>> -> memref<40x128xf32, #tpu.memory_space<vmem>>
        %dma_start3A_877 = arith.constant 0 : i32
        %dma_start3A_878 = tpu.memref_slice %arg7[%dma_start3A_871, %dma_start3A_877] : memref<8x40xi32, #tpu.memory_space<vmem>> -> memref<1x40xi32, #tpu.memory_space<vmem>>
        %dma_start3A_879 = tpu.memref_squeeze %dma_start3A_878 : memref<1x40xi32, #tpu.memory_space<vmem>> -> memref<40xi32, #tpu.memory_space<vmem>>
        %dma_start3A_880 = arith.constant 0 : i32
        %dma_start3A_881 = arith.constant 0 : i32
        %dma_start3A_882 = tpu.memref_slice %arg2[%dma_start3A_880, %dma_start3A_881] : memref<10000x128xf32, #tpu.memory_space<hbm>> -> memref<10000x128xf32, #tpu.memory_space<hbm>>
        tpu.enqueue_indirect_dma source(%dma_start3A_882 : memref<10000x128xf32, #tpu.memory_space<hbm>>) target(%dma_start3A_876 : memref<40x128xf32, #tpu.memory_space<vmem>>) offsets(%dma_start3A_879 : memref<40xi32, #tpu.memory_space<vmem>>) semaphore(%arg30 : memref<!tpu.dma_semaphore, #tpu.memory_space<semaphore_mem>>)
      } else {
      }
      %sub3A_727 = arith.constant 3 : i32
      %sub3A_728 = arith.subi %add3A_721, %sub3A_727 : i32
      %ge3A_729 = arith.constant 0 : i32
      %ge3A_730 = arith.cmpi sge, %sub3A_728, %ge3A_729 : i32
      %lt3A_731 = arith.constant 500 : i32
      %lt3A_732 = arith.cmpi slt, %sub3A_728, %lt3A_731 : i32
      %and3A_733 = arith.andi %ge3A_730, %lt3A_732 : i1
      %convert_element_type3A_734 = arith.extui %and3A_733 : i1 to i32
      %cond3A_735 = arith.constant 0 : i32
      %cond3A_736 = arith.cmpi ne, %convert_element_type3A_734, %cond3A_735 : i32
      scf.if %cond3A_736 {
        %dma_wait3A_858 = arith.constant 0 : i32
        %dma_wait3A_859 = arith.constant 0 : i32
        %dma_wait3A_860 = arith.constant 0 : i32
        %dma_wait3A_861 = arith.constant 0 : i32
        %dma_wait3A_862 = tpu.memref_slice %arg8[%dma_wait3A_859, %dma_wait3A_860, %dma_wait3A_861] : memref<4x40x128xf32, #tpu.memory_space<vmem>> -> memref<1x40x128xf32, #tpu.memory_space<vmem>>
        %dma_wait3A_863 = tpu.memref_squeeze %dma_wait3A_862 : memref<1x40x128xf32, #tpu.memory_space<vmem>> -> memref<40x128xf32, #tpu.memory_space<vmem>>
        %dma_wait3A_864 = arith.constant 0 : i32
        %dma_wait3A_865 = tpu.memref_slice %arg7[%dma_wait3A_858, %dma_wait3A_864] : memref<8x40xi32, #tpu.memory_space<vmem>> -> memref<1x40xi32, #tpu.memory_space<vmem>>
        %dma_wait3A_866 = tpu.memref_squeeze %dma_wait3A_865 : memref<1x40xi32, #tpu.memory_space<vmem>> -> memref<40xi32, #tpu.memory_space<vmem>>
        %dma_wait3A_867 = arith.constant 0 : i32
        %dma_wait3A_868 = arith.constant 0 : i32
        %dma_wait3A_869 = tpu.memref_slice %arg2[%dma_wait3A_867, %dma_wait3A_868] : memref<10000x128xf32, #tpu.memory_space<hbm>> -> memref<10000x128xf32, #tpu.memory_space<hbm>>
        tpu.wait_indirect_dma semaphore(%arg27 : memref<!tpu.dma_semaphore, #tpu.memory_space<semaphore_mem>>) src(%dma_wait3A_869 : memref<10000x128xf32, #tpu.memory_space<hbm>>) dst(%dma_wait3A_863 : memref<40x128xf32, #tpu.memory_space<vmem>>)
        %dma_wait3A_870 = arith.constant 0 : i32
        %dma_wait3A_871 = arith.constant 0 : i32
        %dma_wait3A_872 = tpu.memref_slice %arg6[%dma_wait3A_870, %dma_wait3A_871] : memref<8x40xi32, #tpu.memory_space<vmem>> -> memref<1x40xi32, #tpu.memory_space<vmem>>
        %dma_wait3A_873 = tpu.memref_squeeze %dma_wait3A_872 : memref<1x40xi32, #tpu.memory_space<vmem>> -> memref<40xi32, #tpu.memory_space<vmem>>
        %dma_wait3A_874 = arith.constant 0 : i32
        %dma_wait3A_875 = tpu.memref_slice %arg3[%arg1, %sub3A_728, %dma_wait3A_874] : memref<16x500x40xi32, #tpu.memory_space<hbm>> -> memref<1x1x40xi32, #tpu.memory_space<hbm>>
        %dma_wait3A_876 = tpu.memref_squeeze %dma_wait3A_875 : memref<1x1x40xi32, #tpu.memory_space<hbm>> -> memref<40xi32, #tpu.memory_space<hbm>>
        %dma_wait3A_877 = arith.constant 0 : i32
        %dma_wait3A_878 = tpu.memref_slice %arg6[%dma_wait3A_870, %dma_wait3A_877] : memref<8x40xi32, #tpu.memory_space<vmem>> -> memref<1x40xi32, #tpu.memory_space<vmem>>
        %dma_wait3A_879 = tpu.memref_squeeze %dma_wait3A_878 : memref<1x40xi32, #tpu.memory_space<vmem>> -> memref<40xi32, #tpu.memory_space<vmem>>
        %dma_wait3A_880 = arith.constant 0 : i32
        %dma_wait3A_881 = tpu.memref_slice %arg3[%arg1, %sub3A_728, %dma_wait3A_880] : memref<16x500x40xi32, #tpu.memory_space<hbm>> -> memref<1x1x40xi32, #tpu.memory_space<hbm>>
        %dma_wait3A_882 = tpu.memref_squeeze %dma_wait3A_881 : memref<1x1x40xi32, #tpu.memory_space<hbm>> -> memref<40xi32, #tpu.memory_space<hbm>>
        tpu.wait_dma2 semaphore(%arg11 : memref<!tpu.dma_semaphore, #tpu.memory_space<semaphore_mem>>) src(%dma_wait3A_882 : memref<40xi32, #tpu.memory_space<hbm>>) dst(%dma_wait3A_879 : memref<40xi32, #tpu.memory_space<vmem>>)
        %run_scoped3A = arith.constant 0 : i32
        %run_scoped3A_883 = arith.constant 0 : i32
        "tpu.region"() ({
          %run_scoped3A_884 = tpu.sem_alloc : memref<!tpu.dma_semaphore, #tpu.memory_space<semaphore_mem>>
          %dma_start3A_885 = arith.constant 0 : i32
          %dma_start3A_886 = arith.constant 0 : i32
          %dma_start3A_887 = tpu.memref_slice %arg8[%run_scoped3A, %dma_start3A_885, %dma_start3A_886] : memref<4x40x128xf32, #tpu.memory_space<vmem>> -> memref<1x40x128xf32, #tpu.memory_space<vmem>>
          %dma_start3A_888 = tpu.memref_squeeze %dma_start3A_887 : memref<1x40x128xf32, #tpu.memory_space<vmem>> -> memref<40x128xf32, #tpu.memory_space<vmem>>
          %dma_start3A_889 = arith.constant 0 : i32
          %dma_start3A_890 = tpu.memref_slice %arg6[%run_scoped3A_883, %dma_start3A_889] : memref<8x40xi32, #tpu.memory_space<vmem>> -> memref<1x40xi32, #tpu.memory_space<vmem>>
          %dma_start3A_891 = tpu.memref_squeeze %dma_start3A_890 : memref<1x40xi32, #tpu.memory_space<vmem>> -> memref<40xi32, #tpu.memory_space<vmem>>
          %dma_start3A_892 = arith.constant 0 : i32
          %dma_start3A_893 = arith.constant 0 : i32
          %dma_start3A_894 = tpu.memref_slice %arg10[%dma_start3A_892, %dma_start3A_893] : memref<10240x128xf32, #tpu.memory_space<vmem_shared>> -> memref<10240x128xf32, #tpu.memory_space<vmem_shared>>
          tpu.enqueue_indirect_dma source(%dma_start3A_888 : memref<40x128xf32, #tpu.memory_space<vmem>>) target(%dma_start3A_894 : memref<10240x128xf32, #tpu.memory_space<vmem_shared>>) offsets(%dma_start3A_891 : memref<40xi32, #tpu.memory_space<vmem>>) semaphore(%run_scoped3A_884 : memref<!tpu.dma_semaphore, #tpu.memory_space<semaphore_mem>>) {add = true}
          %dma_wait3A_895 = arith.constant 0 : i32
          %dma_wait3A_896 = arith.constant 0 : i32
          %dma_wait3A_897 = tpu.memref_slice %arg8[%run_scoped3A, %dma_wait3A_895, %dma_wait3A_896] : memref<4x40x128xf32, #tpu.memory_space<vmem>> -> memref<1x40x128xf32, #tpu.memory_space<vmem>>
          %dma_wait3A_898 = tpu.memref_squeeze %dma_wait3A_897 : memref<1x40x128xf32, #tpu.memory_space<vmem>> -> memref<40x128xf32, #tpu.memory_space<vmem>>
          %dma_wait3A_899 = arith.constant 0 : i32
          %dma_wait3A_900 = tpu.memref_slice %arg6[%run_scoped3A_883, %dma_wait3A_899] : memref<8x40xi32, #tpu.memory_space<vmem>> -> memref<1x40xi32, #tpu.memory_space<vmem>>
          %dma_wait3A_901 = tpu.memref_squeeze %dma_wait3A_900 : memref<1x40xi32, #tpu.memory_space<vmem>> -> memref<40xi32, #tpu.memory_space<vmem>>
          %dma_wait3A_902 = arith.constant 0 : i32
          %dma_wait3A_903 = arith.constant 0 : i32
          %dma_wait3A_904 = tpu.memref_slice %arg10[%dma_wait3A_902, %dma_wait3A_903] : memref<10240x128xf32, #tpu.memory_space<vmem_shared>> -> memref<10240x128xf32, #tpu.memory_space<vmem_shared>>
          tpu.wait_indirect_dma semaphore(%run_scoped3A_884 : memref<!tpu.dma_semaphore, #tpu.memory_space<semaphore_mem>>) src(%dma_wait3A_898 : memref<40x128xf32, #tpu.memory_space<vmem>>) dst(%dma_wait3A_904 : memref<10240x128xf32, #tpu.memory_space<vmem_shared>>)
          tpu.yield
        }) : () -> ()
      } else {
      }
      %add3A_737 = arith.constant 8 : i32
      %add3A_738 = arith.addi %add3A_721, %add3A_737 : i32
      %sub3A_739 = arith.constant 3 : i32
      %sub3A_740 = arith.subi %add3A_738, %sub3A_739 : i32
      %lt3A_741 = arith.constant 500 : i32
      %lt3A_742 = arith.cmpi slt, %sub3A_740, %lt3A_741 : i32
      %convert_element_type3A_743 = arith.extui %lt3A_742 : i1 to i32
      %cond3A_744 = arith.constant 0 : i32
      %cond3A_745 = arith.cmpi ne, %convert_element_type3A_743, %cond3A_744 : i32
      scf.if %cond3A_745 {
        %dma_start3A_858 = arith.constant 0 : i32
        %dma_start3A_859 = arith.constant 0 : i32
        %dma_start3A_860 = tpu.memref_slice %arg6[%dma_start3A_858, %dma_start3A_859] : memref<8x40xi32, #tpu.memory_space<vmem>> -> memref<1x40xi32, #tpu.memory_space<vmem>>
        %dma_start3A_861 = tpu.memref_squeeze %dma_start3A_860 : memref<1x40xi32, #tpu.memory_space<vmem>> -> memref<40xi32, #tpu.memory_space<vmem>>
        %dma_start3A_862 = arith.constant 0 : i32
        %dma_start3A_863 = tpu.memref_slice %arg3[%arg1, %sub3A_740, %dma_start3A_862] : memref<16x500x40xi32, #tpu.memory_space<hbm>> -> memref<1x1x40xi32, #tpu.memory_space<hbm>>
        %dma_start3A_864 = tpu.memref_squeeze %dma_start3A_863 : memref<1x1x40xi32, #tpu.memory_space<hbm>> -> memref<40xi32, #tpu.memory_space<hbm>>
        %dma_start3A_865 = arith.constant 0 : i32
        %dma_start3A_866 = tpu.memref_slice %arg6[%dma_start3A_858, %dma_start3A_865] : memref<8x40xi32, #tpu.memory_space<vmem>> -> memref<1x40xi32, #tpu.memory_space<vmem>>
        %dma_start3A_867 = tpu.memref_squeeze %dma_start3A_866 : memref<1x40xi32, #tpu.memory_space<vmem>> -> memref<40xi32, #tpu.memory_space<vmem>>
        %dma_start3A_868 = arith.constant 0 : i32
        %dma_start3A_869 = tpu.memref_slice %arg3[%arg1, %sub3A_740, %dma_start3A_868] : memref<16x500x40xi32, #tpu.memory_space<hbm>> -> memref<1x1x40xi32, #tpu.memory_space<hbm>>
        %dma_start3A_870 = tpu.memref_squeeze %dma_start3A_869 : memref<1x1x40xi32, #tpu.memory_space<hbm>> -> memref<40xi32, #tpu.memory_space<hbm>>
        tpu.enqueue_dma source(%dma_start3A_870 : memref<40xi32, #tpu.memory_space<hbm>>) target(%dma_start3A_867 : memref<40xi32, #tpu.memory_space<vmem>>) target_semaphore(%arg11 : memref<!tpu.dma_semaphore, #tpu.memory_space<semaphore_mem>>)
        %dma_start3A_871 = arith.constant 0 : i32
        %dma_start3A_872 = arith.constant 0 : i32
        %dma_start3A_873 = tpu.memref_slice %arg7[%dma_start3A_871, %dma_start3A_872] : memref<8x40xi32, #tpu.memory_space<vmem>> -> memref<1x40xi32, #tpu.memory_space<vmem>>
        %dma_start3A_874 = tpu.memref_squeeze %dma_start3A_873 : memref<1x40xi32, #tpu.memory_space<vmem>> -> memref<40xi32, #tpu.memory_space<vmem>>
        %dma_start3A_875 = arith.constant 0 : i32
        %dma_start3A_876 = tpu.memref_slice %arg4[%arg1, %sub3A_740, %dma_start3A_875] : memref<16x500x40xi32, #tpu.memory_space<hbm>> -> memref<1x1x40xi32, #tpu.memory_space<hbm>>
        %dma_start3A_877 = tpu.memref_squeeze %dma_start3A_876 : memref<1x1x40xi32, #tpu.memory_space<hbm>> -> memref<40xi32, #tpu.memory_space<hbm>>
        %dma_start3A_878 = arith.constant 0 : i32
        %dma_start3A_879 = tpu.memref_slice %arg7[%dma_start3A_871, %dma_start3A_878] : memref<8x40xi32, #tpu.memory_space<vmem>> -> memref<1x40xi32, #tpu.memory_space<vmem>>
        %dma_start3A_880 = tpu.memref_squeeze %dma_start3A_879 : memref<1x40xi32, #tpu.memory_space<vmem>> -> memref<40xi32, #tpu.memory_space<vmem>>
        %dma_start3A_881 = arith.constant 0 : i32
        %dma_start3A_882 = tpu.memref_slice %arg4[%arg1, %sub3A_740, %dma_start3A_881] : memref<16x500x40xi32, #tpu.memory_space<hbm>> -> memref<1x1x40xi32, #tpu.memory_space<hbm>>
        %dma_start3A_883 = tpu.memref_squeeze %dma_start3A_882 : memref<1x1x40xi32, #tpu.memory_space<hbm>> -> memref<40xi32, #tpu.memory_space<hbm>>
        tpu.enqueue_dma source(%dma_start3A_883 : memref<40xi32, #tpu.memory_space<hbm>>) target(%dma_start3A_880 : memref<40xi32, #tpu.memory_space<vmem>>) target_semaphore(%arg19 : memref<!tpu.dma_semaphore, #tpu.memory_space<semaphore_mem>>)
      } else {
      }
      %mul3A_746 = arith.constant 8 : i32
      %mul3A_747 = arith.muli %scan3A_636, %mul3A_746 : i32
      %add3A_748 = arith.constant 4 : i32
      %add3A_749 = arith.addi %mul3A_747, %add3A_748 : i32
      %lt3A_750 = arith.constant 500 : i32
      %lt3A_751 = arith.cmpi slt, %add3A_749, %lt3A_750 : i32
      %convert_element_type3A_752 = arith.extui %lt3A_751 : i1 to i32
      %cond3A_753 = arith.constant 0 : i32
      %cond3A_754 = arith.cmpi ne, %convert_element_type3A_752, %cond3A_753 : i32
      scf.if %cond3A_754 {
        %dma_wait3A_858 = arith.constant 4 : i32
        %dma_wait3A_859 = arith.constant 0 : i32
        %dma_wait3A_860 = tpu.memref_slice %arg7[%dma_wait3A_858, %dma_wait3A_859] : memref<8x40xi32, #tpu.memory_space<vmem>> -> memref<1x40xi32, #tpu.memory_space<vmem>>
        %dma_wait3A_861 = tpu.memref_squeeze %dma_wait3A_860 : memref<1x40xi32, #tpu.memory_space<vmem>> -> memref<40xi32, #tpu.memory_space<vmem>>
        %dma_wait3A_862 = arith.constant 0 : i32
        %dma_wait3A_863 = tpu.memref_slice %arg4[%arg1, %add3A_749, %dma_wait3A_862] : memref<16x500x40xi32, #tpu.memory_space<hbm>> -> memref<1x1x40xi32, #tpu.memory_space<hbm>>
        %dma_wait3A_864 = tpu.memref_squeeze %dma_wait3A_863 : memref<1x1x40xi32, #tpu.memory_space<hbm>> -> memref<40xi32, #tpu.memory_space<hbm>>
        %dma_wait3A_865 = arith.constant 0 : i32
        %dma_wait3A_866 = tpu.memref_slice %arg7[%dma_wait3A_858, %dma_wait3A_865] : memref<8x40xi32, #tpu.memory_space<vmem>> -> memref<1x40xi32, #tpu.memory_space<vmem>>
        %dma_wait3A_867 = tpu.memref_squeeze %dma_wait3A_866 : memref<1x40xi32, #tpu.memory_space<vmem>> -> memref<40xi32, #tpu.memory_space<vmem>>
        %dma_wait3A_868 = arith.constant 0 : i32
        %dma_wait3A_869 = tpu.memref_slice %arg4[%arg1, %add3A_749, %dma_wait3A_868] : memref<16x500x40xi32, #tpu.memory_space<hbm>> -> memref<1x1x40xi32, #tpu.memory_space<hbm>>
        %dma_wait3A_870 = tpu.memref_squeeze %dma_wait3A_869 : memref<1x1x40xi32, #tpu.memory_space<hbm>> -> memref<40xi32, #tpu.memory_space<hbm>>
        tpu.wait_dma2 semaphore(%arg23 : memref<!tpu.dma_semaphore, #tpu.memory_space<semaphore_mem>>) src(%dma_wait3A_870 : memref<40xi32, #tpu.memory_space<hbm>>) dst(%dma_wait3A_867 : memref<40xi32, #tpu.memory_space<vmem>>)
        %dma_start3A_871 = arith.constant 4 : i32
        %dma_start3A_872 = arith.constant 0 : i32
        %dma_start3A_873 = arith.constant 0 : i32
        %dma_start3A_874 = arith.constant 0 : i32
        %dma_start3A_875 = tpu.memref_slice %arg8[%dma_start3A_872, %dma_start3A_873, %dma_start3A_874] : memref<4x40x128xf32, #tpu.memory_space<vmem>> -> memref<1x40x128xf32, #tpu.memory_space<vmem>>
        %dma_start3A_876 = tpu.memref_squeeze %dma_start3A_875 : memref<1x40x128xf32, #tpu.memory_space<vmem>> -> memref<40x128xf32, #tpu.memory_space<vmem>>
        %dma_start3A_877 = arith.constant 0 : i32
        %dma_start3A_878 = tpu.memref_slice %arg7[%dma_start3A_871, %dma_start3A_877] : memref<8x40xi32, #tpu.memory_space<vmem>> -> memref<1x40xi32, #tpu.memory_space<vmem>>
        %dma_start3A_879 = tpu.memref_squeeze %dma_start3A_878 : memref<1x40xi32, #tpu.memory_space<vmem>> -> memref<40xi32, #tpu.memory_space<vmem>>
        %dma_start3A_880 = arith.constant 0 : i32
        %dma_start3A_881 = arith.constant 0 : i32
        %dma_start3A_882 = tpu.memref_slice %arg2[%dma_start3A_880, %dma_start3A_881] : memref<10000x128xf32, #tpu.memory_space<hbm>> -> memref<10000x128xf32, #tpu.memory_space<hbm>>
        tpu.enqueue_indirect_dma source(%dma_start3A_882 : memref<10000x128xf32, #tpu.memory_space<hbm>>) target(%dma_start3A_876 : memref<40x128xf32, #tpu.memory_space<vmem>>) offsets(%dma_start3A_879 : memref<40xi32, #tpu.memory_space<vmem>>) semaphore(%arg27 : memref<!tpu.dma_semaphore, #tpu.memory_space<semaphore_mem>>)
      } else {
      }
      %sub3A_755 = arith.constant 3 : i32
      %sub3A_756 = arith.subi %add3A_749, %sub3A_755 : i32
      %ge3A_757 = arith.constant 0 : i32
      %ge3A_758 = arith.cmpi sge, %sub3A_756, %ge3A_757 : i32
      %lt3A_759 = arith.constant 500 : i32
      %lt3A_760 = arith.cmpi slt, %sub3A_756, %lt3A_759 : i32
      %and3A_761 = arith.andi %ge3A_758, %lt3A_760 : i1
      %convert_element_type3A_762 = arith.extui %and3A_761 : i1 to i32
      %cond3A_763 = arith.constant 0 : i32
      %cond3A_764 = arith.cmpi ne, %convert_element_type3A_762, %cond3A_763 : i32
      scf.if %cond3A_764 {
        %dma_wait3A_858 = arith.constant 1 : i32
        %dma_wait3A_859 = arith.constant 1 : i32
        %dma_wait3A_860 = arith.constant 0 : i32
        %dma_wait3A_861 = arith.constant 0 : i32
        %dma_wait3A_862 = tpu.memref_slice %arg8[%dma_wait3A_859, %dma_wait3A_860, %dma_wait3A_861] : memref<4x40x128xf32, #tpu.memory_space<vmem>> -> memref<1x40x128xf32, #tpu.memory_space<vmem>>
        %dma_wait3A_863 = tpu.memref_squeeze %dma_wait3A_862 : memref<1x40x128xf32, #tpu.memory_space<vmem>> -> memref<40x128xf32, #tpu.memory_space<vmem>>
        %dma_wait3A_864 = arith.constant 0 : i32
        %dma_wait3A_865 = tpu.memref_slice %arg7[%dma_wait3A_858, %dma_wait3A_864] : memref<8x40xi32, #tpu.memory_space<vmem>> -> memref<1x40xi32, #tpu.memory_space<vmem>>
        %dma_wait3A_866 = tpu.memref_squeeze %dma_wait3A_865 : memref<1x40xi32, #tpu.memory_space<vmem>> -> memref<40xi32, #tpu.memory_space<vmem>>
        %dma_wait3A_867 = arith.constant 0 : i32
        %dma_wait3A_868 = arith.constant 0 : i32
        %dma_wait3A_869 = tpu.memref_slice %arg2[%dma_wait3A_867, %dma_wait3A_868] : memref<10000x128xf32, #tpu.memory_space<hbm>> -> memref<10000x128xf32, #tpu.memory_space<hbm>>
        tpu.wait_indirect_dma semaphore(%arg28 : memref<!tpu.dma_semaphore, #tpu.memory_space<semaphore_mem>>) src(%dma_wait3A_869 : memref<10000x128xf32, #tpu.memory_space<hbm>>) dst(%dma_wait3A_863 : memref<40x128xf32, #tpu.memory_space<vmem>>)
        %dma_wait3A_870 = arith.constant 1 : i32
        %dma_wait3A_871 = arith.constant 0 : i32
        %dma_wait3A_872 = tpu.memref_slice %arg6[%dma_wait3A_870, %dma_wait3A_871] : memref<8x40xi32, #tpu.memory_space<vmem>> -> memref<1x40xi32, #tpu.memory_space<vmem>>
        %dma_wait3A_873 = tpu.memref_squeeze %dma_wait3A_872 : memref<1x40xi32, #tpu.memory_space<vmem>> -> memref<40xi32, #tpu.memory_space<vmem>>
        %dma_wait3A_874 = arith.constant 0 : i32
        %dma_wait3A_875 = tpu.memref_slice %arg3[%arg1, %sub3A_756, %dma_wait3A_874] : memref<16x500x40xi32, #tpu.memory_space<hbm>> -> memref<1x1x40xi32, #tpu.memory_space<hbm>>
        %dma_wait3A_876 = tpu.memref_squeeze %dma_wait3A_875 : memref<1x1x40xi32, #tpu.memory_space<hbm>> -> memref<40xi32, #tpu.memory_space<hbm>>
        %dma_wait3A_877 = arith.constant 0 : i32
        %dma_wait3A_878 = tpu.memref_slice %arg6[%dma_wait3A_870, %dma_wait3A_877] : memref<8x40xi32, #tpu.memory_space<vmem>> -> memref<1x40xi32, #tpu.memory_space<vmem>>
        %dma_wait3A_879 = tpu.memref_squeeze %dma_wait3A_878 : memref<1x40xi32, #tpu.memory_space<vmem>> -> memref<40xi32, #tpu.memory_space<vmem>>
        %dma_wait3A_880 = arith.constant 0 : i32
        %dma_wait3A_881 = tpu.memref_slice %arg3[%arg1, %sub3A_756, %dma_wait3A_880] : memref<16x500x40xi32, #tpu.memory_space<hbm>> -> memref<1x1x40xi32, #tpu.memory_space<hbm>>
        %dma_wait3A_882 = tpu.memref_squeeze %dma_wait3A_881 : memref<1x1x40xi32, #tpu.memory_space<hbm>> -> memref<40xi32, #tpu.memory_space<hbm>>
        tpu.wait_dma2 semaphore(%arg12 : memref<!tpu.dma_semaphore, #tpu.memory_space<semaphore_mem>>) src(%dma_wait3A_882 : memref<40xi32, #tpu.memory_space<hbm>>) dst(%dma_wait3A_879 : memref<40xi32, #tpu.memory_space<vmem>>)
        %run_scoped3A = arith.constant 1 : i32
        %run_scoped3A_883 = arith.constant 1 : i32
        "tpu.region"() ({
          %run_scoped3A_884 = tpu.sem_alloc : memref<!tpu.dma_semaphore, #tpu.memory_space<semaphore_mem>>
          %dma_start3A_885 = arith.constant 0 : i32
          %dma_start3A_886 = arith.constant 0 : i32
          %dma_start3A_887 = tpu.memref_slice %arg8[%run_scoped3A, %dma_start3A_885, %dma_start3A_886] : memref<4x40x128xf32, #tpu.memory_space<vmem>> -> memref<1x40x128xf32, #tpu.memory_space<vmem>>
          %dma_start3A_888 = tpu.memref_squeeze %dma_start3A_887 : memref<1x40x128xf32, #tpu.memory_space<vmem>> -> memref<40x128xf32, #tpu.memory_space<vmem>>
          %dma_start3A_889 = arith.constant 0 : i32
          %dma_start3A_890 = tpu.memref_slice %arg6[%run_scoped3A_883, %dma_start3A_889] : memref<8x40xi32, #tpu.memory_space<vmem>> -> memref<1x40xi32, #tpu.memory_space<vmem>>
          %dma_start3A_891 = tpu.memref_squeeze %dma_start3A_890 : memref<1x40xi32, #tpu.memory_space<vmem>> -> memref<40xi32, #tpu.memory_space<vmem>>
          %dma_start3A_892 = arith.constant 0 : i32
          %dma_start3A_893 = arith.constant 0 : i32
          %dma_start3A_894 = tpu.memref_slice %arg10[%dma_start3A_892, %dma_start3A_893] : memref<10240x128xf32, #tpu.memory_space<vmem_shared>> -> memref<10240x128xf32, #tpu.memory_space<vmem_shared>>
          tpu.enqueue_indirect_dma source(%dma_start3A_888 : memref<40x128xf32, #tpu.memory_space<vmem>>) target(%dma_start3A_894 : memref<10240x128xf32, #tpu.memory_space<vmem_shared>>) offsets(%dma_start3A_891 : memref<40xi32, #tpu.memory_space<vmem>>) semaphore(%run_scoped3A_884 : memref<!tpu.dma_semaphore, #tpu.memory_space<semaphore_mem>>) {add = true}
          %dma_wait3A_895 = arith.constant 0 : i32
          %dma_wait3A_896 = arith.constant 0 : i32
          %dma_wait3A_897 = tpu.memref_slice %arg8[%run_scoped3A, %dma_wait3A_895, %dma_wait3A_896] : memref<4x40x128xf32, #tpu.memory_space<vmem>> -> memref<1x40x128xf32, #tpu.memory_space<vmem>>
          %dma_wait3A_898 = tpu.memref_squeeze %dma_wait3A_897 : memref<1x40x128xf32, #tpu.memory_space<vmem>> -> memref<40x128xf32, #tpu.memory_space<vmem>>
          %dma_wait3A_899 = arith.constant 0 : i32
          %dma_wait3A_900 = tpu.memref_slice %arg6[%run_scoped3A_883, %dma_wait3A_899] : memref<8x40xi32, #tpu.memory_space<vmem>> -> memref<1x40xi32, #tpu.memory_space<vmem>>
          %dma_wait3A_901 = tpu.memref_squeeze %dma_wait3A_900 : memref<1x40xi32, #tpu.memory_space<vmem>> -> memref<40xi32, #tpu.memory_space<vmem>>
          %dma_wait3A_902 = arith.constant 0 : i32
          %dma_wait3A_903 = arith.constant 0 : i32
          %dma_wait3A_904 = tpu.memref_slice %arg10[%dma_wait3A_902, %dma_wait3A_903] : memref<10240x128xf32, #tpu.memory_space<vmem_shared>> -> memref<10240x128xf32, #tpu.memory_space<vmem_shared>>
          tpu.wait_indirect_dma semaphore(%run_scoped3A_884 : memref<!tpu.dma_semaphore, #tpu.memory_space<semaphore_mem>>) src(%dma_wait3A_898 : memref<40x128xf32, #tpu.memory_space<vmem>>) dst(%dma_wait3A_904 : memref<10240x128xf32, #tpu.memory_space<vmem_shared>>)
          tpu.yield
        }) : () -> ()
      } else {
      }
      %add3A_765 = arith.constant 8 : i32
      %add3A_766 = arith.addi %add3A_749, %add3A_765 : i32
      %sub3A_767 = arith.constant 3 : i32
      %sub3A_768 = arith.subi %add3A_766, %sub3A_767 : i32
      %lt3A_769 = arith.constant 500 : i32
      %lt3A_770 = arith.cmpi slt, %sub3A_768, %lt3A_769 : i32
      %convert_element_type3A_771 = arith.extui %lt3A_770 : i1 to i32
      %cond3A_772 = arith.constant 0 : i32
      %cond3A_773 = arith.cmpi ne, %convert_element_type3A_771, %cond3A_772 : i32
      scf.if %cond3A_773 {
        %dma_start3A_858 = arith.constant 1 : i32
        %dma_start3A_859 = arith.constant 0 : i32
        %dma_start3A_860 = tpu.memref_slice %arg6[%dma_start3A_858, %dma_start3A_859] : memref<8x40xi32, #tpu.memory_space<vmem>> -> memref<1x40xi32, #tpu.memory_space<vmem>>
        %dma_start3A_861 = tpu.memref_squeeze %dma_start3A_860 : memref<1x40xi32, #tpu.memory_space<vmem>> -> memref<40xi32, #tpu.memory_space<vmem>>
        %dma_start3A_862 = arith.constant 0 : i32
        %dma_start3A_863 = tpu.memref_slice %arg3[%arg1, %sub3A_768, %dma_start3A_862] : memref<16x500x40xi32, #tpu.memory_space<hbm>> -> memref<1x1x40xi32, #tpu.memory_space<hbm>>
        %dma_start3A_864 = tpu.memref_squeeze %dma_start3A_863 : memref<1x1x40xi32, #tpu.memory_space<hbm>> -> memref<40xi32, #tpu.memory_space<hbm>>
        %dma_start3A_865 = arith.constant 0 : i32
        %dma_start3A_866 = tpu.memref_slice %arg6[%dma_start3A_858, %dma_start3A_865] : memref<8x40xi32, #tpu.memory_space<vmem>> -> memref<1x40xi32, #tpu.memory_space<vmem>>
        %dma_start3A_867 = tpu.memref_squeeze %dma_start3A_866 : memref<1x40xi32, #tpu.memory_space<vmem>> -> memref<40xi32, #tpu.memory_space<vmem>>
        %dma_start3A_868 = arith.constant 0 : i32
        %dma_start3A_869 = tpu.memref_slice %arg3[%arg1, %sub3A_768, %dma_start3A_868] : memref<16x500x40xi32, #tpu.memory_space<hbm>> -> memref<1x1x40xi32, #tpu.memory_space<hbm>>
        %dma_start3A_870 = tpu.memref_squeeze %dma_start3A_869 : memref<1x1x40xi32, #tpu.memory_space<hbm>> -> memref<40xi32, #tpu.memory_space<hbm>>
        tpu.enqueue_dma source(%dma_start3A_870 : memref<40xi32, #tpu.memory_space<hbm>>) target(%dma_start3A_867 : memref<40xi32, #tpu.memory_space<vmem>>) target_semaphore(%arg12 : memref<!tpu.dma_semaphore, #tpu.memory_space<semaphore_mem>>)
        %dma_start3A_871 = arith.constant 1 : i32
        %dma_start3A_872 = arith.constant 0 : i32
        %dma_start3A_873 = tpu.memref_slice %arg7[%dma_start3A_871, %dma_start3A_872] : memref<8x40xi32, #tpu.memory_space<vmem>> -> memref<1x40xi32, #tpu.memory_space<vmem>>
        %dma_start3A_874 = tpu.memref_squeeze %dma_start3A_873 : memref<1x40xi32, #tpu.memory_space<vmem>> -> memref<40xi32, #tpu.memory_space<vmem>>
        %dma_start3A_875 = arith.constant 0 : i32
        %dma_start3A_876 = tpu.memref_slice %arg4[%arg1, %sub3A_768, %dma_start3A_875] : memref<16x500x40xi32, #tpu.memory_space<hbm>> -> memref<1x1x40xi32, #tpu.memory_space<hbm>>
        %dma_start3A_877 = tpu.memref_squeeze %dma_start3A_876 : memref<1x1x40xi32, #tpu.memory_space<hbm>> -> memref<40xi32, #tpu.memory_space<hbm>>
        %dma_start3A_878 = arith.constant 0 : i32
        %dma_start3A_879 = tpu.memref_slice %arg7[%dma_start3A_871, %dma_start3A_878] : memref<8x40xi32, #tpu.memory_space<vmem>> -> memref<1x40xi32, #tpu.memory_space<vmem>>
        %dma_start3A_880 = tpu.memref_squeeze %dma_start3A_879 : memref<1x40xi32, #tpu.memory_space<vmem>> -> memref<40xi32, #tpu.memory_space<vmem>>
        %dma_start3A_881 = arith.constant 0 : i32
        %dma_start3A_882 = tpu.memref_slice %arg4[%arg1, %sub3A_768, %dma_start3A_881] : memref<16x500x40xi32, #tpu.memory_space<hbm>> -> memref<1x1x40xi32, #tpu.memory_space<hbm>>
        %dma_start3A_883 = tpu.memref_squeeze %dma_start3A_882 : memref<1x1x40xi32, #tpu.memory_space<hbm>> -> memref<40xi32, #tpu.memory_space<hbm>>
        tpu.enqueue_dma source(%dma_start3A_883 : memref<40xi32, #tpu.memory_space<hbm>>) target(%dma_start3A_880 : memref<40xi32, #tpu.memory_space<vmem>>) target_semaphore(%arg20 : memref<!tpu.dma_semaphore, #tpu.memory_space<semaphore_mem>>)
      } else {
      }
      %mul3A_774 = arith.constant 8 : i32
      %mul3A_775 = arith.muli %scan3A_636, %mul3A_774 : i32
      %add3A_776 = arith.constant 5 : i32
      %add3A_777 = arith.addi %mul3A_775, %add3A_776 : i32
      %lt3A_778 = arith.constant 500 : i32
      %lt3A_779 = arith.cmpi slt, %add3A_777, %lt3A_778 : i32
      %convert_element_type3A_780 = arith.extui %lt3A_779 : i1 to i32
      %cond3A_781 = arith.constant 0 : i32
      %cond3A_782 = arith.cmpi ne, %convert_element_type3A_780, %cond3A_781 : i32
      scf.if %cond3A_782 {
        %dma_wait3A_858 = arith.constant 5 : i32
        %dma_wait3A_859 = arith.constant 0 : i32
        %dma_wait3A_860 = tpu.memref_slice %arg7[%dma_wait3A_858, %dma_wait3A_859] : memref<8x40xi32, #tpu.memory_space<vmem>> -> memref<1x40xi32, #tpu.memory_space<vmem>>
        %dma_wait3A_861 = tpu.memref_squeeze %dma_wait3A_860 : memref<1x40xi32, #tpu.memory_space<vmem>> -> memref<40xi32, #tpu.memory_space<vmem>>
        %dma_wait3A_862 = arith.constant 0 : i32
        %dma_wait3A_863 = tpu.memref_slice %arg4[%arg1, %add3A_777, %dma_wait3A_862] : memref<16x500x40xi32, #tpu.memory_space<hbm>> -> memref<1x1x40xi32, #tpu.memory_space<hbm>>
        %dma_wait3A_864 = tpu.memref_squeeze %dma_wait3A_863 : memref<1x1x40xi32, #tpu.memory_space<hbm>> -> memref<40xi32, #tpu.memory_space<hbm>>
        %dma_wait3A_865 = arith.constant 0 : i32
        %dma_wait3A_866 = tpu.memref_slice %arg7[%dma_wait3A_858, %dma_wait3A_865] : memref<8x40xi32, #tpu.memory_space<vmem>> -> memref<1x40xi32, #tpu.memory_space<vmem>>
        %dma_wait3A_867 = tpu.memref_squeeze %dma_wait3A_866 : memref<1x40xi32, #tpu.memory_space<vmem>> -> memref<40xi32, #tpu.memory_space<vmem>>
        %dma_wait3A_868 = arith.constant 0 : i32
        %dma_wait3A_869 = tpu.memref_slice %arg4[%arg1, %add3A_777, %dma_wait3A_868] : memref<16x500x40xi32, #tpu.memory_space<hbm>> -> memref<1x1x40xi32, #tpu.memory_space<hbm>>
        %dma_wait3A_870 = tpu.memref_squeeze %dma_wait3A_869 : memref<1x1x40xi32, #tpu.memory_space<hbm>> -> memref<40xi32, #tpu.memory_space<hbm>>
        tpu.wait_dma2 semaphore(%arg24 : memref<!tpu.dma_semaphore, #tpu.memory_space<semaphore_mem>>) src(%dma_wait3A_870 : memref<40xi32, #tpu.memory_space<hbm>>) dst(%dma_wait3A_867 : memref<40xi32, #tpu.memory_space<vmem>>)
        %dma_start3A_871 = arith.constant 5 : i32
        %dma_start3A_872 = arith.constant 1 : i32
        %dma_start3A_873 = arith.constant 0 : i32
        %dma_start3A_874 = arith.constant 0 : i32
        %dma_start3A_875 = tpu.memref_slice %arg8[%dma_start3A_872, %dma_start3A_873, %dma_start3A_874] : memref<4x40x128xf32, #tpu.memory_space<vmem>> -> memref<1x40x128xf32, #tpu.memory_space<vmem>>
        %dma_start3A_876 = tpu.memref_squeeze %dma_start3A_875 : memref<1x40x128xf32, #tpu.memory_space<vmem>> -> memref<40x128xf32, #tpu.memory_space<vmem>>
        %dma_start3A_877 = arith.constant 0 : i32
        %dma_start3A_878 = tpu.memref_slice %arg7[%dma_start3A_871, %dma_start3A_877] : memref<8x40xi32, #tpu.memory_space<vmem>> -> memref<1x40xi32, #tpu.memory_space<vmem>>
        %dma_start3A_879 = tpu.memref_squeeze %dma_start3A_878 : memref<1x40xi32, #tpu.memory_space<vmem>> -> memref<40xi32, #tpu.memory_space<vmem>>
        %dma_start3A_880 = arith.constant 0 : i32
        %dma_start3A_881 = arith.constant 0 : i32
        %dma_start3A_882 = tpu.memref_slice %arg2[%dma_start3A_880, %dma_start3A_881] : memref<10000x128xf32, #tpu.memory_space<hbm>> -> memref<10000x128xf32, #tpu.memory_space<hbm>>
        tpu.enqueue_indirect_dma source(%dma_start3A_882 : memref<10000x128xf32, #tpu.memory_space<hbm>>) target(%dma_start3A_876 : memref<40x128xf32, #tpu.memory_space<vmem>>) offsets(%dma_start3A_879 : memref<40xi32, #tpu.memory_space<vmem>>) semaphore(%arg28 : memref<!tpu.dma_semaphore, #tpu.memory_space<semaphore_mem>>)
      } else {
      }
      %sub3A_783 = arith.constant 3 : i32
      %sub3A_784 = arith.subi %add3A_777, %sub3A_783 : i32
      %ge3A_785 = arith.constant 0 : i32
      %ge3A_786 = arith.cmpi sge, %sub3A_784, %ge3A_785 : i32
      %lt3A_787 = arith.constant 500 : i32
      %lt3A_788 = arith.cmpi slt, %sub3A_784, %lt3A_787 : i32
      %and3A_789 = arith.andi %ge3A_786, %lt3A_788 : i1
      %convert_element_type3A_790 = arith.extui %and3A_789 : i1 to i32
      %cond3A_791 = arith.constant 0 : i32
      %cond3A_792 = arith.cmpi ne, %convert_element_type3A_790, %cond3A_791 : i32
      scf.if %cond3A_792 {
        %dma_wait3A_858 = arith.constant 2 : i32
        %dma_wait3A_859 = arith.constant 2 : i32
        %dma_wait3A_860 = arith.constant 0 : i32
        %dma_wait3A_861 = arith.constant 0 : i32
        %dma_wait3A_862 = tpu.memref_slice %arg8[%dma_wait3A_859, %dma_wait3A_860, %dma_wait3A_861] : memref<4x40x128xf32, #tpu.memory_space<vmem>> -> memref<1x40x128xf32, #tpu.memory_space<vmem>>
        %dma_wait3A_863 = tpu.memref_squeeze %dma_wait3A_862 : memref<1x40x128xf32, #tpu.memory_space<vmem>> -> memref<40x128xf32, #tpu.memory_space<vmem>>
        %dma_wait3A_864 = arith.constant 0 : i32
        %dma_wait3A_865 = tpu.memref_slice %arg7[%dma_wait3A_858, %dma_wait3A_864] : memref<8x40xi32, #tpu.memory_space<vmem>> -> memref<1x40xi32, #tpu.memory_space<vmem>>
        %dma_wait3A_866 = tpu.memref_squeeze %dma_wait3A_865 : memref<1x40xi32, #tpu.memory_space<vmem>> -> memref<40xi32, #tpu.memory_space<vmem>>
        %dma_wait3A_867 = arith.constant 0 : i32
        %dma_wait3A_868 = arith.constant 0 : i32
        %dma_wait3A_869 = tpu.memref_slice %arg2[%dma_wait3A_867, %dma_wait3A_868] : memref<10000x128xf32, #tpu.memory_space<hbm>> -> memref<10000x128xf32, #tpu.memory_space<hbm>>
        tpu.wait_indirect_dma semaphore(%arg29 : memref<!tpu.dma_semaphore, #tpu.memory_space<semaphore_mem>>) src(%dma_wait3A_869 : memref<10000x128xf32, #tpu.memory_space<hbm>>) dst(%dma_wait3A_863 : memref<40x128xf32, #tpu.memory_space<vmem>>)
        %dma_wait3A_870 = arith.constant 2 : i32
        %dma_wait3A_871 = arith.constant 0 : i32
        %dma_wait3A_872 = tpu.memref_slice %arg6[%dma_wait3A_870, %dma_wait3A_871] : memref<8x40xi32, #tpu.memory_space<vmem>> -> memref<1x40xi32, #tpu.memory_space<vmem>>
        %dma_wait3A_873 = tpu.memref_squeeze %dma_wait3A_872 : memref<1x40xi32, #tpu.memory_space<vmem>> -> memref<40xi32, #tpu.memory_space<vmem>>
        %dma_wait3A_874 = arith.constant 0 : i32
        %dma_wait3A_875 = tpu.memref_slice %arg3[%arg1, %sub3A_784, %dma_wait3A_874] : memref<16x500x40xi32, #tpu.memory_space<hbm>> -> memref<1x1x40xi32, #tpu.memory_space<hbm>>
        %dma_wait3A_876 = tpu.memref_squeeze %dma_wait3A_875 : memref<1x1x40xi32, #tpu.memory_space<hbm>> -> memref<40xi32, #tpu.memory_space<hbm>>
        %dma_wait3A_877 = arith.constant 0 : i32
        %dma_wait3A_878 = tpu.memref_slice %arg6[%dma_wait3A_870, %dma_wait3A_877] : memref<8x40xi32, #tpu.memory_space<vmem>> -> memref<1x40xi32, #tpu.memory_space<vmem>>
        %dma_wait3A_879 = tpu.memref_squeeze %dma_wait3A_878 : memref<1x40xi32, #tpu.memory_space<vmem>> -> memref<40xi32, #tpu.memory_space<vmem>>
        %dma_wait3A_880 = arith.constant 0 : i32
        %dma_wait3A_881 = tpu.memref_slice %arg3[%arg1, %sub3A_784, %dma_wait3A_880] : memref<16x500x40xi32, #tpu.memory_space<hbm>> -> memref<1x1x40xi32, #tpu.memory_space<hbm>>
        %dma_wait3A_882 = tpu.memref_squeeze %dma_wait3A_881 : memref<1x1x40xi32, #tpu.memory_space<hbm>> -> memref<40xi32, #tpu.memory_space<hbm>>
        tpu.wait_dma2 semaphore(%arg13 : memref<!tpu.dma_semaphore, #tpu.memory_space<semaphore_mem>>) src(%dma_wait3A_882 : memref<40xi32, #tpu.memory_space<hbm>>) dst(%dma_wait3A_879 : memref<40xi32, #tpu.memory_space<vmem>>)
        %run_scoped3A = arith.constant 2 : i32
        %run_scoped3A_883 = arith.constant 2 : i32
        "tpu.region"() ({
          %run_scoped3A_884 = tpu.sem_alloc : memref<!tpu.dma_semaphore, #tpu.memory_space<semaphore_mem>>
          %dma_start3A_885 = arith.constant 0 : i32
          %dma_start3A_886 = arith.constant 0 : i32
          %dma_start3A_887 = tpu.memref_slice %arg8[%run_scoped3A, %dma_start3A_885, %dma_start3A_886] : memref<4x40x128xf32, #tpu.memory_space<vmem>> -> memref<1x40x128xf32, #tpu.memory_space<vmem>>
          %dma_start3A_888 = tpu.memref_squeeze %dma_start3A_887 : memref<1x40x128xf32, #tpu.memory_space<vmem>> -> memref<40x128xf32, #tpu.memory_space<vmem>>
          %dma_start3A_889 = arith.constant 0 : i32
          %dma_start3A_890 = tpu.memref_slice %arg6[%run_scoped3A_883, %dma_start3A_889] : memref<8x40xi32, #tpu.memory_space<vmem>> -> memref<1x40xi32, #tpu.memory_space<vmem>>
          %dma_start3A_891 = tpu.memref_squeeze %dma_start3A_890 : memref<1x40xi32, #tpu.memory_space<vmem>> -> memref<40xi32, #tpu.memory_space<vmem>>
          %dma_start3A_892 = arith.constant 0 : i32
          %dma_start3A_893 = arith.constant 0 : i32
          %dma_start3A_894 = tpu.memref_slice %arg10[%dma_start3A_892, %dma_start3A_893] : memref<10240x128xf32, #tpu.memory_space<vmem_shared>> -> memref<10240x128xf32, #tpu.memory_space<vmem_shared>>
          tpu.enqueue_indirect_dma source(%dma_start3A_888 : memref<40x128xf32, #tpu.memory_space<vmem>>) target(%dma_start3A_894 : memref<10240x128xf32, #tpu.memory_space<vmem_shared>>) offsets(%dma_start3A_891 : memref<40xi32, #tpu.memory_space<vmem>>) semaphore(%run_scoped3A_884 : memref<!tpu.dma_semaphore, #tpu.memory_space<semaphore_mem>>) {add = true}
          %dma_wait3A_895 = arith.constant 0 : i32
          %dma_wait3A_896 = arith.constant 0 : i32
          %dma_wait3A_897 = tpu.memref_slice %arg8[%run_scoped3A, %dma_wait3A_895, %dma_wait3A_896] : memref<4x40x128xf32, #tpu.memory_space<vmem>> -> memref<1x40x128xf32, #tpu.memory_space<vmem>>
          %dma_wait3A_898 = tpu.memref_squeeze %dma_wait3A_897 : memref<1x40x128xf32, #tpu.memory_space<vmem>> -> memref<40x128xf32, #tpu.memory_space<vmem>>
          %dma_wait3A_899 = arith.constant 0 : i32
          %dma_wait3A_900 = tpu.memref_slice %arg6[%run_scoped3A_883, %dma_wait3A_899] : memref<8x40xi32, #tpu.memory_space<vmem>> -> memref<1x40xi32, #tpu.memory_space<vmem>>
          %dma_wait3A_901 = tpu.memref_squeeze %dma_wait3A_900 : memref<1x40xi32, #tpu.memory_space<vmem>> -> memref<40xi32, #tpu.memory_space<vmem>>
          %dma_wait3A_902 = arith.constant 0 : i32
          %dma_wait3A_903 = arith.constant 0 : i32
          %dma_wait3A_904 = tpu.memref_slice %arg10[%dma_wait3A_902, %dma_wait3A_903] : memref<10240x128xf32, #tpu.memory_space<vmem_shared>> -> memref<10240x128xf32, #tpu.memory_space<vmem_shared>>
          tpu.wait_indirect_dma semaphore(%run_scoped3A_884 : memref<!tpu.dma_semaphore, #tpu.memory_space<semaphore_mem>>) src(%dma_wait3A_898 : memref<40x128xf32, #tpu.memory_space<vmem>>) dst(%dma_wait3A_904 : memref<10240x128xf32, #tpu.memory_space<vmem_shared>>)
          tpu.yield
        }) : () -> ()
      } else {
      }
      %add3A_793 = arith.constant 8 : i32
      %add3A_794 = arith.addi %add3A_777, %add3A_793 : i32
      %sub3A_795 = arith.constant 3 : i32
      %sub3A_796 = arith.subi %add3A_794, %sub3A_795 : i32
      %lt3A_797 = arith.constant 500 : i32
      %lt3A_798 = arith.cmpi slt, %sub3A_796, %lt3A_797 : i32
      %convert_element_type3A_799 = arith.extui %lt3A_798 : i1 to i32
      %cond3A_800 = arith.constant 0 : i32
      %cond3A_801 = arith.cmpi ne, %convert_element_type3A_799, %cond3A_800 : i32
      scf.if %cond3A_801 {
        %dma_start3A_858 = arith.constant 2 : i32
        %dma_start3A_859 = arith.constant 0 : i32
        %dma_start3A_860 = tpu.memref_slice %arg6[%dma_start3A_858, %dma_start3A_859] : memref<8x40xi32, #tpu.memory_space<vmem>> -> memref<1x40xi32, #tpu.memory_space<vmem>>
        %dma_start3A_861 = tpu.memref_squeeze %dma_start3A_860 : memref<1x40xi32, #tpu.memory_space<vmem>> -> memref<40xi32, #tpu.memory_space<vmem>>
        %dma_start3A_862 = arith.constant 0 : i32
        %dma_start3A_863 = tpu.memref_slice %arg3[%arg1, %sub3A_796, %dma_start3A_862] : memref<16x500x40xi32, #tpu.memory_space<hbm>> -> memref<1x1x40xi32, #tpu.memory_space<hbm>>
        %dma_start3A_864 = tpu.memref_squeeze %dma_start3A_863 : memref<1x1x40xi32, #tpu.memory_space<hbm>> -> memref<40xi32, #tpu.memory_space<hbm>>
        %dma_start3A_865 = arith.constant 0 : i32
        %dma_start3A_866 = tpu.memref_slice %arg6[%dma_start3A_858, %dma_start3A_865] : memref<8x40xi32, #tpu.memory_space<vmem>> -> memref<1x40xi32, #tpu.memory_space<vmem>>
        %dma_start3A_867 = tpu.memref_squeeze %dma_start3A_866 : memref<1x40xi32, #tpu.memory_space<vmem>> -> memref<40xi32, #tpu.memory_space<vmem>>
        %dma_start3A_868 = arith.constant 0 : i32
        %dma_start3A_869 = tpu.memref_slice %arg3[%arg1, %sub3A_796, %dma_start3A_868] : memref<16x500x40xi32, #tpu.memory_space<hbm>> -> memref<1x1x40xi32, #tpu.memory_space<hbm>>
        %dma_start3A_870 = tpu.memref_squeeze %dma_start3A_869 : memref<1x1x40xi32, #tpu.memory_space<hbm>> -> memref<40xi32, #tpu.memory_space<hbm>>
        tpu.enqueue_dma source(%dma_start3A_870 : memref<40xi32, #tpu.memory_space<hbm>>) target(%dma_start3A_867 : memref<40xi32, #tpu.memory_space<vmem>>) target_semaphore(%arg13 : memref<!tpu.dma_semaphore, #tpu.memory_space<semaphore_mem>>)
        %dma_start3A_871 = arith.constant 2 : i32
        %dma_start3A_872 = arith.constant 0 : i32
        %dma_start3A_873 = tpu.memref_slice %arg7[%dma_start3A_871, %dma_start3A_872] : memref<8x40xi32, #tpu.memory_space<vmem>> -> memref<1x40xi32, #tpu.memory_space<vmem>>
        %dma_start3A_874 = tpu.memref_squeeze %dma_start3A_873 : memref<1x40xi32, #tpu.memory_space<vmem>> -> memref<40xi32, #tpu.memory_space<vmem>>
        %dma_start3A_875 = arith.constant 0 : i32
        %dma_start3A_876 = tpu.memref_slice %arg4[%arg1, %sub3A_796, %dma_start3A_875] : memref<16x500x40xi32, #tpu.memory_space<hbm>> -> memref<1x1x40xi32, #tpu.memory_space<hbm>>
        %dma_start3A_877 = tpu.memref_squeeze %dma_start3A_876 : memref<1x1x40xi32, #tpu.memory_space<hbm>> -> memref<40xi32, #tpu.memory_space<hbm>>
        %dma_start3A_878 = arith.constant 0 : i32
        %dma_start3A_879 = tpu.memref_slice %arg7[%dma_start3A_871, %dma_start3A_878] : memref<8x40xi32, #tpu.memory_space<vmem>> -> memref<1x40xi32, #tpu.memory_space<vmem>>
        %dma_start3A_880 = tpu.memref_squeeze %dma_start3A_879 : memref<1x40xi32, #tpu.memory_space<vmem>> -> memref<40xi32, #tpu.memory_space<vmem>>
        %dma_start3A_881 = arith.constant 0 : i32
        %dma_start3A_882 = tpu.memref_slice %arg4[%arg1, %sub3A_796, %dma_start3A_881] : memref<16x500x40xi32, #tpu.memory_space<hbm>> -> memref<1x1x40xi32, #tpu.memory_space<hbm>>
        %dma_start3A_883 = tpu.memref_squeeze %dma_start3A_882 : memref<1x1x40xi32, #tpu.memory_space<hbm>> -> memref<40xi32, #tpu.memory_space<hbm>>
        tpu.enqueue_dma source(%dma_start3A_883 : memref<40xi32, #tpu.memory_space<hbm>>) target(%dma_start3A_880 : memref<40xi32, #tpu.memory_space<vmem>>) target_semaphore(%arg21 : memref<!tpu.dma_semaphore, #tpu.memory_space<semaphore_mem>>)
      } else {
      }
      %mul3A_802 = arith.constant 8 : i32
      %mul3A_803 = arith.muli %scan3A_636, %mul3A_802 : i32
      %add3A_804 = arith.constant 6 : i32
      %add3A_805 = arith.addi %mul3A_803, %add3A_804 : i32
      %lt3A_806 = arith.constant 500 : i32
      %lt3A_807 = arith.cmpi slt, %add3A_805, %lt3A_806 : i32
      %convert_element_type3A_808 = arith.extui %lt3A_807 : i1 to i32
      %cond3A_809 = arith.constant 0 : i32
      %cond3A_810 = arith.cmpi ne, %convert_element_type3A_808, %cond3A_809 : i32
      scf.if %cond3A_810 {
        %dma_wait3A_858 = arith.constant 6 : i32
        %dma_wait3A_859 = arith.constant 0 : i32
        %dma_wait3A_860 = tpu.memref_slice %arg7[%dma_wait3A_858, %dma_wait3A_859] : memref<8x40xi32, #tpu.memory_space<vmem>> -> memref<1x40xi32, #tpu.memory_space<vmem>>
        %dma_wait3A_861 = tpu.memref_squeeze %dma_wait3A_860 : memref<1x40xi32, #tpu.memory_space<vmem>> -> memref<40xi32, #tpu.memory_space<vmem>>
        %dma_wait3A_862 = arith.constant 0 : i32
        %dma_wait3A_863 = tpu.memref_slice %arg4[%arg1, %add3A_805, %dma_wait3A_862] : memref<16x500x40xi32, #tpu.memory_space<hbm>> -> memref<1x1x40xi32, #tpu.memory_space<hbm>>
        %dma_wait3A_864 = tpu.memref_squeeze %dma_wait3A_863 : memref<1x1x40xi32, #tpu.memory_space<hbm>> -> memref<40xi32, #tpu.memory_space<hbm>>
        %dma_wait3A_865 = arith.constant 0 : i32
        %dma_wait3A_866 = tpu.memref_slice %arg7[%dma_wait3A_858, %dma_wait3A_865] : memref<8x40xi32, #tpu.memory_space<vmem>> -> memref<1x40xi32, #tpu.memory_space<vmem>>
        %dma_wait3A_867 = tpu.memref_squeeze %dma_wait3A_866 : memref<1x40xi32, #tpu.memory_space<vmem>> -> memref<40xi32, #tpu.memory_space<vmem>>
        %dma_wait3A_868 = arith.constant 0 : i32
        %dma_wait3A_869 = tpu.memref_slice %arg4[%arg1, %add3A_805, %dma_wait3A_868] : memref<16x500x40xi32, #tpu.memory_space<hbm>> -> memref<1x1x40xi32, #tpu.memory_space<hbm>>
        %dma_wait3A_870 = tpu.memref_squeeze %dma_wait3A_869 : memref<1x1x40xi32, #tpu.memory_space<hbm>> -> memref<40xi32, #tpu.memory_space<hbm>>
        tpu.wait_dma2 semaphore(%arg25 : memref<!tpu.dma_semaphore, #tpu.memory_space<semaphore_mem>>) src(%dma_wait3A_870 : memref<40xi32, #tpu.memory_space<hbm>>) dst(%dma_wait3A_867 : memref<40xi32, #tpu.memory_space<vmem>>)
        %dma_start3A_871 = arith.constant 6 : i32
        %dma_start3A_872 = arith.constant 2 : i32
        %dma_start3A_873 = arith.constant 0 : i32
        %dma_start3A_874 = arith.constant 0 : i32
        %dma_start3A_875 = tpu.memref_slice %arg8[%dma_start3A_872, %dma_start3A_873, %dma_start3A_874] : memref<4x40x128xf32, #tpu.memory_space<vmem>> -> memref<1x40x128xf32, #tpu.memory_space<vmem>>
        %dma_start3A_876 = tpu.memref_squeeze %dma_start3A_875 : memref<1x40x128xf32, #tpu.memory_space<vmem>> -> memref<40x128xf32, #tpu.memory_space<vmem>>
        %dma_start3A_877 = arith.constant 0 : i32
        %dma_start3A_878 = tpu.memref_slice %arg7[%dma_start3A_871, %dma_start3A_877] : memref<8x40xi32, #tpu.memory_space<vmem>> -> memref<1x40xi32, #tpu.memory_space<vmem>>
        %dma_start3A_879 = tpu.memref_squeeze %dma_start3A_878 : memref<1x40xi32, #tpu.memory_space<vmem>> -> memref<40xi32, #tpu.memory_space<vmem>>
        %dma_start3A_880 = arith.constant 0 : i32
        %dma_start3A_881 = arith.constant 0 : i32
        %dma_start3A_882 = tpu.memref_slice %arg2[%dma_start3A_880, %dma_start3A_881] : memref<10000x128xf32, #tpu.memory_space<hbm>> -> memref<10000x128xf32, #tpu.memory_space<hbm>>
        tpu.enqueue_indirect_dma source(%dma_start3A_882 : memref<10000x128xf32, #tpu.memory_space<hbm>>) target(%dma_start3A_876 : memref<40x128xf32, #tpu.memory_space<vmem>>) offsets(%dma_start3A_879 : memref<40xi32, #tpu.memory_space<vmem>>) semaphore(%arg29 : memref<!tpu.dma_semaphore, #tpu.memory_space<semaphore_mem>>)
      } else {
      }
      %sub3A_811 = arith.constant 3 : i32
      %sub3A_812 = arith.subi %add3A_805, %sub3A_811 : i32
      %ge3A_813 = arith.constant 0 : i32
      %ge3A_814 = arith.cmpi sge, %sub3A_812, %ge3A_813 : i32
      %lt3A_815 = arith.constant 500 : i32
      %lt3A_816 = arith.cmpi slt, %sub3A_812, %lt3A_815 : i32
      %and3A_817 = arith.andi %ge3A_814, %lt3A_816 : i1
      %convert_element_type3A_818 = arith.extui %and3A_817 : i1 to i32
      %cond3A_819 = arith.constant 0 : i32
      %cond3A_820 = arith.cmpi ne, %convert_element_type3A_818, %cond3A_819 : i32
      scf.if %cond3A_820 {
        %dma_wait3A_858 = arith.constant 3 : i32
        %dma_wait3A_859 = arith.constant 3 : i32
        %dma_wait3A_860 = arith.constant 0 : i32
        %dma_wait3A_861 = arith.constant 0 : i32
        %dma_wait3A_862 = tpu.memref_slice %arg8[%dma_wait3A_859, %dma_wait3A_860, %dma_wait3A_861] : memref<4x40x128xf32, #tpu.memory_space<vmem>> -> memref<1x40x128xf32, #tpu.memory_space<vmem>>
        %dma_wait3A_863 = tpu.memref_squeeze %dma_wait3A_862 : memref<1x40x128xf32, #tpu.memory_space<vmem>> -> memref<40x128xf32, #tpu.memory_space<vmem>>
        %dma_wait3A_864 = arith.constant 0 : i32
        %dma_wait3A_865 = tpu.memref_slice %arg7[%dma_wait3A_858, %dma_wait3A_864] : memref<8x40xi32, #tpu.memory_space<vmem>> -> memref<1x40xi32, #tpu.memory_space<vmem>>
        %dma_wait3A_866 = tpu.memref_squeeze %dma_wait3A_865 : memref<1x40xi32, #tpu.memory_space<vmem>> -> memref<40xi32, #tpu.memory_space<vmem>>
        %dma_wait3A_867 = arith.constant 0 : i32
        %dma_wait3A_868 = arith.constant 0 : i32
        %dma_wait3A_869 = tpu.memref_slice %arg2[%dma_wait3A_867, %dma_wait3A_868] : memref<10000x128xf32, #tpu.memory_space<hbm>> -> memref<10000x128xf32, #tpu.memory_space<hbm>>
        tpu.wait_indirect_dma semaphore(%arg30 : memref<!tpu.dma_semaphore, #tpu.memory_space<semaphore_mem>>) src(%dma_wait3A_869 : memref<10000x128xf32, #tpu.memory_space<hbm>>) dst(%dma_wait3A_863 : memref<40x128xf32, #tpu.memory_space<vmem>>)
        %dma_wait3A_870 = arith.constant 3 : i32
        %dma_wait3A_871 = arith.constant 0 : i32
        %dma_wait3A_872 = tpu.memref_slice %arg6[%dma_wait3A_870, %dma_wait3A_871] : memref<8x40xi32, #tpu.memory_space<vmem>> -> memref<1x40xi32, #tpu.memory_space<vmem>>
        %dma_wait3A_873 = tpu.memref_squeeze %dma_wait3A_872 : memref<1x40xi32, #tpu.memory_space<vmem>> -> memref<40xi32, #tpu.memory_space<vmem>>
        %dma_wait3A_874 = arith.constant 0 : i32
        %dma_wait3A_875 = tpu.memref_slice %arg3[%arg1, %sub3A_812, %dma_wait3A_874] : memref<16x500x40xi32, #tpu.memory_space<hbm>> -> memref<1x1x40xi32, #tpu.memory_space<hbm>>
        %dma_wait3A_876 = tpu.memref_squeeze %dma_wait3A_875 : memref<1x1x40xi32, #tpu.memory_space<hbm>> -> memref<40xi32, #tpu.memory_space<hbm>>
        %dma_wait3A_877 = arith.constant 0 : i32
        %dma_wait3A_878 = tpu.memref_slice %arg6[%dma_wait3A_870, %dma_wait3A_877] : memref<8x40xi32, #tpu.memory_space<vmem>> -> memref<1x40xi32, #tpu.memory_space<vmem>>
        %dma_wait3A_879 = tpu.memref_squeeze %dma_wait3A_878 : memref<1x40xi32, #tpu.memory_space<vmem>> -> memref<40xi32, #tpu.memory_space<vmem>>
        %dma_wait3A_880 = arith.constant 0 : i32
        %dma_wait3A_881 = tpu.memref_slice %arg3[%arg1, %sub3A_812, %dma_wait3A_880] : memref<16x500x40xi32, #tpu.memory_space<hbm>> -> memref<1x1x40xi32, #tpu.memory_space<hbm>>
        %dma_wait3A_882 = tpu.memref_squeeze %dma_wait3A_881 : memref<1x1x40xi32, #tpu.memory_space<hbm>> -> memref<40xi32, #tpu.memory_space<hbm>>
        tpu.wait_dma2 semaphore(%arg14 : memref<!tpu.dma_semaphore, #tpu.memory_space<semaphore_mem>>) src(%dma_wait3A_882 : memref<40xi32, #tpu.memory_space<hbm>>) dst(%dma_wait3A_879 : memref<40xi32, #tpu.memory_space<vmem>>)
        %run_scoped3A = arith.constant 3 : i32
        %run_scoped3A_883 = arith.constant 3 : i32
        "tpu.region"() ({
          %run_scoped3A_884 = tpu.sem_alloc : memref<!tpu.dma_semaphore, #tpu.memory_space<semaphore_mem>>
          %dma_start3A_885 = arith.constant 0 : i32
          %dma_start3A_886 = arith.constant 0 : i32
          %dma_start3A_887 = tpu.memref_slice %arg8[%run_scoped3A, %dma_start3A_885, %dma_start3A_886] : memref<4x40x128xf32, #tpu.memory_space<vmem>> -> memref<1x40x128xf32, #tpu.memory_space<vmem>>
          %dma_start3A_888 = tpu.memref_squeeze %dma_start3A_887 : memref<1x40x128xf32, #tpu.memory_space<vmem>> -> memref<40x128xf32, #tpu.memory_space<vmem>>
          %dma_start3A_889 = arith.constant 0 : i32
          %dma_start3A_890 = tpu.memref_slice %arg6[%run_scoped3A_883, %dma_start3A_889] : memref<8x40xi32, #tpu.memory_space<vmem>> -> memref<1x40xi32, #tpu.memory_space<vmem>>
          %dma_start3A_891 = tpu.memref_squeeze %dma_start3A_890 : memref<1x40xi32, #tpu.memory_space<vmem>> -> memref<40xi32, #tpu.memory_space<vmem>>
          %dma_start3A_892 = arith.constant 0 : i32
          %dma_start3A_893 = arith.constant 0 : i32
          %dma_start3A_894 = tpu.memref_slice %arg10[%dma_start3A_892, %dma_start3A_893] : memref<10240x128xf32, #tpu.memory_space<vmem_shared>> -> memref<10240x128xf32, #tpu.memory_space<vmem_shared>>
          tpu.enqueue_indirect_dma source(%dma_start3A_888 : memref<40x128xf32, #tpu.memory_space<vmem>>) target(%dma_start3A_894 : memref<10240x128xf32, #tpu.memory_space<vmem_shared>>) offsets(%dma_start3A_891 : memref<40xi32, #tpu.memory_space<vmem>>) semaphore(%run_scoped3A_884 : memref<!tpu.dma_semaphore, #tpu.memory_space<semaphore_mem>>) {add = true}
          %dma_wait3A_895 = arith.constant 0 : i32
          %dma_wait3A_896 = arith.constant 0 : i32
          %dma_wait3A_897 = tpu.memref_slice %arg8[%run_scoped3A, %dma_wait3A_895, %dma_wait3A_896] : memref<4x40x128xf32, #tpu.memory_space<vmem>> -> memref<1x40x128xf32, #tpu.memory_space<vmem>>
          %dma_wait3A_898 = tpu.memref_squeeze %dma_wait3A_897 : memref<1x40x128xf32, #tpu.memory_space<vmem>> -> memref<40x128xf32, #tpu.memory_space<vmem>>
          %dma_wait3A_899 = arith.constant 0 : i32
          %dma_wait3A_900 = tpu.memref_slice %arg6[%run_scoped3A_883, %dma_wait3A_899] : memref<8x40xi32, #tpu.memory_space<vmem>> -> memref<1x40xi32, #tpu.memory_space<vmem>>
          %dma_wait3A_901 = tpu.memref_squeeze %dma_wait3A_900 : memref<1x40xi32, #tpu.memory_space<vmem>> -> memref<40xi32, #tpu.memory_space<vmem>>
          %dma_wait3A_902 = arith.constant 0 : i32
          %dma_wait3A_903 = arith.constant 0 : i32
          %dma_wait3A_904 = tpu.memref_slice %arg10[%dma_wait3A_902, %dma_wait3A_903] : memref<10240x128xf32, #tpu.memory_space<vmem_shared>> -> memref<10240x128xf32, #tpu.memory_space<vmem_shared>>
          tpu.wait_indirect_dma semaphore(%run_scoped3A_884 : memref<!tpu.dma_semaphore, #tpu.memory_space<semaphore_mem>>) src(%dma_wait3A_898 : memref<40x128xf32, #tpu.memory_space<vmem>>) dst(%dma_wait3A_904 : memref<10240x128xf32, #tpu.memory_space<vmem_shared>>)
          tpu.yield
        }) : () -> ()
      } else {
      }
      %add3A_821 = arith.constant 8 : i32
      %add3A_822 = arith.addi %add3A_805, %add3A_821 : i32
      %sub3A_823 = arith.constant 3 : i32
      %sub3A_824 = arith.subi %add3A_822, %sub3A_823 : i32
      %lt3A_825 = arith.constant 500 : i32
      %lt3A_826 = arith.cmpi slt, %sub3A_824, %lt3A_825 : i32
      %convert_element_type3A_827 = arith.extui %lt3A_826 : i1 to i32
      %cond3A_828 = arith.constant 0 : i32
      %cond3A_829 = arith.cmpi ne, %convert_element_type3A_827, %cond3A_828 : i32
      scf.if %cond3A_829 {
        %dma_start3A_858 = arith.constant 3 : i32
        %dma_start3A_859 = arith.constant 0 : i32
        %dma_start3A_860 = tpu.memref_slice %arg6[%dma_start3A_858, %dma_start3A_859] : memref<8x40xi32, #tpu.memory_space<vmem>> -> memref<1x40xi32, #tpu.memory_space<vmem>>
        %dma_start3A_861 = tpu.memref_squeeze %dma_start3A_860 : memref<1x40xi32, #tpu.memory_space<vmem>> -> memref<40xi32, #tpu.memory_space<vmem>>
        %dma_start3A_862 = arith.constant 0 : i32
        %dma_start3A_863 = tpu.memref_slice %arg3[%arg1, %sub3A_824, %dma_start3A_862] : memref<16x500x40xi32, #tpu.memory_space<hbm>> -> memref<1x1x40xi32, #tpu.memory_space<hbm>>
        %dma_start3A_864 = tpu.memref_squeeze %dma_start3A_863 : memref<1x1x40xi32, #tpu.memory_space<hbm>> -> memref<40xi32, #tpu.memory_space<hbm>>
        %dma_start3A_865 = arith.constant 0 : i32
        %dma_start3A_866 = tpu.memref_slice %arg6[%dma_start3A_858, %dma_start3A_865] : memref<8x40xi32, #tpu.memory_space<vmem>> -> memref<1x40xi32, #tpu.memory_space<vmem>>
        %dma_start3A_867 = tpu.memref_squeeze %dma_start3A_866 : memref<1x40xi32, #tpu.memory_space<vmem>> -> memref<40xi32, #tpu.memory_space<vmem>>
        %dma_start3A_868 = arith.constant 0 : i32
        %dma_start3A_869 = tpu.memref_slice %arg3[%arg1, %sub3A_824, %dma_start3A_868] : memref<16x500x40xi32, #tpu.memory_space<hbm>> -> memref<1x1x40xi32, #tpu.memory_space<hbm>>
        %dma_start3A_870 = tpu.memref_squeeze %dma_start3A_869 : memref<1x1x40xi32, #tpu.memory_space<hbm>> -> memref<40xi32, #tpu.memory_space<hbm>>
        tpu.enqueue_dma source(%dma_start3A_870 : memref<40xi32, #tpu.memory_space<hbm>>) target(%dma_start3A_867 : memref<40xi32, #tpu.memory_space<vmem>>) target_semaphore(%arg14 : memref<!tpu.dma_semaphore, #tpu.memory_space<semaphore_mem>>)
        %dma_start3A_871 = arith.constant 3 : i32
        %dma_start3A_872 = arith.constant 0 : i32
        %dma_start3A_873 = tpu.memref_slice %arg7[%dma_start3A_871, %dma_start3A_872] : memref<8x40xi32, #tpu.memory_space<vmem>> -> memref<1x40xi32, #tpu.memory_space<vmem>>
        %dma_start3A_874 = tpu.memref_squeeze %dma_start3A_873 : memref<1x40xi32, #tpu.memory_space<vmem>> -> memref<40xi32, #tpu.memory_space<vmem>>
        %dma_start3A_875 = arith.constant 0 : i32
        %dma_start3A_876 = tpu.memref_slice %arg4[%arg1, %sub3A_824, %dma_start3A_875] : memref<16x500x40xi32, #tpu.memory_space<hbm>> -> memref<1x1x40xi32, #tpu.memory_space<hbm>>
        %dma_start3A_877 = tpu.memref_squeeze %dma_start3A_876 : memref<1x1x40xi32, #tpu.memory_space<hbm>> -> memref<40xi32, #tpu.memory_space<hbm>>
        %dma_start3A_878 = arith.constant 0 : i32
        %dma_start3A_879 = tpu.memref_slice %arg7[%dma_start3A_871, %dma_start3A_878] : memref<8x40xi32, #tpu.memory_space<vmem>> -> memref<1x40xi32, #tpu.memory_space<vmem>>
        %dma_start3A_880 = tpu.memref_squeeze %dma_start3A_879 : memref<1x40xi32, #tpu.memory_space<vmem>> -> memref<40xi32, #tpu.memory_space<vmem>>
        %dma_start3A_881 = arith.constant 0 : i32
        %dma_start3A_882 = tpu.memref_slice %arg4[%arg1, %sub3A_824, %dma_start3A_881] : memref<16x500x40xi32, #tpu.memory_space<hbm>> -> memref<1x1x40xi32, #tpu.memory_space<hbm>>
        %dma_start3A_883 = tpu.memref_squeeze %dma_start3A_882 : memref<1x1x40xi32, #tpu.memory_space<hbm>> -> memref<40xi32, #tpu.memory_space<hbm>>
        tpu.enqueue_dma source(%dma_start3A_883 : memref<40xi32, #tpu.memory_space<hbm>>) target(%dma_start3A_880 : memref<40xi32, #tpu.memory_space<vmem>>) target_semaphore(%arg22 : memref<!tpu.dma_semaphore, #tpu.memory_space<semaphore_mem>>)
      } else {
      }
      %mul3A_830 = arith.constant 8 : i32
      %mul3A_831 = arith.muli %scan3A_636, %mul3A_830 : i32
      %add3A_832 = arith.constant 7 : i32
      %add3A_833 = arith.addi %mul3A_831, %add3A_832 : i32
      %lt3A_834 = arith.constant 500 : i32
      %lt3A_835 = arith.cmpi slt, %add3A_833, %lt3A_834 : i32
      %convert_element_type3A_836 = arith.extui %lt3A_835 : i1 to i32
      %cond3A_837 = arith.constant 0 : i32
      %cond3A_838 = arith.cmpi ne, %convert_element_type3A_836, %cond3A_837 : i32
      scf.if %cond3A_838 {
        %dma_wait3A_858 = arith.constant 7 : i32
        %dma_wait3A_859 = arith.constant 0 : i32
        %dma_wait3A_860 = tpu.memref_slice %arg7[%dma_wait3A_858, %dma_wait3A_859] : memref<8x40xi32, #tpu.memory_space<vmem>> -> memref<1x40xi32, #tpu.memory_space<vmem>>
        %dma_wait3A_861 = tpu.memref_squeeze %dma_wait3A_860 : memref<1x40xi32, #tpu.memory_space<vmem>> -> memref<40xi32, #tpu.memory_space<vmem>>
        %dma_wait3A_862 = arith.constant 0 : i32
        %dma_wait3A_863 = tpu.memref_slice %arg4[%arg1, %add3A_833, %dma_wait3A_862] : memref<16x500x40xi32, #tpu.memory_space<hbm>> -> memref<1x1x40xi32, #tpu.memory_space<hbm>>
        %dma_wait3A_864 = tpu.memref_squeeze %dma_wait3A_863 : memref<1x1x40xi32, #tpu.memory_space<hbm>> -> memref<40xi32, #tpu.memory_space<hbm>>
        %dma_wait3A_865 = arith.constant 0 : i32
        %dma_wait3A_866 = tpu.memref_slice %arg7[%dma_wait3A_858, %dma_wait3A_865] : memref<8x40xi32, #tpu.memory_space<vmem>> -> memref<1x40xi32, #tpu.memory_space<vmem>>
        %dma_wait3A_867 = tpu.memref_squeeze %dma_wait3A_866 : memref<1x40xi32, #tpu.memory_space<vmem>> -> memref<40xi32, #tpu.memory_space<vmem>>
        %dma_wait3A_868 = arith.constant 0 : i32
        %dma_wait3A_869 = tpu.memref_slice %arg4[%arg1, %add3A_833, %dma_wait3A_868] : memref<16x500x40xi32, #tpu.memory_space<hbm>> -> memref<1x1x40xi32, #tpu.memory_space<hbm>>
        %dma_wait3A_870 = tpu.memref_squeeze %dma_wait3A_869 : memref<1x1x40xi32, #tpu.memory_space<hbm>> -> memref<40xi32, #tpu.memory_space<hbm>>
        tpu.wait_dma2 semaphore(%arg26 : memref<!tpu.dma_semaphore, #tpu.memory_space<semaphore_mem>>) src(%dma_wait3A_870 : memref<40xi32, #tpu.memory_space<hbm>>) dst(%dma_wait3A_867 : memref<40xi32, #tpu.memory_space<vmem>>)
        %dma_start3A_871 = arith.constant 7 : i32
        %dma_start3A_872 = arith.constant 3 : i32
        %dma_start3A_873 = arith.constant 0 : i32
        %dma_start3A_874 = arith.constant 0 : i32
        %dma_start3A_875 = tpu.memref_slice %arg8[%dma_start3A_872, %dma_start3A_873, %dma_start3A_874] : memref<4x40x128xf32, #tpu.memory_space<vmem>> -> memref<1x40x128xf32, #tpu.memory_space<vmem>>
        %dma_start3A_876 = tpu.memref_squeeze %dma_start3A_875 : memref<1x40x128xf32, #tpu.memory_space<vmem>> -> memref<40x128xf32, #tpu.memory_space<vmem>>
        %dma_start3A_877 = arith.constant 0 : i32
        %dma_start3A_878 = tpu.memref_slice %arg7[%dma_start3A_871, %dma_start3A_877] : memref<8x40xi32, #tpu.memory_space<vmem>> -> memref<1x40xi32, #tpu.memory_space<vmem>>
        %dma_start3A_879 = tpu.memref_squeeze %dma_start3A_878 : memref<1x40xi32, #tpu.memory_space<vmem>> -> memref<40xi32, #tpu.memory_space<vmem>>
        %dma_start3A_880 = arith.constant 0 : i32
        %dma_start3A_881 = arith.constant 0 : i32
        %dma_start3A_882 = tpu.memref_slice %arg2[%dma_start3A_880, %dma_start3A_881] : memref<10000x128xf32, #tpu.memory_space<hbm>> -> memref<10000x128xf32, #tpu.memory_space<hbm>>
        tpu.enqueue_indirect_dma source(%dma_start3A_882 : memref<10000x128xf32, #tpu.memory_space<hbm>>) target(%dma_start3A_876 : memref<40x128xf32, #tpu.memory_space<vmem>>) offsets(%dma_start3A_879 : memref<40xi32, #tpu.memory_space<vmem>>) semaphore(%arg30 : memref<!tpu.dma_semaphore, #tpu.memory_space<semaphore_mem>>)
      } else {
      }
      %sub3A_839 = arith.constant 3 : i32
      %sub3A_840 = arith.subi %add3A_833, %sub3A_839 : i32
      %ge3A_841 = arith.constant 0 : i32
      %ge3A_842 = arith.cmpi sge, %sub3A_840, %ge3A_841 : i32
      %lt3A_843 = arith.constant 500 : i32
      %lt3A_844 = arith.cmpi slt, %sub3A_840, %lt3A_843 : i32
      %and3A_845 = arith.andi %ge3A_842, %lt3A_844 : i1
      %convert_element_type3A_846 = arith.extui %and3A_845 : i1 to i32
      %cond3A_847 = arith.constant 0 : i32
      %cond3A_848 = arith.cmpi ne, %convert_element_type3A_846, %cond3A_847 : i32
      scf.if %cond3A_848 {
        %dma_wait3A_858 = arith.constant 4 : i32
        %dma_wait3A_859 = arith.constant 0 : i32
        %dma_wait3A_860 = arith.constant 0 : i32
        %dma_wait3A_861 = arith.constant 0 : i32
        %dma_wait3A_862 = tpu.memref_slice %arg8[%dma_wait3A_859, %dma_wait3A_860, %dma_wait3A_861] : memref<4x40x128xf32, #tpu.memory_space<vmem>> -> memref<1x40x128xf32, #tpu.memory_space<vmem>>
        %dma_wait3A_863 = tpu.memref_squeeze %dma_wait3A_862 : memref<1x40x128xf32, #tpu.memory_space<vmem>> -> memref<40x128xf32, #tpu.memory_space<vmem>>
        %dma_wait3A_864 = arith.constant 0 : i32
        %dma_wait3A_865 = tpu.memref_slice %arg7[%dma_wait3A_858, %dma_wait3A_864] : memref<8x40xi32, #tpu.memory_space<vmem>> -> memref<1x40xi32, #tpu.memory_space<vmem>>
        %dma_wait3A_866 = tpu.memref_squeeze %dma_wait3A_865 : memref<1x40xi32, #tpu.memory_space<vmem>> -> memref<40xi32, #tpu.memory_space<vmem>>
        %dma_wait3A_867 = arith.constant 0 : i32
        %dma_wait3A_868 = arith.constant 0 : i32
        %dma_wait3A_869 = tpu.memref_slice %arg2[%dma_wait3A_867, %dma_wait3A_868] : memref<10000x128xf32, #tpu.memory_space<hbm>> -> memref<10000x128xf32, #tpu.memory_space<hbm>>
        tpu.wait_indirect_dma semaphore(%arg27 : memref<!tpu.dma_semaphore, #tpu.memory_space<semaphore_mem>>) src(%dma_wait3A_869 : memref<10000x128xf32, #tpu.memory_space<hbm>>) dst(%dma_wait3A_863 : memref<40x128xf32, #tpu.memory_space<vmem>>)
        %dma_wait3A_870 = arith.constant 4 : i32
        %dma_wait3A_871 = arith.constant 0 : i32
        %dma_wait3A_872 = tpu.memref_slice %arg6[%dma_wait3A_870, %dma_wait3A_871] : memref<8x40xi32, #tpu.memory_space<vmem>> -> memref<1x40xi32, #tpu.memory_space<vmem>>
        %dma_wait3A_873 = tpu.memref_squeeze %dma_wait3A_872 : memref<1x40xi32, #tpu.memory_space<vmem>> -> memref<40xi32, #tpu.memory_space<vmem>>
        %dma_wait3A_874 = arith.constant 0 : i32
        %dma_wait3A_875 = tpu.memref_slice %arg3[%arg1, %sub3A_840, %dma_wait3A_874] : memref<16x500x40xi32, #tpu.memory_space<hbm>> -> memref<1x1x40xi32, #tpu.memory_space<hbm>>
        %dma_wait3A_876 = tpu.memref_squeeze %dma_wait3A_875 : memref<1x1x40xi32, #tpu.memory_space<hbm>> -> memref<40xi32, #tpu.memory_space<hbm>>
        %dma_wait3A_877 = arith.constant 0 : i32
        %dma_wait3A_878 = tpu.memref_slice %arg6[%dma_wait3A_870, %dma_wait3A_877] : memref<8x40xi32, #tpu.memory_space<vmem>> -> memref<1x40xi32, #tpu.memory_space<vmem>>
        %dma_wait3A_879 = tpu.memref_squeeze %dma_wait3A_878 : memref<1x40xi32, #tpu.memory_space<vmem>> -> memref<40xi32, #tpu.memory_space<vmem>>
        %dma_wait3A_880 = arith.constant 0 : i32
        %dma_wait3A_881 = tpu.memref_slice %arg3[%arg1, %sub3A_840, %dma_wait3A_880] : memref<16x500x40xi32, #tpu.memory_space<hbm>> -> memref<1x1x40xi32, #tpu.memory_space<hbm>>
        %dma_wait3A_882 = tpu.memref_squeeze %dma_wait3A_881 : memref<1x1x40xi32, #tpu.memory_space<hbm>> -> memref<40xi32, #tpu.memory_space<hbm>>
        tpu.wait_dma2 semaphore(%arg15 : memref<!tpu.dma_semaphore, #tpu.memory_space<semaphore_mem>>) src(%dma_wait3A_882 : memref<40xi32, #tpu.memory_space<hbm>>) dst(%dma_wait3A_879 : memref<40xi32, #tpu.memory_space<vmem>>)
        %run_scoped3A = arith.constant 0 : i32
        %run_scoped3A_883 = arith.constant 4 : i32
        "tpu.region"() ({
          %run_scoped3A_884 = tpu.sem_alloc : memref<!tpu.dma_semaphore, #tpu.memory_space<semaphore_mem>>
          %dma_start3A_885 = arith.constant 0 : i32
          %dma_start3A_886 = arith.constant 0 : i32
          %dma_start3A_887 = tpu.memref_slice %arg8[%run_scoped3A, %dma_start3A_885, %dma_start3A_886] : memref<4x40x128xf32, #tpu.memory_space<vmem>> -> memref<1x40x128xf32, #tpu.memory_space<vmem>>
          %dma_start3A_888 = tpu.memref_squeeze %dma_start3A_887 : memref<1x40x128xf32, #tpu.memory_space<vmem>> -> memref<40x128xf32, #tpu.memory_space<vmem>>
          %dma_start3A_889 = arith.constant 0 : i32
          %dma_start3A_890 = tpu.memref_slice %arg6[%run_scoped3A_883, %dma_start3A_889] : memref<8x40xi32, #tpu.memory_space<vmem>> -> memref<1x40xi32, #tpu.memory_space<vmem>>
          %dma_start3A_891 = tpu.memref_squeeze %dma_start3A_890 : memref<1x40xi32, #tpu.memory_space<vmem>> -> memref<40xi32, #tpu.memory_space<vmem>>
          %dma_start3A_892 = arith.constant 0 : i32
          %dma_start3A_893 = arith.constant 0 : i32
          %dma_start3A_894 = tpu.memref_slice %arg10[%dma_start3A_892, %dma_start3A_893] : memref<10240x128xf32, #tpu.memory_space<vmem_shared>> -> memref<10240x128xf32, #tpu.memory_space<vmem_shared>>
          tpu.enqueue_indirect_dma source(%dma_start3A_888 : memref<40x128xf32, #tpu.memory_space<vmem>>) target(%dma_start3A_894 : memref<10240x128xf32, #tpu.memory_space<vmem_shared>>) offsets(%dma_start3A_891 : memref<40xi32, #tpu.memory_space<vmem>>) semaphore(%run_scoped3A_884 : memref<!tpu.dma_semaphore, #tpu.memory_space<semaphore_mem>>) {add = true}
          %dma_wait3A_895 = arith.constant 0 : i32
          %dma_wait3A_896 = arith.constant 0 : i32
          %dma_wait3A_897 = tpu.memref_slice %arg8[%run_scoped3A, %dma_wait3A_895, %dma_wait3A_896] : memref<4x40x128xf32, #tpu.memory_space<vmem>> -> memref<1x40x128xf32, #tpu.memory_space<vmem>>
          %dma_wait3A_898 = tpu.memref_squeeze %dma_wait3A_897 : memref<1x40x128xf32, #tpu.memory_space<vmem>> -> memref<40x128xf32, #tpu.memory_space<vmem>>
          %dma_wait3A_899 = arith.constant 0 : i32
          %dma_wait3A_900 = tpu.memref_slice %arg6[%run_scoped3A_883, %dma_wait3A_899] : memref<8x40xi32, #tpu.memory_space<vmem>> -> memref<1x40xi32, #tpu.memory_space<vmem>>
          %dma_wait3A_901 = tpu.memref_squeeze %dma_wait3A_900 : memref<1x40xi32, #tpu.memory_space<vmem>> -> memref<40xi32, #tpu.memory_space<vmem>>
          %dma_wait3A_902 = arith.constant 0 : i32
          %dma_wait3A_903 = arith.constant 0 : i32
          %dma_wait3A_904 = tpu.memref_slice %arg10[%dma_wait3A_902, %dma_wait3A_903] : memref<10240x128xf32, #tpu.memory_space<vmem_shared>> -> memref<10240x128xf32, #tpu.memory_space<vmem_shared>>
          tpu.wait_indirect_dma semaphore(%run_scoped3A_884 : memref<!tpu.dma_semaphore, #tpu.memory_space<semaphore_mem>>) src(%dma_wait3A_898 : memref<40x128xf32, #tpu.memory_space<vmem>>) dst(%dma_wait3A_904 : memref<10240x128xf32, #tpu.memory_space<vmem_shared>>)
          tpu.yield
        }) : () -> ()
      } else {
      }
      %add3A_849 = arith.constant 8 : i32
      %add3A_850 = arith.addi %add3A_833, %add3A_849 : i32
      %sub3A_851 = arith.constant 3 : i32
      %sub3A_852 = arith.subi %add3A_850, %sub3A_851 : i32
      %lt3A_853 = arith.constant 500 : i32
      %lt3A_854 = arith.cmpi slt, %sub3A_852, %lt3A_853 : i32
      %convert_element_type3A_855 = arith.extui %lt3A_854 : i1 to i32
      %cond3A_856 = arith.constant 0 : i32
      %cond3A_857 = arith.cmpi ne, %convert_element_type3A_855, %cond3A_856 : i32
      scf.if %cond3A_857 {
        %dma_start3A_858 = arith.constant 4 : i32
        %dma_start3A_859 = arith.constant 0 : i32
        %dma_start3A_860 = tpu.memref_slice %arg6[%dma_start3A_858, %dma_start3A_859] : memref<8x40xi32, #tpu.memory_space<vmem>> -> memref<1x40xi32, #tpu.memory_space<vmem>>
        %dma_start3A_861 = tpu.memref_squeeze %dma_start3A_860 : memref<1x40xi32, #tpu.memory_space<vmem>> -> memref<40xi32, #tpu.memory_space<vmem>>
        %dma_start3A_862 = arith.constant 0 : i32
        %dma_start3A_863 = tpu.memref_slice %arg3[%arg1, %sub3A_852, %dma_start3A_862] : memref<16x500x40xi32, #tpu.memory_space<hbm>> -> memref<1x1x40xi32, #tpu.memory_space<hbm>>
        %dma_start3A_864 = tpu.memref_squeeze %dma_start3A_863 : memref<1x1x40xi32, #tpu.memory_space<hbm>> -> memref<40xi32, #tpu.memory_space<hbm>>
        %dma_start3A_865 = arith.constant 0 : i32
        %dma_start3A_866 = tpu.memref_slice %arg6[%dma_start3A_858, %dma_start3A_865] : memref<8x40xi32, #tpu.memory_space<vmem>> -> memref<1x40xi32, #tpu.memory_space<vmem>>
        %dma_start3A_867 = tpu.memref_squeeze %dma_start3A_866 : memref<1x40xi32, #tpu.memory_space<vmem>> -> memref<40xi32, #tpu.memory_space<vmem>>
        %dma_start3A_868 = arith.constant 0 : i32
        %dma_start3A_869 = tpu.memref_slice %arg3[%arg1, %sub3A_852, %dma_start3A_868] : memref<16x500x40xi32, #tpu.memory_space<hbm>> -> memref<1x1x40xi32, #tpu.memory_space<hbm>>
        %dma_start3A_870 = tpu.memref_squeeze %dma_start3A_869 : memref<1x1x40xi32, #tpu.memory_space<hbm>> -> memref<40xi32, #tpu.memory_space<hbm>>
        tpu.enqueue_dma source(%dma_start3A_870 : memref<40xi32, #tpu.memory_space<hbm>>) target(%dma_start3A_867 : memref<40xi32, #tpu.memory_space<vmem>>) target_semaphore(%arg15 : memref<!tpu.dma_semaphore, #tpu.memory_space<semaphore_mem>>)
        %dma_start3A_871 = arith.constant 4 : i32
        %dma_start3A_872 = arith.constant 0 : i32
        %dma_start3A_873 = tpu.memref_slice %arg7[%dma_start3A_871, %dma_start3A_872] : memref<8x40xi32, #tpu.memory_space<vmem>> -> memref<1x40xi32, #tpu.memory_space<vmem>>
        %dma_start3A_874 = tpu.memref_squeeze %dma_start3A_873 : memref<1x40xi32, #tpu.memory_space<vmem>> -> memref<40xi32, #tpu.memory_space<vmem>>
        %dma_start3A_875 = arith.constant 0 : i32
        %dma_start3A_876 = tpu.memref_slice %arg4[%arg1, %sub3A_852, %dma_start3A_875] : memref<16x500x40xi32, #tpu.memory_space<hbm>> -> memref<1x1x40xi32, #tpu.memory_space<hbm>>
        %dma_start3A_877 = tpu.memref_squeeze %dma_start3A_876 : memref<1x1x40xi32, #tpu.memory_space<hbm>> -> memref<40xi32, #tpu.memory_space<hbm>>
        %dma_start3A_878 = arith.constant 0 : i32
        %dma_start3A_879 = tpu.memref_slice %arg7[%dma_start3A_871, %dma_start3A_878] : memref<8x40xi32, #tpu.memory_space<vmem>> -> memref<1x40xi32, #tpu.memory_space<vmem>>
        %dma_start3A_880 = tpu.memref_squeeze %dma_start3A_879 : memref<1x40xi32, #tpu.memory_space<vmem>> -> memref<40xi32, #tpu.memory_space<vmem>>
        %dma_start3A_881 = arith.constant 0 : i32
        %dma_start3A_882 = tpu.memref_slice %arg4[%arg1, %sub3A_852, %dma_start3A_881] : memref<16x500x40xi32, #tpu.memory_space<hbm>> -> memref<1x1x40xi32, #tpu.memory_space<hbm>>
        %dma_start3A_883 = tpu.memref_squeeze %dma_start3A_882 : memref<1x1x40xi32, #tpu.memory_space<hbm>> -> memref<40xi32, #tpu.memory_space<hbm>>
        tpu.enqueue_dma source(%dma_start3A_883 : memref<40xi32, #tpu.memory_space<hbm>>) target(%dma_start3A_880 : memref<40xi32, #tpu.memory_space<vmem>>) target_semaphore(%arg23 : memref<!tpu.dma_semaphore, #tpu.memory_space<semaphore_mem>>)
      } else {
      }
    }
    %scan3A_628 = arith.constant 63 : i32
    %barrier3A_629 = arith.constant 0 : index
    tpu.barrier barrier_id(%barrier3A_629)
    %lt3A = arith.constant 15 : i32
    %lt3A_630 = arith.cmpi slt, %arg1, %lt3A : i32
    %convert_element_type3A = arith.extui %lt3A_630 : i1 to i32
    %cond3A = arith.constant 0 : i32
    %cond3A_631 = arith.cmpi ne, %convert_element_type3A, %cond3A : i32
    scf.if %cond3A_631 {
      "tpu.region"() ({
        %run_scoped3A = tpu.sem_alloc : memref<!tpu.dma_semaphore, #tpu.memory_space<semaphore_mem>>
        %dma_start3A_636 = arith.constant 0 : i32
        %dma_start3A_637 = tpu.memref_slice %arg5[%mul3A_0, %dma_start3A_636] : memref<10000x128xf32, #tpu.memory_space<hbm>> -> memref<640x128xf32, #tpu.memory_space<hbm>>
        %dma_start3A_638 = arith.constant 0 : i32
        %dma_start3A_639 = tpu.memref_slice %arg10[%mul3A_0, %dma_start3A_638] : memref<10240x128xf32, #tpu.memory_space<vmem_shared>> -> memref<640x128xf32, #tpu.memory_space<vmem_shared>>
        tpu.enqueue_dma source(%dma_start3A_639 : memref<640x128xf32, #tpu.memory_space<vmem_shared>>) target(%dma_start3A_637 : memref<640x128xf32, #tpu.memory_space<hbm>>) target_semaphore(%run_scoped3A : memref<!tpu.dma_semaphore, #tpu.memory_space<semaphore_mem>>)
        %dma_wait3A_640 = arith.constant 0 : i32
        %dma_wait3A_641 = tpu.memref_slice %arg5[%mul3A_0, %dma_wait3A_640] : memref<10000x128xf32, #tpu.memory_space<hbm>> -> memref<640x128xf32, #tpu.memory_space<hbm>>
        %dma_wait3A_642 = arith.constant 0 : i32
        %dma_wait3A_643 = tpu.memref_slice %arg10[%mul3A_0, %dma_wait3A_642] : memref<10240x128xf32, #tpu.memory_space<vmem_shared>> -> memref<640x128xf32, #tpu.memory_space<vmem_shared>>
        tpu.wait_dma2 semaphore(%run_scoped3A : memref<!tpu.dma_semaphore, #tpu.memory_space<semaphore_mem>>) src(%dma_wait3A_643 : memref<640x128xf32, #tpu.memory_space<vmem_shared>>) dst(%dma_wait3A_641 : memref<640x128xf32, #tpu.memory_space<hbm>>)
        tpu.yield
      }) : () -> ()
    } else {
    }
    %eq3A = arith.constant 15 : i32
    %eq3A_632 = arith.cmpi eq, %arg1, %eq3A : i32
    %convert_element_type3A_633 = arith.extui %eq3A_632 : i1 to i32
    %cond3A_634 = arith.constant 0 : i32
    %cond3A_635 = arith.cmpi ne, %convert_element_type3A_633, %cond3A_634 : i32
    scf.if %cond3A_635 {
      "tpu.region"() ({
        %run_scoped3A = tpu.sem_alloc : memref<!tpu.dma_semaphore, #tpu.memory_space<semaphore_mem>>
        %dma_start3A_636 = arith.constant 0 : i32
        %dma_start3A_637 = tpu.memref_slice %arg5[%mul3A_0, %dma_start3A_636] : memref<10000x128xf32, #tpu.memory_space<hbm>> -> memref<400x128xf32, #tpu.memory_space<hbm>>
        %dma_start3A_638 = arith.constant 0 : i32
        %dma_start3A_639 = tpu.memref_slice %arg10[%mul3A_0, %dma_start3A_638] : memref<10240x128xf32, #tpu.memory_space<vmem_shared>> -> memref<400x128xf32, #tpu.memory_space<vmem_shared>>
        tpu.enqueue_dma source(%dma_start3A_639 : memref<400x128xf32, #tpu.memory_space<vmem_shared>>) target(%dma_start3A_637 : memref<400x128xf32, #tpu.memory_space<hbm>>) target_semaphore(%run_scoped3A : memref<!tpu.dma_semaphore, #tpu.memory_space<semaphore_mem>>)
        %dma_wait3A_640 = arith.constant 0 : i32
        %dma_wait3A_641 = tpu.memref_slice %arg5[%mul3A_0, %dma_wait3A_640] : memref<10000x128xf32, #tpu.memory_space<hbm>> -> memref<400x128xf32, #tpu.memory_space<hbm>>
        %dma_wait3A_642 = arith.constant 0 : i32
        %dma_wait3A_643 = tpu.memref_slice %arg10[%mul3A_0, %dma_wait3A_642] : memref<10240x128xf32, #tpu.memory_space<vmem_shared>> -> memref<400x128xf32, #tpu.memory_space<vmem_shared>>
        tpu.wait_dma2 semaphore(%run_scoped3A : memref<!tpu.dma_semaphore, #tpu.memory_space<semaphore_mem>>) src(%dma_wait3A_643 : memref<400x128xf32, #tpu.memory_space<vmem_shared>>) dst(%dma_wait3A_641 : memref<400x128xf32, #tpu.memory_space<hbm>>)
        tpu.yield
      }) : () -> ()
    } else {
    }
    return
  }
}

module attributes {stable_mosaic.version = 14 : i64} {
  func.func @_mm_body(%arg0: i32, %arg1: memref<1000x128xf32, #tpu.memory_space<vmem>>, %arg2: memref<1x128xf32, #tpu.memory_space<vmem>>, %arg3: memref<1x1xf32, #tpu.memory_space<vmem>>, %arg4: memref<128x128xf32, #tpu.memory_space<vmem>>, %arg5: memref<1000x128xf32, #tpu.memory_space<vmem>>) attributes {dimension_semantics = [#tpu.dimension_semantics<arbitrary>], iteration_bounds = array<i64: 10>, scalar_prefetch = 0 : i64, scratch_operands = 0 : i64, tpu.core_type = #tpu.core_type<tc>, window_params = [{transform_indices = @transform_0, window_bounds = array<i64: 1000, 128>}, {pipeline_mode = #tpu.pipeline_mode<synchronous>, transform_indices = @transform_1, window_bounds = array<i64: 1, 128>}, {pipeline_mode = #tpu.pipeline_mode<synchronous>, transform_indices = @transform_2, window_bounds = array<i64: 1, 1>}, {pipeline_mode = #tpu.pipeline_mode<synchronous>, transform_indices = @transform_3, window_bounds = array<i64: 128, 128>}, {transform_indices = @transform_4, window_bounds = array<i64: 1000, 128>}]} {
    %get3A = arith.constant 0 : index
    %get3A_0 = arith.constant 0 : index
    %get3A_1 = vector.load %arg1[%get3A, %get3A_0] : memref<1000x128xf32, #tpu.memory_space<vmem>>, vector<1000x128xf32>
    %get3A_2 = arith.constant 0 : index
    %get3A_3 = arith.constant 0 : index
    %get3A_4 = vector.load %arg2[%get3A_2, %get3A_3] : memref<1x128xf32, #tpu.memory_space<vmem>>, vector<1x128xf32>
    %add3A = vector.broadcast %get3A_4 : vector<1x128xf32> to vector<1000x128xf32>
    %add3A_5 = arith.addf %get3A_1, %add3A : vector<1000x128xf32>
    %get3A_6 = arith.constant 0 : index
    %get3A_7 = arith.constant 0 : index
    %get3A_8 = vector.load %arg3[%get3A_6, %get3A_7] : memref<1x1xf32, #tpu.memory_space<vmem>>, vector<1x1xf32>
    %get3A_9 = vector.extract %get3A_8[0, 0] : f32 from vector<1x1xf32>
    %gt3A = arith.constant 0.000000e+00 : f32
    %gt3A_10 = arith.cmpf ogt, %get3A_9, %gt3A : f32
    %max3A = arith.constant 0.000000e+00 : f32
    %max3A_11 = vector.broadcast %max3A : f32 to vector<1000x128xf32>
    %max3A_12 = arith.maximumf %add3A_5, %max3A_11 : vector<1000x128xf32>
    %select_n3A = arith.select %gt3A_10, %max3A_12, %add3A_5 : vector<1000x128xf32>
    %get3A_13 = arith.constant 0 : index
    %get3A_14 = arith.constant 0 : index
    %get3A_15 = vector.load %arg4[%get3A_13, %get3A_14] : memref<128x128xf32, #tpu.memory_space<vmem>>, vector<128x128xf32>
    %dot_general3A = arith.constant dense<0.000000e+00> : vector<1000x128xf32>
    %dot_general3A_16 = tpu.matmul %select_n3A, %get3A_15, %dot_general3A {dimension_numbers = #tpu.dot_dimension_numbers<[1], [0], [0], [1], [0, 0, 1, 1], [], []>, transpose_lhs_hint = false} : vector<1000x128xf32>, vector<128x128xf32>, vector<1000x128xf32> -> vector<1000x128xf32>
    %swap3A = arith.constant 0 : index
    %swap3A_17 = arith.constant 0 : index
    %swap3A_18 = vector.load %arg5[%swap3A, %swap3A_17] : memref<1000x128xf32, #tpu.memory_space<vmem>>, vector<1000x128xf32>
    tpu.vector_store %arg5[%swap3A, %swap3A_17], %dot_general3A_16 {strides = array<i32>} : memref<1000x128xf32, #tpu.memory_space<vmem>>, vector<1000x128xf32>,
    return
  }
  func.func @transform_0(%arg0: i32) -> (i32, i32) {
    %c0_i32 = arith.constant 0 : i32
    %c0_i32_0 = arith.constant 0 : i32
    return %arg0, %c0_i32 : i32, i32
  }
  func.func @transform_1(%arg0: i32) -> (i32, i32) {
    %c0_i32 = arith.constant 0 : i32
    %c0_i32_0 = arith.constant 0 : i32
    %c0_i32_1 = arith.constant 0 : i32
    return %c0_i32, %c0_i32_0 : i32, i32
  }
  func.func @transform_2(%arg0: i32) -> (i32, i32) {
    %c0_i32 = arith.constant 0 : i32
    %c0_i32_0 = arith.constant 0 : i32
    %c0_i32_1 = arith.constant 0 : i32
    return %c0_i32, %c0_i32_0 : i32, i32
  }
  func.func @transform_3(%arg0: i32) -> (i32, i32) {
    %c0_i32 = arith.constant 0 : i32
    %c0_i32_0 = arith.constant 0 : i32
    %c0_i32_1 = arith.constant 0 : i32
    return %c0_i32, %c0_i32_0 : i32, i32
  }
  func.func @transform_4(%arg0: i32) -> (i32, i32) {
    %c0_i32 = arith.constant 0 : i32
    %c0_i32_0 = arith.constant 0 : i32
    return %arg0, %c0_i32 : i32, i32
  }
}

module attributes {stable_mosaic.version = 14 : i64} {
  func.func @_final_body(%arg0: i32, %arg1: memref<1000x128xf32, #tpu.memory_space<vmem>>, %arg2: memref<1x128xf32, #tpu.memory_space<vmem>>, %arg3: memref<1x1x1000xi32, #tpu.memory_space<vmem>>, %arg4: memref<128x16xf32, #tpu.memory_space<vmem>>, %arg5: memref<1x16xf32, #tpu.memory_space<vmem>>, %arg6: memref<16x8xf32, #tpu.memory_space<vmem>>, %arg7: memref<1x8xf32, #tpu.memory_space<vmem>>, %arg8: memref<8x1xf32, #tpu.memory_space<vmem>>, %arg9: memref<1x1xf32, #tpu.memory_space<vmem>>, %arg10: memref<64x1xf32, #tpu.memory_space<vmem>>, %arg11: memref<64x128xf32, #tpu.memory_space<vmem>>, %arg12: memref<64x128xf32, #tpu.memory_space<vmem>>) attributes {dimension_semantics = [#tpu.dimension_semantics<arbitrary>], iteration_bounds = array<i64: 10>, scalar_prefetch = 0 : i64, scratch_operands = 2 : i64, tpu.core_type = #tpu.core_type<tc>, window_params = [{transform_indices = @transform_0, window_bounds = array<i64: 1000, 128>}, {pipeline_mode = #tpu.pipeline_mode<synchronous>, transform_indices = @transform_1, window_bounds = array<i64: 1, 128>}, {transform_indices = @transform_2, window_bounds = array<i64: 1, 1, 1000>}, {pipeline_mode = #tpu.pipeline_mode<synchronous>, transform_indices = @transform_3, window_bounds = array<i64: 128, 16>}, {pipeline_mode = #tpu.pipeline_mode<synchronous>, transform_indices = @transform_4, window_bounds = array<i64: 1, 16>}, {pipeline_mode = #tpu.pipeline_mode<synchronous>, transform_indices = @transform_5, window_bounds = array<i64: 16, 8>}, {pipeline_mode = #tpu.pipeline_mode<synchronous>, transform_indices = @transform_6, window_bounds = array<i64: 1, 8>}, {pipeline_mode = #tpu.pipeline_mode<synchronous>, transform_indices = @transform_7, window_bounds = array<i64: 8, 1>}, {pipeline_mode = #tpu.pipeline_mode<synchronous>, transform_indices = @transform_8, window_bounds = array<i64: 1, 1>}, {pipeline_mode = #tpu.pipeline_mode<synchronous>, transform_indices = @transform_9, window_bounds = array<i64: 64, 1>}]} {
    %eq3A = arith.constant 0 : i32
    %eq3A_0 = arith.cmpi eq, %arg0, %eq3A : i32
    %convert_element_type3A = arith.extui %eq3A_0 : i1 to i32
    %cond3A = arith.constant 0 : i32
    %cond3A_1 = arith.cmpi ne, %convert_element_type3A, %cond3A : i32
    scf.if %cond3A_1 {
      %broadcast_in_dim3A_39 = arith.constant 0.000000e+00 : f32
      %broadcast_in_dim3A_40 = vector.broadcast %broadcast_in_dim3A_39 : f32 to vector<64x128xf32>
      %swap3A_41 = arith.constant 0 : index
      %swap3A_42 = arith.constant 0 : index
      %swap3A_43 = vector.load %arg11[%swap3A_41, %swap3A_42] : memref<64x128xf32, #tpu.memory_space<vmem>>, vector<64x128xf32>
      tpu.vector_store %arg11[%swap3A_41, %swap3A_42], %broadcast_in_dim3A_40 {strides = array<i32>} : memref<64x128xf32, #tpu.memory_space<vmem>>, vector<64x128xf32>,
      %broadcast_in_dim3A_44 = arith.constant 0.000000e+00 : f32
      %broadcast_in_dim3A_45 = vector.broadcast %broadcast_in_dim3A_44 : f32 to vector<64x128xf32>
      %swap3A_46 = arith.constant 0 : index
      %swap3A_47 = arith.constant 0 : index
      %swap3A_48 = vector.load %arg12[%swap3A_46, %swap3A_47] : memref<64x128xf32, #tpu.memory_space<vmem>>, vector<64x128xf32>
      tpu.vector_store %arg12[%swap3A_46, %swap3A_47], %broadcast_in_dim3A_45 {strides = array<i32>} : memref<64x128xf32, #tpu.memory_space<vmem>>, vector<64x128xf32>,
    } else {
    }
    %get3A = arith.constant 0 : index
    %get3A_2 = arith.constant 0 : index
    %get3A_3 = vector.load %arg1[%get3A, %get3A_2] : memref<1000x128xf32, #tpu.memory_space<vmem>>, vector<1000x128xf32>
    %get3A_4 = arith.constant 0 : index
    %get3A_5 = arith.constant 0 : index
    %get3A_6 = vector.load %arg2[%get3A_4, %get3A_5] : memref<1x128xf32, #tpu.memory_space<vmem>>, vector<1x128xf32>
    %add3A = vector.broadcast %get3A_6 : vector<1x128xf32> to vector<1000x128xf32>
    %add3A_7 = arith.addf %get3A_3, %add3A : vector<1000x128xf32>
    %get3A_8 = arith.constant 0 : index
    %get3A_9 = arith.constant 0 : index
    %get3A_10 = arith.constant 0 : index
    %get3A_11 = vector.load %arg3[%get3A_8, %get3A_9, %get3A_10] : memref<1x1x1000xi32, #tpu.memory_space<vmem>>, vector<1x1x1000xi32>
    %get3A_12 = vector.shape_cast %get3A_11 : vector<1x1x1000xi32> to vector<1x1000xi32>
    %iota3A = tpu.iota {dimensions = array<i32: 0>} : vector<64x1000xi32>
    %eq3A_13 = vector.broadcast %get3A_12 : vector<1x1000xi32> to vector<64x1000xi32>
    %eq3A_14 = arith.cmpi eq, %iota3A, %eq3A_13 : vector<64x1000xi32>
    %convert_element_type3A_15 = arith.extui %eq3A_14 : vector<64x1000xi1> to vector<64x1000xi32>
    %convert_element_type3A_16 = arith.sitofp %convert_element_type3A_15 : vector<64x1000xi32> to vector<64x1000xf32>
    %get3A_17 = arith.constant 0 : index
    %get3A_18 = arith.constant 0 : index
    %get3A_19 = vector.load %arg11[%get3A_17, %get3A_18] : memref<64x128xf32, #tpu.memory_space<vmem>>, vector<64x128xf32>
    %dot_general3A = arith.constant dense<0.000000e+00> : vector<64x128xf32>
    %dot_general3A_20 = tpu.matmul %convert_element_type3A_16, %add3A_7, %dot_general3A {dimension_numbers = #tpu.dot_dimension_numbers<[1], [0], [0], [1], [0, 0, 1, 1], [], []>, transpose_lhs_hint = false} : vector<64x1000xf32>, vector<1000x128xf32>, vector<64x128xf32> -> vector<64x128xf32>
    %add3A_21 = arith.addf %get3A_19, %dot_general3A_20 : vector<64x128xf32>
    %swap3A = arith.constant 0 : index
    %swap3A_22 = arith.constant 0 : index
    %swap3A_23 = vector.load %arg11[%swap3A, %swap3A_22] : memref<64x128xf32, #tpu.memory_space<vmem>>, vector<64x128xf32>
    tpu.vector_store %arg11[%swap3A, %swap3A_22], %add3A_21 {strides = array<i32>} : memref<64x128xf32, #tpu.memory_space<vmem>>, vector<64x128xf32>,
    %get3A_24 = arith.constant 0 : index
    %get3A_25 = arith.constant 0 : index
    %get3A_26 = vector.load %arg12[%get3A_24, %get3A_25] : memref<64x128xf32, #tpu.memory_space<vmem>>, vector<64x128xf32>
    %broadcast_in_dim3A = arith.constant 1.000000e+00 : f32
    %broadcast_in_dim3A_27 = vector.broadcast %broadcast_in_dim3A : f32 to vector<1000x128xf32>
    %dot_general3A_28 = arith.constant dense<0.000000e+00> : vector<64x128xf32>
    %dot_general3A_29 = tpu.matmul %convert_element_type3A_16, %broadcast_in_dim3A_27, %dot_general3A_28 {dimension_numbers = #tpu.dot_dimension_numbers<[1], [0], [0], [1], [0, 0, 1, 1], [], []>, transpose_lhs_hint = false} : vector<64x1000xf32>, vector<1000x128xf32>, vector<64x128xf32> -> vector<64x128xf32>
    %add3A_30 = arith.addf %get3A_26, %dot_general3A_29 : vector<64x128xf32>
    %swap3A_31 = arith.constant 0 : index
    %swap3A_32 = arith.constant 0 : index
    %swap3A_33 = vector.load %arg12[%swap3A_31, %swap3A_32] : memref<64x128xf32, #tpu.memory_space<vmem>>, vector<64x128xf32>
    tpu.vector_store %arg12[%swap3A_31, %swap3A_32], %add3A_30 {strides = array<i32>} : memref<64x128xf32, #tpu.memory_space<vmem>>, vector<64x128xf32>,
    %eq3A_34 = arith.constant 9 : i32
    %eq3A_35 = arith.cmpi eq, %arg0, %eq3A_34 : i32
    %convert_element_type3A_36 = arith.extui %eq3A_35 : i1 to i32
    %cond3A_37 = arith.constant 0 : i32
    %cond3A_38 = arith.cmpi ne, %convert_element_type3A_36, %cond3A_37 : i32
    scf.if %cond3A_38 {
      %get3A_39 = arith.constant 0 : index
      %get3A_40 = arith.constant 0 : index
      %get3A_41 = vector.load %arg11[%get3A_39, %get3A_40] : memref<64x128xf32, #tpu.memory_space<vmem>>, vector<64x128xf32>
      %get3A_42 = arith.constant 0 : index
      %get3A_43 = arith.constant 0 : index
      %get3A_44 = vector.load %arg12[%get3A_42, %get3A_43] : memref<64x128xf32, #tpu.memory_space<vmem>>, vector<64x128xf32>
      %max3A = arith.constant 1.000000e+00 : f32
      %max3A_45 = vector.broadcast %max3A : f32 to vector<64x128xf32>
      %max3A_46 = arith.maximumf %get3A_44, %max3A_45 : vector<64x128xf32>
      %div3A = arith.divf %get3A_41, %max3A_46 : vector<64x128xf32>
      %get3A_47 = arith.constant 0 : index
      %get3A_48 = arith.constant 0 : index
      %get3A_49 = vector.load %arg4[%get3A_47, %get3A_48] : memref<128x16xf32, #tpu.memory_space<vmem>>, vector<128x16xf32>
      %dot_general3A_50 = arith.constant dense<0.000000e+00> : vector<64x16xf32>
      %dot_general3A_51 = tpu.matmul %div3A, %get3A_49, %dot_general3A_50 {dimension_numbers = #tpu.dot_dimension_numbers<[1], [0], [0], [1], [0, 0, 1, 1], [], []>, transpose_lhs_hint = false} : vector<64x128xf32>, vector<128x16xf32>, vector<64x16xf32> -> vector<64x16xf32>
      %get3A_52 = arith.constant 0 : index
      %get3A_53 = arith.constant 0 : index
      %get3A_54 = vector.load %arg5[%get3A_52, %get3A_53] : memref<1x16xf32, #tpu.memory_space<vmem>>, vector<1x16xf32>
      %add3A_55 = vector.broadcast %get3A_54 : vector<1x16xf32> to vector<64x16xf32>
      %add3A_56 = arith.addf %dot_general3A_51, %add3A_55 : vector<64x16xf32>
      %max3A_57 = arith.constant 0.000000e+00 : f32
      %max3A_58 = vector.broadcast %max3A_57 : f32 to vector<64x16xf32>
      %max3A_59 = arith.maximumf %add3A_56, %max3A_58 : vector<64x16xf32>
      %get3A_60 = arith.constant 0 : index
      %get3A_61 = arith.constant 0 : index
      %get3A_62 = vector.load %arg6[%get3A_60, %get3A_61] : memref<16x8xf32, #tpu.memory_space<vmem>>, vector<16x8xf32>
      %dot_general3A_63 = arith.constant dense<0.000000e+00> : vector<64x8xf32>
      %dot_general3A_64 = tpu.matmul %max3A_59, %get3A_62, %dot_general3A_63 {dimension_numbers = #tpu.dot_dimension_numbers<[1], [0], [0], [1], [0, 0, 1, 1], [], []>, transpose_lhs_hint = false} : vector<64x16xf32>, vector<16x8xf32>, vector<64x8xf32> -> vector<64x8xf32>
      %get3A_65 = arith.constant 0 : index
      %get3A_66 = arith.constant 0 : index
      %get3A_67 = vector.load %arg7[%get3A_65, %get3A_66] : memref<1x8xf32, #tpu.memory_space<vmem>>, vector<1x8xf32>
      %add3A_68 = vector.broadcast %get3A_67 : vector<1x8xf32> to vector<64x8xf32>
      %add3A_69 = arith.addf %dot_general3A_64, %add3A_68 : vector<64x8xf32>
      %max3A_70 = arith.constant 0.000000e+00 : f32
      %max3A_71 = vector.broadcast %max3A_70 : f32 to vector<64x8xf32>
      %max3A_72 = arith.maximumf %add3A_69, %max3A_71 : vector<64x8xf32>
      %get3A_73 = arith.constant 0 : index
      %get3A_74 = arith.constant 0 : index
      %get3A_75 = vector.load %arg8[%get3A_73, %get3A_74] : memref<8x1xf32, #tpu.memory_space<vmem>>, vector<8x1xf32>
      %dot_general3A_76 = arith.constant dense<0.000000e+00> : vector<64x1xf32>
      %dot_general3A_77 = tpu.matmul %max3A_72, %get3A_75, %dot_general3A_76 {dimension_numbers = #tpu.dot_dimension_numbers<[1], [0], [0], [1], [0, 0, 1, 1], [], []>, transpose_lhs_hint = false} : vector<64x8xf32>, vector<8x1xf32>, vector<64x1xf32> -> vector<64x1xf32>
      %get3A_78 = arith.constant 0 : index
      %get3A_79 = arith.constant 0 : index
      %get3A_80 = vector.load %arg9[%get3A_78, %get3A_79] : memref<1x1xf32, #tpu.memory_space<vmem>>, vector<1x1xf32>
      %add3A_81 = vector.broadcast %get3A_80 : vector<1x1xf32> to vector<64x1xf32>
      %add3A_82 = arith.addf %dot_general3A_77, %add3A_81 : vector<64x1xf32>
      %logistic3A = arith.negf %add3A_82 : vector<64x1xf32>
      %logistic3A_83 = math.exp %logistic3A : vector<64x1xf32>
      %logistic3A_84 = arith.constant 1.000000e+00 : f32
      %logistic3A_85 = vector.broadcast %logistic3A_84 : f32 to vector<64x1xf32>
      %logistic3A_86 = arith.addf %logistic3A_85, %logistic3A_83 : vector<64x1xf32>
      %logistic3A_87 = arith.divf %logistic3A_85, %logistic3A_86 : vector<64x1xf32>
      %swap3A_88 = arith.constant 0 : index
      %swap3A_89 = arith.constant 0 : index
      %swap3A_90 = vector.load %arg10[%swap3A_88, %swap3A_89] : memref<64x1xf32, #tpu.memory_space<vmem>>, vector<64x1xf32>
      tpu.vector_store %arg10[%swap3A_88, %swap3A_89], %logistic3A_87 {strides = array<i32>} : memref<64x1xf32, #tpu.memory_space<vmem>>, vector<64x1xf32>,
    } else {
    }
    return
  }
  func.func @transform_0(%arg0: i32) -> (i32, i32) {
    %c0_i32 = arith.constant 0 : i32
    %c0_i32_0 = arith.constant 0 : i32
    return %arg0, %c0_i32 : i32, i32
  }
  func.func @transform_1(%arg0: i32) -> (i32, i32) {
    %c0_i32 = arith.constant 0 : i32
    %c0_i32_0 = arith.constant 0 : i32
    %c0_i32_1 = arith.constant 0 : i32
    return %c0_i32, %c0_i32_0 : i32, i32
  }
  func.func @transform_2(%arg0: i32) -> (i32, i32, i32) {
    %c0_i32 = arith.constant 0 : i32
    %c0_i32_0 = arith.constant 0 : i32
    %c0_i32_1 = arith.constant 0 : i32
    return %arg0, %c0_i32, %c0_i32_0 : i32, i32, i32
  }
  func.func @transform_3(%arg0: i32) -> (i32, i32) {
    %c0_i32 = arith.constant 0 : i32
    %c0_i32_0 = arith.constant 0 : i32
    %c0_i32_1 = arith.constant 0 : i32
    return %c0_i32, %c0_i32_0 : i32, i32
  }
  func.func @transform_4(%arg0: i32) -> (i32, i32) {
    %c0_i32 = arith.constant 0 : i32
    %c0_i32_0 = arith.constant 0 : i32
    %c0_i32_1 = arith.constant 0 : i32
    return %c0_i32, %c0_i32_0 : i32, i32
  }
  func.func @transform_5(%arg0: i32) -> (i32, i32) {
    %c0_i32 = arith.constant 0 : i32
    %c0_i32_0 = arith.constant 0 : i32
    %c0_i32_1 = arith.constant 0 : i32
    return %c0_i32, %c0_i32_0 : i32, i32
  }
  func.func @transform_6(%arg0: i32) -> (i32, i32) {
    %c0_i32 = arith.constant 0 : i32
    %c0_i32_0 = arith.constant 0 : i32
    %c0_i32_1 = arith.constant 0 : i32
    return %c0_i32, %c0_i32_0 : i32, i32
  }
  func.func @transform_7(%arg0: i32) -> (i32, i32) {
    %c0_i32 = arith.constant 0 : i32
    %c0_i32_0 = arith.constant 0 : i32
    %c0_i32_1 = arith.constant 0 : i32
    return %c0_i32, %c0_i32_0 : i32, i32
  }
  func.func @transform_8(%arg0: i32) -> (i32, i32) {
    %c0_i32 = arith.constant 0 : i32
    %c0_i32_0 = arith.constant 0 : i32
    %c0_i32_1 = arith.constant 0 : i32
    return %c0_i32, %c0_i32_0 : i32, i32
  }
  func.func @transform_9(%arg0: i32) -> (i32, i32) {
    %c0_i32 = arith.constant 0 : i32
    %c0_i32_0 = arith.constant 0 : i32
    %c0_i32_1 = arith.constant 0 : i32
    return %c0_i32, %c0_i32_0 : i32, i32
  }
}

</mosaic_0001>

<sc_bundles>
// kernel: closed_call.9.cloned.1.call-start
scs
__scs_entry_jumppad:
0x0: {  	(pc) =	sbr.rel $0x88, $3  }
0x1: {  	(tag) =	ssettag $0x0;
	lr =	simm.s32 $0x1  }
0x2: {  	[smem:$0x3F92] =	sst lr;
	_ =	strace $0xD0000000  }
0x3: {  	_ = 	snop  }
0x4: {  	_ = 	snop  }
0x5: {  	_ = 	snop  }
0x6: {  	_ = 	snop  }
0x7: {  	_ = 	snop  }
__scs_overlays_trampoline_lowered:
0x8: {  	[smem:$0x3FA1] =	sst s0  }
0x9: {  	[smem:$0x3FA2] =	sst s1  }
0xa: {  	[smem:$0x3FA3] =	sst s2  }
0xb: {  	[smem:$0x3FA4] =	sst s3  }
0xc: {  	[smem:$0x3FA5] =	sst s4  }
0xd: {  	[smem:$0x3FA6] =	sst s5  }
0xe: {  	[smem:$0x3FA7] =	sst s6  }
0xf: {  	[smem:$0x3FA8] =	sst s7  }
0x10: {  	[smem:$0x3FA9] =	sst s8  }
0x11: {  	[smem:$0x3FAA] =	sst s9;
	s0 =	simm.s32 @!p0 $0x0  }
0x12: {  	s1 =	sld [smem:$0x3F90];
	s0 =	simm.s32 @p0 $0x1  }
0x13: {  	[smem:$0x3FAB] =	sst s0;
	s0 =	simm.s32 @!p1 $0x0  }
0x14: {  	s2 =	sld [smem:$0x3F8F];
	s0 =	simm.s32 @p1 $0x1  }
0x15: {  	[smem:$0x3FAC] =	sst s0;
	s0 =	simm.s32 @!p2 $0x0  }
0x16: {  	s3 =	sld [smem:$0x3FDB];
	s0 =	simm.s32 @p2 $0x1  }
0x17: {  	s4 =	simm.s32 $0x1BF5;
	[smem:$0x3FAE] =	sst s0  }
0x18: {  	s0 =	sld [smem:$0x3F91];
	_ =	swait.ge [sflag:s4], $0x0  }
0x19: {  	s7 =	sld [smem:$0x3F92]  }
0x1a: {  	s8 =	sadd.s32 $0xFFFFE003, lr  }
0x1b: {  	s9 =	sadd.s32 $0xFFFFFEF7, lr;
	s5 =	simm.s32 $0xFFFFFFFF;
	p2 =	slt.u32 s8, $0xFFFFF086  }
0x1c: {  	p1 =	slt.u32 s9, $0xF7A;
	s5 =	simm.s32 @!p2 $0x0  }
0x1d: {  	s5 =	simm.s32 @p1 $0x1;
	p0 =	seq.s32 s7, s2  }
0x1e: {  	s7 =	smul.u32 @!p0 $0xF7A, s2;
	p2 =	seq.s32 @!p0 s5, $0x0  }
0x1f: {  	s9 =	smul.u32 $0xF7A, s1;
	s8 =	simm.s32 @!p0 $0x1BF5;
	p2 =	por !p2, p0  }
0x20: {  	[sflag:s8] =	ssyncset.s32 @!p0 $0xFFFFF086;
	s6 =	sadd.s32 @!p0 s3, s7;
	s7 =	simm.s32 @!p0 $0x108  }
0x21: {  	s3 =	sadd.s32 s3, s9;
	s6 =	sadd.s32 @!p0 $0x88, s6;
	s7 =	simm.s32 @p2 $0x1082  }
0x22: {  	[simem:s7], [sflag:s8] =	dma.local @!p0 [hbm:s6], $0xF7A  }
0x23: {  	s9 =	sor.u32 $0xD0000000, s2;
	s6 =	simm.s32 $0x108;
	_ =	swait.ge @!p0 [sflag:s8], $0x0  }
0x24: {  	s3 =	sadd.s32 $0x88, s3;
	s6 =	simm.s32 @!p1 $0x1082;
	[sflag:s4] =	ssyncset.s32 $0xFFFFF086  }
0x25: {  	[simem:s6], [sflag:s4] =	dma.local [hbm:s3], $0xF7A  }
0x26: {  	[smem:$0x3F92] =	sst s1;
	(tag) =	ssettag s2;
	_ =	strace s9  }
0x27: {  	s1 =	sld [smem:$0x3FA2]  }
0x28: {  	s2 =	sld [smem:$0x3FA3]  }
0x29: {  	s4 =	sld [smem:$0x3FA5]  }
0x2a: {  	p0 =	seq.s32 s5, $0x0;
	s5 =	sld [smem:$0x3FA6]  }
0x2b: {  	s6 =	sld [smem:$0x3FA7]  }
0x2c: {  	s7 =	sld [smem:$0x3FA8]  }
0x2d: {  	s3 =	simm.s32 $0x108;
	s8 =	sld [smem:$0x3FA9]  }
0x2e: {  	s3 =	simm.s32 @!p0 $0x1082;
	s9 =	sld [smem:$0x3FAA]  }
0x2f: {  	lr =	sadd.s32 s0, s3;
	s0 =	sld [smem:$0x3FA1]  }
0x30: {  	s3 =	sld [smem:$0x3FA4]  }
0x31: {  	[smem:$0x3FAD] =	sst s10  }
0x32: {  	s10 =	sld [smem:$0x3FAB];
	_ =	sdelay $0x3  }
0x33: {  	p0 =	seq.s32 s10, $0x1;
	s10 =	sld [smem:$0x3FAD];
	_ =	sdelay $0x3  }
0x34: {  	[smem:$0x3FAD] =	sst s10  }
0x35: {  	s10 =	sld [smem:$0x3FAC];
	_ =	sdelay $0x3  }
0x36: {  	p1 =	seq.s32 s10, $0x1;
	s10 =	sld [smem:$0x3FAD];
	_ =	sdelay $0x3  }
0x37: {  	[smem:$0x3FAD] =	sst s10  }
0x38: {  	s10 =	sld [smem:$0x3FAE]  }
0x39: {  	_ = 	snop;
	(pc) =	sbr.ind lr, $3  }
0x3a: {  	_ = 	snop  }
0x3b: {  	_ = 	snop  }
0x3c: {  	p2 =	seq.s32 s10, $0x1;
	s10 =	sld [smem:$0x3FAD]  }
0x3d: {  	_ =	shalt  }
0x3e: {  	_ =	shalt  }
0x3f: {  	_ =	shalt  }
0x40: {  	_ =	shalt  }
0x41: {  	_ =	shalt  }
0x42: {  	_ =	shalt  }
0x43: {  	_ =	shalt  }
0x44: {  	_ =	shalt  }
0x45: {  	_ =	shalt  }
0x46: {  	_ =	shalt  }
0x47: {  	_ =	shalt  }
0x48: {  	_ =	shalt  }
0x49: {  	_ =	shalt  }
0x4a: {  	_ =	shalt  }
0x4b: {  	_ =	shalt  }
0x4c: {  	_ =	shalt  }
0x4d: {  	_ =	shalt  }
0x4e: {  	_ =	shalt  }
0x4f: {  	_ =	shalt  }
0x50: {  	_ =	shalt  }
0x51: {  	_ =	shalt  }
0x52: {  	_ =	shalt  }
0x53: {  	_ =	shalt  }
0x54: {  	_ =	shalt  }
0x55: {  	_ =	shalt  }
0x56: {  	_ =	shalt  }
0x57: {  	_ =	shalt  }
0x58: {  	_ =	shalt  }
0x59: {  	_ =	shalt  }
0x5a: {  	_ =	shalt  }
0x5b: {  	_ =	shalt  }
0x5c: {  	_ =	shalt  }
0x5d: {  	_ =	shalt  }
0x5e: {  	_ =	shalt  }
0x5f: {  	_ =	shalt  }
0x60: {  	_ =	shalt  }
0x61: {  	_ =	shalt  }
0x62: {  	_ =	shalt  }
0x63: {  	_ =	shalt  }
0x64: {  	_ =	shalt  }
0x65: {  	_ =	shalt  }
0x66: {  	_ =	shalt  }
0x67: {  	_ =	shalt  }
0x68: {  	_ =	shalt  }
0x69: {  	_ =	shalt  }
0x6a: {  	_ =	shalt  }
0x6b: {  	_ =	shalt  }
0x6c: {  	_ =	shalt  }
0x6d: {  	_ =	shalt  }
0x6e: {  	_ =	shalt  }
0x6f: {  	_ =	shalt  }
0x70: {  	_ =	shalt  }
0x71: {  	_ =	shalt  }
0x72: {  	_ =	shalt  }
0x73: {  	_ =	shalt  }
0x74: {  	_ =	shalt  }
0x75: {  	_ =	shalt  }
0x76: {  	_ =	shalt  }
0x77: {  	_ =	shalt  }
0x78: {  	_ =	shalt  }
0x79: {  	_ =	shalt  }
0x7a: {  	_ =	shalt  }
0x7b: {  	_ =	shalt  }
0x7c: {  	_ =	shalt  }
0x7d: {  	_ =	shalt  }
0x7e: {  	_ =	shalt  }
0x7f: {  	_ =	shalt  }
0x80: {  	_ =	shalt  }
0x81: {  	_ =	shalt  }
0x82: {  	_ =	shalt  }
0x83: {  	_ =	shalt  }
0x84: {  	_ =	shalt  }
0x85: {  	_ =	shalt  }
0x86: {  	_ =	shalt  }
0x87: {  	_ =	shalt  }
.Lfunc_end0:
.L_simem_size_0:
called_computation_lowered:
.L_overlay_start_0:
0x88: {  	s0 =	sld [smem:$0x3FD9]  }
0x89: {  	s1 =	sld [smem:$0x3FFE];
	_ =	sdelay $0x3  }
0x8a: {  	s0 =	sadd.s32 s1, s0  }
0x8b: {  	[smem:$0x3FB9] =	sst s0  }
0x8c: {  	_ = 	snop  }
0x8d: {  	(tm) =	ssettm $0x1  }
0x8e: {  	s15 =	sld [smem:$0x3FFB];
	_ =	sdelay $0x3  }
0x8f: {  	_ =	strace s15  }
0x90: {  	s0 =	sld [smem:$0x3FFC];
	_ =	sdelay $0x3  }
0x91: {  	_ =	strace s0  }
0x92: {  	s0 =	sld [smem:$0x3FFD];
	_ =	sdelay $0x3  }
0x93: {  	_ =	strace s0  }
0x94: {  	_ =	strace $0x8FFFFFFF  }
0x95: {  	s16 =	sld [smem:$0x3FDB];
	_ =	sdelay $0x1  }
0x96: {  	s17 =	simm.s32 $_scs_section_size  }
0x97: {  	s2 =	simm.s32 $_size__tile_overlayer_lowered;
	s3 =	simm.s32 $_tile_overlayer_lowered  }
0x98: {  	s20 =	simm.s32 $0x1BFF;
	s19 =	sshll.u32 s3, $0x1;
	s0 =	sadd.s32 s17, s16  }
0x99: {  	s4 =	simm.s32 $0x0;
	s18 =	sshll.u32 s2, $0x1;
	s2 =	sadd.s32 s19, s0  }
0x9a: {  	[timem:s4], [sflag:s20] =	dma.local [hbm:s2], s18  }
0x9b: {  	_ =	swait.ge [sflag:s20], s18  }
0x9c: {  	s1 =	ssub.s32 $0x0, s18;
	[sflag:s20] =	ssyncset.done $0x0  }
0x9d: {  	[sflag:s20] =	ssyncadd.s32 s1;
	_ =	sdelay $0x1  }
0x9e: {  	s21 =	simm.s32 $0x1B8B  }
0x9f: {  	_ =	swait.ge [sflag:s21], $0x1  }
0xa0: {  	[sflag:s21] =	ssyncset.done $0x0  }
0xa1: {  	s23 =	simm.s32 $0x1B8E;
	s22 =	sld [smem:$0x3FFE];
	[sflag:s21] =	ssyncadd.s32 $0xFFFFFFFF  }
0xa2: {  	s24 =	simm.s32 $execute0_lowered;
	[smem:$0x3FD2] =	sst s23  }
0xa3: {  	s2 =	sshll.u32 s24, $0x1;
	_ =	strace $0x80000046;
	[dreg:$0x1] =	wrdreg $0xFFFFFFFF  }
0xa4: {  	s25 =	simm.s32 $_size_execute0_lowered;
	s0 =	sadd.s32 s0, s2;
	[dreg:$0x0] =	wrdreg $0x0  }
0xa5: {  	s2 =	sshll.u32 s25, $0x1;
	[dreg:$0x2] =	wrdreg s0  }
0xa6: {  	[dreg:$0x3] =	wrdreg s2  }
0xa7: {  	[dreg:$0x4] =	wrdreg $0xC0  }
0xa8: {  	_ =	task [dreg:s4], $0x5FFFF  }
0xa9: {  	[dreg:$0x1] =	wrdreg $0xFFFFFFFF  }
0xaa: {  	[dreg:$0x0] =	wrdreg $0x60  }
0xab: {  	[dreg:$0x2] =	wrdreg s22  }
0xac: {  	[dreg:$0x3] =	wrdreg $0x60000  }
0xad: {  	[dreg:$0x4] =	wrdreg $0x9  }
0xae: {  	_ =	task.clear_ibuf [dreg:s4], $0x5FFFF;
	_ =	strace $0x90000046  }
0xaf: {  	s26 =	simm.s32 $0x9;
	_ =	strace $0x80000048  }
0xb0: {  	_ =	swait.ge [sflag:s26], $0x1  }
0xb1: {  	[sflag:s26] =	ssyncadd.s32 $0xFFFFFFFF  }
0xb2: {  	_ =	strace $0x90000048  }
0xb3: {  	_ =	sfence  }
0xb4: {  	s28 =	sld [smem:$0x0];
	_ =	sdelay $0x1  }
0xb5: {  	s29 =	srdreg.scid  }
0xb6: {  	s30 =	sshll.u32 s29, $0xD;
	s31 =	sshrl.u32 s29, $0x2  }
0xb7: {  	s1 =	sand.u32 $0x1, s29;
	s2 =	sand.u32 $0x4000, s30;
	s0 =	sadd.s32 s31, s28  }
0xb8: {  	s1 =	sor.u32 s2, s1;
	s0 =	sshll.u32 s0, $0x11  }
0xb9: {  	s0 =	sor.u32 s0, s1  }
0xba: {  	s0 =	sadd.s32 $0x8F2B, s0  }
0xbb: {  	[sflag:s0] =	ssyncadd.remote.s32 $0x1  }
0xbc: {  	_ =	sfence.sel $0xFFFF  }
0xbd: {  	[dreg:$0x0] =	wrdreg $0xFFFFFFFF;
	(pc) =	sbr.abs _section_cstart, $3  }
0xbe: {  	[dreg:$0x1] =	wrdreg $0xFFFFFFFF  }
0xbf: {  	_ =	task.clear_ibuf [dreg:s4], $0x2FFFF;
	_ =	strace $0x9FFFFFFF  }
0xc0: {  	(tm) =	ssettm $0x7FFFFFFF  }
0xc1: {  	_ =	shalt  }
tec
execute0_lowered:
.L_overlay_start_1:
0x0: {  	(tag) =	ssettag $0x1  }
0x1: {  	s0 =	rddreg [dreg:$0x0]  }
0x2: {  	s3 =	rddreg [dreg:$0x1]  }
0x3: {  	s1 =	simm.s32 $0x0;
	s17 =	stileid.u32;
	s6 =	simm.s32 $0x200  }
0x4: {  	[smem:$0x7FF] =	sst s1;
	s29 =	smul.u32 $0xFC00, s17;
	s4 =	sadd.s32 $0x68400, s0  }
0x5: {  	s13 =	sadd.s32 $0x29400, s0;
	s14 =	sadd.s32 $0x48C00, s0;
	s0 =	sadd.s32 $0x2200, s0  }
0x6: {  	_ =	strace $0x80000047;
	[dreg:$0x3] =	wrdreg s0;
	s1 =	sshrl.u32 s29, $0x3  }
0x7: {  	s7 =	sadd.s32 s13, s1;
	s8 =	sadd.s32 s14, s1;
	s30 =	sor.u32 $0x10, s1  }
0x8: {  	s2 =	sor.u32 $0x20, s1;
	s31 =	sor.u32 $0x30, s1;
	s5 =	sor.u32 $0x40, s1  }
0x9: {  	s11 =	sadd.s32 s13, s30;
	s9 =	sadd.s32 s14, s30;
	s10 =	sadd.s32 s13, s2  }
0xa: {  	s2 =	sadd.s32 s14, s2;
	s12 =	sadd.s32 s13, s31;
	s15 =	sadd.s32 s14, s31  }
0xb: {  	v0 =	vimm.f32 $0.0e+00;
	s1 =	sadd.s32 s13, s5;
	s0 =	sadd.s32 s14, s5;
	s5 =	simm.s32 $0x0  }
.LBB2_1:
0xc: {  	p0 =	sne.s32 s6, $0x1E00;
	[tilespmem:s5+$0x5870] =	vst v0  }
0xd: {  	[tilespmem:s5+$0x5800] =	vst v0  }
0xe: {  	[tilespmem:s5+$0x5810] =	vst v0  }
.Ltmp0:
0xf: {  	[tilespmem:s5+$0x5820] =	vst v0;
	(pc) =	sbr.rel @p0 .LBB2_1-.Ltmp0, $4  }
0x10: {  	[tilespmem:s5+$0x5830] =	vst v0  }
0x11: {  	[tilespmem:s5+$0x5840] =	vst v0  }
0x12: {  	[tilespmem:s5+$0x5850] =	vst v0  }
0x13: {  	[tilespmem:s5+$0x5860] =	vst v0;
	s5 =	sshra.s32 s6, $0x2;
	s6 =	sadd.s32 $0x200, s6  }
0x14: {  	[tilespmem:s5+$0x5870] =	vst v0  }
0x15: {  	[tilespmem:s5+$0x5800] =	vst v0  }
0x16: {  	[tilespmem:s5+$0x5810] =	vst v0  }
0x17: {  	[tilespmem:s5+$0x5820] =	vst v0  }
0x18: {  	[tilespmem:s5+$0x5830] =	vst v0;
	s6 =	smul.u32 $0x50000, s17  }
0x19: {  	[tilespmem:s5+$0x5840] =	vst v0  }
0x1a: {  	[tilespmem:s5+$0x5850] =	vst v0;
	s6 =	sshrl.u32 s6, $0x2  }
0x1b: {  	[tilespmem:s5+$0x5860] =	vst v0;
	s5 =	sadd.s32 s6, s3;
	s6 =	simm.s32 $0x5800  }
0x1c: {  	[spmem:s5] =	stream.linear.scatter [tilespmem:s6], [sflag:$0x15], $0x800, $0x38;
	[tilespmem:$0x1A000] =	vst v63  }
0x1d: {  	s16 =	sadd.s32 $0x800, s5  }
0x1e: {  	[spmem:s16] =	stream.linear.scatter [tilespmem:s6], [sflag:$0x15], $0x800, $0x38;
	[tilespmem:$0x1A000] =	vst v63  }
0x1f: {  	s26 =	sadd.s32 $0x1000, s5  }
0x20: {  	[spmem:s26] =	stream.linear.scatter [tilespmem:s6], [sflag:$0x15], $0x800, $0x38;
	[tilespmem:$0x1A000] =	vst v63  }
0x21: {  	s18 =	sadd.s32 $0x1800, s5  }
0x22: {  	[spmem:s18] =	stream.linear.scatter [tilespmem:s6], [sflag:$0x15], $0x800, $0x38;
	[tilespmem:$0x1A000] =	vst v63  }
0x23: {  	s19 =	sadd.s32 $0x2000, s5  }
0x24: {  	[spmem:s19] =	stream.linear.scatter [tilespmem:s6], [sflag:$0x15], $0x800, $0x38;
	[tilespmem:$0x1A000] =	vst v63  }
0x25: {  	s20 =	sadd.s32 $0x2800, s5  }
0x26: {  	[spmem:s20] =	stream.linear.scatter [tilespmem:s6], [sflag:$0x15], $0x800, $0x38;
	[tilespmem:$0x1A000] =	vst v63  }
0x27: {  	s21 =	sadd.s32 $0x3000, s5  }
0x28: {  	[spmem:s21] =	stream.linear.scatter [tilespmem:s6], [sflag:$0x15], $0x800, $0x38;
	[tilespmem:$0x1A000] =	vst v63  }
0x29: {  	s22 =	sadd.s32 $0x3800, s5  }
0x2a: {  	[spmem:s22] =	stream.linear.scatter [tilespmem:s6], [sflag:$0x15], $0x800, $0x38;
	[tilespmem:$0x1A000] =	vst v63  }
0x2b: {  	s23 =	sadd.s32 $0x4000, s5  }
0x2c: {  	[spmem:s23] =	stream.linear.scatter [tilespmem:s6], [sflag:$0x15], $0x800, $0x38;
	[tilespmem:$0x1A000] =	vst v63  }
0x2d: {  	s24 =	sadd.s32 $0x4800, s5  }
0x2e: {  	[spmem:s24] =	stream.linear.scatter [tilespmem:s6], [sflag:$0x15], $0x800, $0x38;
	[tilespmem:$0x1A000] =	vst v63  }
0x2f: {  	s25 =	sadd.s32 $0x5000, s5  }
0x30: {  	[spmem:s25] =	stream.linear.scatter [tilespmem:s6], [sflag:$0x15], $0x800, $0x38;
	[tilespmem:$0x1A000] =	vst v63  }
0x31: {  	s26 =	sadd.s32 $0x5800, s5  }
0x32: {  	[spmem:s26] =	stream.linear.scatter [tilespmem:s6], [sflag:$0x15], $0x800, $0x38;
	[tilespmem:$0x1A000] =	vst v63  }
0x33: {  	s18 =	sadd.s32 $0x6000, s5  }
0x34: {  	[spmem:s18] =	stream.linear.scatter [tilespmem:s6], [sflag:$0x15], $0x800, $0x38;
	[tilespmem:$0x1A000] =	vst v63  }
0x35: {  	s19 =	sadd.s32 $0x6800, s5  }
0x36: {  	[spmem:s19] =	stream.linear.scatter [tilespmem:s6], [sflag:$0x15], $0x800, $0x38;
	[tilespmem:$0x1A000] =	vst v63  }
0x37: {  	s20 =	sadd.s32 $0x7000, s5  }
0x38: {  	[spmem:s20] =	stream.linear.scatter [tilespmem:s6], [sflag:$0x15], $0x800, $0x38;
	[tilespmem:$0x1A000] =	vst v63  }
0x39: {  	s21 =	sadd.s32 $0x7800, s5  }
0x3a: {  	[spmem:s21] =	stream.linear.scatter [tilespmem:s6], [sflag:$0x15], $0x800, $0x38;
	[tilespmem:$0x1A000] =	vst v63  }
0x3b: {  	s22 =	sadd.s32 $0x8000, s5  }
0x3c: {  	[spmem:s22] =	stream.linear.scatter [tilespmem:s6], [sflag:$0x15], $0x800, $0x38;
	[tilespmem:$0x1A000] =	vst v63  }
0x3d: {  	s23 =	sadd.s32 $0x8800, s5  }
0x3e: {  	[spmem:s23] =	stream.linear.scatter [tilespmem:s6], [sflag:$0x15], $0x800, $0x38;
	[tilespmem:$0x1A000] =	vst v63  }
0x3f: {  	s24 =	sadd.s32 $0x9000, s5  }
0x40: {  	[spmem:s24] =	stream.linear.scatter [tilespmem:s6], [sflag:$0x15], $0x800, $0x38;
	[tilespmem:$0x1A000] =	vst v63  }
0x41: {  	s25 =	sadd.s32 $0x9800, s5  }
0x42: {  	[spmem:s25] =	stream.linear.scatter [tilespmem:s6], [sflag:$0x15], $0x800, $0x38;
	[tilespmem:$0x1A000] =	vst v63  }
0x43: {  	s26 =	sadd.s32 $0xA000, s5  }
0x44: {  	[spmem:s26] =	stream.linear.scatter [tilespmem:s6], [sflag:$0x15], $0x800, $0x38;
	[tilespmem:$0x1A000] =	vst v63  }
0x45: {  	s18 =	sadd.s32 $0xA800, s5  }
0x46: {  	[spmem:s18] =	stream.linear.scatter [tilespmem:s6], [sflag:$0x15], $0x800, $0x38;
	[tilespmem:$0x1A000] =	vst v63  }
0x47: {  	s19 =	sadd.s32 $0xB000, s5  }
0x48: {  	[spmem:s19] =	stream.linear.scatter [tilespmem:s6], [sflag:$0x15], $0x800, $0x38;
	[tilespmem:$0x1A000] =	vst v63  }
0x49: {  	s20 =	sadd.s32 $0xB800, s5  }
0x4a: {  	[spmem:s20] =	stream.linear.scatter [tilespmem:s6], [sflag:$0x15], $0x800, $0x38;
	[tilespmem:$0x1A000] =	vst v63  }
0x4b: {  	s21 =	sadd.s32 $0xC000, s5  }
0x4c: {  	[spmem:s21] =	stream.linear.scatter [tilespmem:s6], [sflag:$0x15], $0x800, $0x38;
	[tilespmem:$0x1A000] =	vst v63  }
0x4d: {  	s22 =	sadd.s32 $0xC800, s5  }
0x4e: {  	[spmem:s22] =	stream.linear.scatter [tilespmem:s6], [sflag:$0x15], $0x800, $0x38;
	[tilespmem:$0x1A000] =	vst v63  }
0x4f: {  	s23 =	sadd.s32 $0xD000, s5  }
0x50: {  	[spmem:s23] =	stream.linear.scatter [tilespmem:s6], [sflag:$0x15], $0x800, $0x38;
	[tilespmem:$0x1A000] =	vst v63  }
0x51: {  	s24 =	sadd.s32 $0xD800, s5  }
0x52: {  	[spmem:s24] =	stream.linear.scatter [tilespmem:s6], [sflag:$0x15], $0x800, $0x38;
	[tilespmem:$0x1A000] =	vst v63  }
0x53: {  	s25 =	sadd.s32 $0xE000, s5  }
0x54: {  	[spmem:s25] =	stream.linear.scatter [tilespmem:s6], [sflag:$0x15], $0x800, $0x38;
	[tilespmem:$0x1A000] =	vst v63  }
0x55: {  	s26 =	sadd.s32 $0xE800, s5  }
0x56: {  	[spmem:s26] =	stream.linear.scatter [tilespmem:s6], [sflag:$0x15], $0x800, $0x38;
	[tilespmem:$0x1A000] =	vst v63  }
0x57: {  	s18 =	sadd.s32 $0xF000, s5  }
0x58: {  	[spmem:s18] =	stream.linear.scatter [tilespmem:s6], [sflag:$0x15], $0x800, $0x38;
	[tilespmem:$0x1A000] =	vst v63  }
0x59: {  	s19 =	sadd.s32 $0xF800, s5  }
0x5a: {  	[spmem:s19] =	stream.linear.scatter [tilespmem:s6], [sflag:$0x15], $0x800, $0x38;
	[tilespmem:$0x1A000] =	vst v63  }
0x5b: {  	s20 =	sadd.s32 $0x10000, s5  }
0x5c: {  	[spmem:s20] =	stream.linear.scatter [tilespmem:s6], [sflag:$0x15], $0x800, $0x38;
	[tilespmem:$0x1A000] =	vst v63  }
0x5d: {  	s21 =	sadd.s32 $0x10800, s5  }
0x5e: {  	[spmem:s21] =	stream.linear.scatter [tilespmem:s6], [sflag:$0x15], $0x800, $0x38;
	[tilespmem:$0x1A000] =	vst v63  }
0x5f: {  	s22 =	sadd.s32 $0x11000, s5  }
0x60: {  	[spmem:s22] =	stream.linear.scatter [tilespmem:s6], [sflag:$0x15], $0x800, $0x38;
	[tilespmem:$0x1A000] =	vst v63  }
0x61: {  	s23 =	sadd.s32 $0x11800, s5  }
0x62: {  	[spmem:s23] =	stream.linear.scatter [tilespmem:s6], [sflag:$0x15], $0x800, $0x38;
	[tilespmem:$0x1A000] =	vst v63  }
0x63: {  	s24 =	sadd.s32 $0x12000, s5  }
0x64: {  	[spmem:s24] =	stream.linear.scatter [tilespmem:s6], [sflag:$0x15], $0x800, $0x38;
	[tilespmem:$0x1A000] =	vst v63  }
0x65: {  	s25 =	sadd.s32 $0x12800, s5  }
0x66: {  	[spmem:s25] =	stream.linear.scatter [tilespmem:s6], [sflag:$0x15], $0x800, $0x38;
	[tilespmem:$0x1A000] =	vst v63  }
0x67: {  	s26 =	sadd.s32 $0x13000, s5  }
0x68: {  	[spmem:s26] =	stream.linear.scatter [tilespmem:s6], [sflag:$0x15], $0x800, $0x38;
	[tilespmem:$0x1A000] =	vst v63  }
0x69: {  	[dreg:$0x4] =	wrdreg s5;
	s5 =	sadd.s32 $0x13800, s5  }
0x6a: {  	[spmem:s5] =	stream.linear.scatter [tilespmem:s6], [sflag:$0x15], $0x800, $0x38;
	[tilespmem:$0x1A000] =	vst v63  }
0x6b: {  	s6 =	simm.s32 $0x0  }
0x6c: {  	[tilespmem:s6], [sflag:$0x1] =	stream.linear.gather [hbm4b:s7+s6], $0x80, $0x38;
	[tilespmem:$0x1A000] =	vst v63  }
0x6d: {  	s16 =	simm.s32 $0x400  }
0x6e: {  	[tilespmem:s16], [sflag:$0x9] =	stream.linear.gather [hbm4b:s8+s6], $0x80, $0x38;
	[tilespmem:$0x1A000] =	vst v63  }
0x6f: {  	s18 =	simm.s32 $0x80  }
0x70: {  	[tilespmem:s18], [sflag:$0x2] =	stream.linear.gather [hbm4b:s11+s6], $0x80, $0x38;
	[tilespmem:$0x1A000] =	vst v63  }
0x71: {  	s19 =	simm.s32 $0x480  }
0x72: {  	[tilespmem:s19], [sflag:$0xA] =	stream.linear.gather [hbm4b:s9+s6], $0x80, $0x38;
	[tilespmem:$0x1A000] =	vst v63  }
0x73: {  	s20 =	simm.s32 $0x100  }
0x74: {  	[tilespmem:s20], [sflag:$0x3] =	stream.linear.gather [hbm4b:s10+s6], $0x80, $0x38;
	[tilespmem:$0x1A000] =	vst v63  }
0x75: {  	s18 =	simm.s32 $0x500  }
0x76: {  	[tilespmem:s18], [sflag:$0xB] =	stream.linear.gather [hbm4b:s2+s6], $0x80, $0x38;
	[tilespmem:$0x1A000] =	vst v63  }
0x77: {  	s21 =	simm.s32 $0x180  }
0x78: {  	[tilespmem:s21], [sflag:$0x4] =	stream.linear.gather [hbm4b:s12+s6], $0x80, $0x38;
	[tilespmem:$0x1A000] =	vst v63  }
0x79: {  	s22 =	simm.s32 $0x580  }
0x7a: {  	[tilespmem:s22], [sflag:$0xC] =	stream.linear.gather [hbm4b:s15+s6], $0x80, $0x38;
	[tilespmem:$0x1A000] =	vst v63  }
0x7b: {  	s23 =	simm.s32 $0x200  }
0x7c: {  	[tilespmem:s23], [sflag:$0x5] =	stream.linear.gather [hbm4b:s1+s6], $0x80, $0x38;
	[tilespmem:$0x1A000] =	vst v63  }
0x7d: {  	s24 =	simm.s32 $0x600;
	s25 =	simm.s32 $0x15  }
0x7e: {  	[tilespmem:s24], [sflag:$0xD] =	stream.linear.gather [hbm4b:s0+s6], $0x80, $0x38;
	[tilespmem:$0x1A000] =	vst v63  }
0x7f: {  	_ =	swait.ge [sflag:s25], $0x800  }
0x80: {  	[sflag:s25] =	ssyncset.done $0x0  }
0x81: {  	[sflag:s25] =	ssyncadd.s32 $0xFFFFF800  }
0x82: {  	_ =	swait.ge [sflag:s25], $0x800  }
0x83: {  	[sflag:s25] =	ssyncset.done $0x0  }
0x84: {  	[sflag:s25] =	ssyncadd.s32 $0xFFFFF800  }
0x85: {  	_ =	swait.ge [sflag:s25], $0x800  }
0x86: {  	[sflag:s25] =	ssyncset.done $0x0  }
0x87: {  	[sflag:s25] =	ssyncadd.s32 $0xFFFFF800  }
0x88: {  	_ =	swait.ge [sflag:s25], $0x800  }
0x89: {  	[sflag:s25] =	ssyncset.done $0x0  }
0x8a: {  	[sflag:s25] =	ssyncadd.s32 $0xFFFFF800  }
0x8b: {  	_ =	swait.ge [sflag:s25], $0x800  }
0x8c: {  	[sflag:s25] =	ssyncset.done $0x0  }
0x8d: {  	[sflag:s25] =	ssyncadd.s32 $0xFFFFF800  }
0x8e: {  	_ =	swait.ge [sflag:s25], $0x800  }
0x8f: {  	[sflag:s25] =	ssyncset.done $0x0  }
0x90: {  	[sflag:s25] =	ssyncadd.s32 $0xFFFFF800  }
0x91: {  	_ =	swait.ge [sflag:s25], $0x800  }
0x92: {  	[sflag:s25] =	ssyncset.done $0x0  }
0x93: {  	[sflag:s25] =	ssyncadd.s32 $0xFFFFF800  }
0x94: {  	_ =	swait.ge [sflag:s25], $0x800  }
0x95: {  	[sflag:s25] =	ssyncset.done $0x0  }
0x96: {  	[sflag:s25] =	ssyncadd.s32 $0xFFFFF800  }
0x97: {  	_ =	swait.ge [sflag:s25], $0x800  }
0x98: {  	[sflag:s25] =	ssyncset.done $0x0  }
0x99: {  	[sflag:s25] =	ssyncadd.s32 $0xFFFFF800  }
0x9a: {  	_ =	swait.ge [sflag:s25], $0x800  }
0x9b: {  	[sflag:s25] =	ssyncset.done $0x0  }
0x9c: {  	[sflag:s25] =	ssyncadd.s32 $0xFFFFF800  }
0x9d: {  	_ =	swait.ge [sflag:s25], $0x800  }
0x9e: {  	[sflag:s25] =	ssyncset.done $0x0  }
0x9f: {  	[sflag:s25] =	ssyncadd.s32 $0xFFFFF800  }
0xa0: {  	_ =	swait.ge [sflag:s25], $0x800  }
0xa1: {  	[sflag:s25] =	ssyncset.done $0x0  }
0xa2: {  	[sflag:s25] =	ssyncadd.s32 $0xFFFFF800  }
0xa3: {  	_ =	swait.ge [sflag:s25], $0x800  }
0xa4: {  	[sflag:s25] =	ssyncset.done $0x0  }
0xa5: {  	[sflag:s25] =	ssyncadd.s32 $0xFFFFF800  }
0xa6: {  	_ =	swait.ge [sflag:s25], $0x800  }
0xa7: {  	[sflag:s25] =	ssyncset.done $0x0  }
0xa8: {  	[sflag:s25] =	ssyncadd.s32 $0xFFFFF800  }
0xa9: {  	_ =	swait.ge [sflag:s25], $0x800  }
0xaa: {  	[sflag:s25] =	ssyncset.done $0x0  }
0xab: {  	[sflag:s25] =	ssyncadd.s32 $0xFFFFF800  }
0xac: {  	_ =	swait.ge [sflag:s25], $0x800  }
0xad: {  	[sflag:s25] =	ssyncset.done $0x0  }
0xae: {  	[sflag:s25] =	ssyncadd.s32 $0xFFFFF800  }
0xaf: {  	_ =	swait.ge [sflag:s25], $0x800  }
0xb0: {  	[sflag:s25] =	ssyncset.done $0x0  }
0xb1: {  	[sflag:s25] =	ssyncadd.s32 $0xFFFFF800  }
0xb2: {  	_ =	swait.ge [sflag:s25], $0x800  }
0xb3: {  	[sflag:s25] =	ssyncset.done $0x0  }
0xb4: {  	[sflag:s25] =	ssyncadd.s32 $0xFFFFF800  }
0xb5: {  	_ =	swait.ge [sflag:s25], $0x800  }
0xb6: {  	[sflag:s25] =	ssyncset.done $0x0  }
0xb7: {  	[sflag:s25] =	ssyncadd.s32 $0xFFFFF800  }
0xb8: {  	_ =	swait.ge [sflag:s25], $0x800  }
0xb9: {  	[sflag:s25] =	ssyncset.done $0x0  }
0xba: {  	[sflag:s25] =	ssyncadd.s32 $0xFFFFF800  }
0xbb: {  	_ =	swait.ge [sflag:s25], $0x800  }
0xbc: {  	[sflag:s25] =	ssyncset.done $0x0  }
0xbd: {  	[sflag:s25] =	ssyncadd.s32 $0xFFFFF800  }
0xbe: {  	_ =	swait.ge [sflag:s25], $0x800  }
0xbf: {  	[sflag:s25] =	ssyncset.done $0x0  }
0xc0: {  	[sflag:s25] =	ssyncadd.s32 $0xFFFFF800  }
0xc1: {  	_ =	swait.ge [sflag:s25], $0x800  }
0xc2: {  	[sflag:s25] =	ssyncset.done $0x0  }
0xc3: {  	[sflag:s25] =	ssyncadd.s32 $0xFFFFF800  }
0xc4: {  	_ =	swait.ge [sflag:s25], $0x800  }
0xc5: {  	[sflag:s25] =	ssyncset.done $0x0  }
0xc6: {  	[sflag:s25] =	ssyncadd.s32 $0xFFFFF800  }
0xc7: {  	_ =	swait.ge [sflag:s25], $0x800  }
0xc8: {  	[sflag:s25] =	ssyncset.done $0x0  }
0xc9: {  	[sflag:s25] =	ssyncadd.s32 $0xFFFFF800  }
0xca: {  	_ =	swait.ge [sflag:s25], $0x800  }
0xcb: {  	[sflag:s25] =	ssyncset.done $0x0  }
0xcc: {  	[sflag:s25] =	ssyncadd.s32 $0xFFFFF800  }
0xcd: {  	_ =	swait.ge [sflag:s25], $0x800  }
0xce: {  	[sflag:s25] =	ssyncset.done $0x0  }
0xcf: {  	[sflag:s25] =	ssyncadd.s32 $0xFFFFF800  }
0xd0: {  	_ =	swait.ge [sflag:s25], $0x800  }
0xd1: {  	[sflag:s25] =	ssyncset.done $0x0  }
0xd2: {  	[sflag:s25] =	ssyncadd.s32 $0xFFFFF800  }
0xd3: {  	_ =	swait.ge [sflag:s25], $0x800  }
0xd4: {  	[sflag:s25] =	ssyncset.done $0x0  }
0xd5: {  	[sflag:s25] =	ssyncadd.s32 $0xFFFFF800  }
0xd6: {  	_ =	swait.ge [sflag:s25], $0x800  }
0xd7: {  	[sflag:s25] =	ssyncset.done $0x0  }
0xd8: {  	[sflag:s25] =	ssyncadd.s32 $0xFFFFF800  }
0xd9: {  	_ =	swait.ge [sflag:s25], $0x800  }
0xda: {  	[sflag:s25] =	ssyncset.done $0x0  }
0xdb: {  	[sflag:s25] =	ssyncadd.s32 $0xFFFFF800  }
0xdc: {  	_ =	swait.ge [sflag:s25], $0x800  }
0xdd: {  	[sflag:s25] =	ssyncset.done $0x0  }
0xde: {  	[sflag:s25] =	ssyncadd.s32 $0xFFFFF800  }
0xdf: {  	_ =	swait.ge [sflag:s25], $0x800  }
0xe0: {  	[sflag:s25] =	ssyncset.done $0x0  }
0xe1: {  	[sflag:s25] =	ssyncadd.s32 $0xFFFFF800  }
0xe2: {  	_ =	swait.ge [sflag:s25], $0x800  }
0xe3: {  	[sflag:s25] =	ssyncset.done $0x0  }
0xe4: {  	[sflag:s25] =	ssyncadd.s32 $0xFFFFF800  }
0xe5: {  	_ =	swait.ge [sflag:s25], $0x800  }
0xe6: {  	[sflag:s25] =	ssyncset.done $0x0  }
0xe7: {  	[sflag:s25] =	ssyncadd.s32 $0xFFFFF800  }
0xe8: {  	_ =	swait.ge [sflag:s25], $0x800  }
0xe9: {  	[sflag:s25] =	ssyncset.done $0x0  }
0xea: {  	[sflag:s25] =	ssyncadd.s32 $0xFFFFF800  }
0xeb: {  	_ =	swait.ge [sflag:s25], $0x800  }
0xec: {  	[sflag:s25] =	ssyncset.done $0x0  }
0xed: {  	[sflag:s25] =	ssyncadd.s32 $0xFFFFF800  }
0xee: {  	s28 =	simm.s32 $0x16;
	s29 =	simm.s32 $0x13;
	_ =	swait.ge [sflag:s25], $0x800  }
0xef: {  	s30 =	simm.s32 $0x3;
	s26 =	smul.u32 $0x1F80, s17;
	[sflag:s25] =	ssyncset.done $0x0  }
0xf0: {  	s31 =	simm.s32 $0x14;
	s17 =	simm.s32 $0x28;
	[sflag:s25] =	ssyncadd.s32 $0xFFFFF800  }
0xf1: {  	s13 =	sadd.s32 s26, s13;
	s14 =	sadd.s32 s26, s14;
	_ =	swait.ge [sflag:s25], $0x800  }
0xf2: {  	s26 =	simm.s32 $0x1;
	s16 =	simm.s32 $0x9;
	[sflag:s25] =	ssyncset.done $0x0  }
0xf3: {  	s19 =	simm.s32 $0xA;
	s2 =	simm.s32 $0x0;
	[sflag:s25] =	ssyncadd.s32 $0xFFFFF800  }
0xf4: {  	s21 =	simm.s32 $0xB;
	s15 =	simm.s32 $0xFFFFFFFC;
	_ =	swait.ge [sflag:s25], $0x800  }
0xf5: {  	s22 =	simm.s32 $0x3000;
	s23 =	simm.s32 $0xC;
	[sflag:s25] =	ssyncset.done $0x0  }
0xf6: {  	s1 =	simm.s32 $0x0;
	s0 =	simm.s32 $0x4;
	[sflag:s25] =	ssyncadd.s32 $0xFFFFF800  }
0xf7: {  	s24 =	simm.s32 $0x800;
	s25 =	simm.s32 $0x11;
	[bflag:$0x0] =	sbarrier.arrive $0xFFFF  }
.LBB2_3:
0xf8: {  	_ =	swait.ge [sflag:s16], $0x80  }
0xf9: {  	p1 =	sgt.u32 s15, $0x1F3;
	[sflag:s16] =	ssyncset.done $0x0  }
0xfa: {  	s5 =	simm.s32 $0x400;
	s7 =	simm.s32 @!p1 $0x12;
	[sflag:s16] =	ssyncadd.s32 $0xFFFFFF80  }
0xfb: {  	[tilespmem:s24], [sflag:$0x11] =	stream.indirect.gather [hbm4b:s4+s17], $0x80, s5, s17, $0xb8;
	[tilespmem:$0x1A000] =	vst v63  }
0xfc: {  	_ =	swait.ge @!p1 [sflag:s7], $0x1400  }
0xfd: {  	[sflag:s7] =	ssyncset.done @!p1 $0x0  }
0xfe: {  	[sflag:s7] =	ssyncadd.s32 @!p1 $0xFFFFEC00;
	s7 =	simm.s32 @!p1 $0x6  }
0xff: {  	_ =	swait.ge @!p1 [sflag:s7], $0x80  }
0x100: {  	s8 =	simm.s32 @!p1 $0x28;
	[sflag:s7] =	ssyncset.done @!p1 $0x0  }
0x101: {  	s20 =	simm.s32 @!p1 $0x1C00;
	[sflag:s7] =	ssyncadd.s32 @!p1 $0xFFFFFF80;
	s7 =	simm.s32 @!p1 $0x280  }
0x102: {  	[spmem:s3] =	stream.indirect.scatter.add.f32 @!p1 [tilespmem:s20], [sflag:$0x16], $0x80, s7, s8, $0xb8;
	[tilespmem:$0x1A000] =	vst v63  }
0x103: {  	s20 =	simm.s32 @!p1 $0x16  }
0x104: {  	p0 =	sgt.u32 s1, $0x3D;
	_ =	swait.ge @!p1 [sflag:s20], $0x1400  }
0x105: {  	s11 =	sadd.s32 @!p0 s2, s13;
	s9 =	simm.s32 @!p0 $0x0;
	[sflag:s20] =	ssyncset.done @!p1 $0x0  }
0x106: {  	s10 =	simm.s32 @!p0 $0x280;
	s7 =	sadd.s32 @!p0 $0x50, s11;
	[sflag:s20] =	ssyncadd.s32 @!p1 $0xFFFFEC00  }
0x107: {  	[tilespmem:s10], [sflag:$0x6] =	stream.linear.gather @!p0 [hbm4b:s7+s9], $0x80, $0x38;
	[tilespmem:$0x1A000] =	vst v63  }
0x108: {  	s10 =	sadd.s32 @!p0 s2, s14  }
0x109: {  	s12 =	simm.s32 @!p0 $0x680;
	s7 =	sadd.s32 @!p0 $0x50, s10  }
0x10a: {  	[tilespmem:s12], [sflag:$0xE] =	stream.linear.gather @!p0 [hbm4b:s7+s9], $0x80, $0x38;
	[tilespmem:$0x1A000] =	vst v63  }
0x10b: {  	_ =	swait.ge [sflag:s19], $0x80  }
0x10c: {  	[sflag:s19] =	ssyncset.done $0x0  }
0x10d: {  	s7 =	simm.s32 $0x480;
	s12 =	simm.s32 $0x1C00;
	[sflag:s19] =	ssyncadd.s32 $0xFFFFFF80  }
0x10e: {  	[tilespmem:s12], [sflag:$0x12] =	stream.indirect.gather [hbm4b:s4+s17], $0x80, s7, s17, $0xb8;
	[tilespmem:$0x1A000] =	vst v63  }
0x10f: {  	s7 =	simm.s32 @!p1 $0x13  }
0x110: {  	_ =	swait.ge @!p1 [sflag:s7], $0x1400  }
0x111: {  	[sflag:s7] =	ssyncset.done @!p1 $0x0  }
0x112: {  	[sflag:s7] =	ssyncadd.s32 @!p1 $0xFFFFEC00;
	s7 =	simm.s32 @!p1 $0x7  }
0x113: {  	_ =	swait.ge @!p1 [sflag:s7], $0x80  }
0x114: {  	[sflag:s7] =	ssyncset.done @!p1 $0x0  }
0x115: {  	s12 =	simm.s32 @!p1 $0x3000;
	[sflag:s7] =	ssyncadd.s32 @!p1 $0xFFFFFF80;
	s7 =	simm.s32 @!p1 $0x300  }
0x116: {  	[spmem:s3] =	stream.indirect.scatter.add.f32 @!p1 [tilespmem:s12], [sflag:$0x16], $0x80, s7, s8, $0xb8;
	[tilespmem:$0x1A000] =	vst v63  }
0x117: {  	_ =	swait.ge @!p1 [sflag:s20], $0x1400  }
0x118: {  	[sflag:s20] =	ssyncset.done @!p1 $0x0  }
0x119: {  	s7 =	sadd.s32 @!p0 $0x60, s11;
	s12 =	simm.s32 @!p0 $0x300;
	[sflag:s20] =	ssyncadd.s32 @!p1 $0xFFFFEC00  }
0x11a: {  	[tilespmem:s12], [sflag:$0x7] =	stream.linear.gather @!p0 [hbm4b:s7+s9], $0x80, $0x38;
	[tilespmem:$0x1A000] =	vst v63  }
0x11b: {  	s12 =	sadd.s32 @!p0 $0x60, s10;
	s7 =	simm.s32 @!p0 $0x700  }
0x11c: {  	[tilespmem:s7], [sflag:$0xF] =	stream.linear.gather @!p0 [hbm4b:s12+s9], $0x80, $0x38;
	[tilespmem:$0x1A000] =	vst v63  }
0x11d: {  	_ =	swait.ge [sflag:s21], $0x80  }
0x11e: {  	[sflag:s21] =	ssyncset.done $0x0  }
0x11f: {  	s12 =	simm.s32 @!p1 $0x14;
	[sflag:s21] =	ssyncadd.s32 $0xFFFFFF80  }
0x120: {  	[tilespmem:s22], [sflag:$0x13] =	stream.indirect.gather [hbm4b:s4+s17], $0x80, s18, s17, $0xb8;
	[tilespmem:$0x1A000] =	vst v63  }
0x121: {  	_ =	swait.ge @!p1 [sflag:s12], $0x1400  }
0x122: {  	[sflag:s12] =	ssyncset.done @!p1 $0x0  }
0x123: {  	[sflag:s12] =	ssyncadd.s32 @!p1 $0xFFFFEC00;
	s12 =	simm.s32 @!p1 $0x8  }
0x124: {  	_ =	swait.ge @!p1 [sflag:s12], $0x80  }
0x125: {  	[sflag:s12] =	ssyncset.done @!p1 $0x0  }
0x126: {  	s5 =	simm.s32 @!p1 $0x4400;
	[sflag:s12] =	ssyncadd.s32 @!p1 $0xFFFFFF80;
	s12 =	simm.s32 @!p1 $0x380  }
0x127: {  	[spmem:s3] =	stream.indirect.scatter.add.f32 @!p1 [tilespmem:s5], [sflag:$0x16], $0x80, s12, s8, $0xb8;
	[tilespmem:$0x1A000] =	vst v63  }
0x128: {  	_ =	swait.ge @!p1 [sflag:s20], $0x1400  }
0x129: {  	[sflag:s20] =	ssyncset.done @!p1 $0x0  }
0x12a: {  	s5 =	sadd.s32 @!p0 $0x70, s11;
	s8 =	simm.s32 @!p0 $0x380;
	[sflag:s20] =	ssyncadd.s32 @!p1 $0xFFFFEC00  }
0x12b: {  	[tilespmem:s8], [sflag:$0x8] =	stream.linear.gather @!p0 [hbm4b:s5+s9], $0x80, $0x38;
	[tilespmem:$0x1A000] =	vst v63  }
0x12c: {  	s5 =	sadd.s32 @!p0 $0x70, s10;
	s8 =	simm.s32 @!p0 $0x780  }
0x12d: {  	[tilespmem:s8], [sflag:$0x10] =	stream.linear.gather @!p0 [hbm4b:s5+s9], $0x80, $0x38;
	[tilespmem:$0x1A000] =	vst v63  }
0x12e: {  	_ =	swait.ge [sflag:s23], $0x80  }
0x12f: {  	[sflag:s23] =	ssyncset.done $0x0  }
0x130: {  	s18 =	simm.s32 $0x4400;
	s12 =	simm.s32 $0x580;
	[sflag:s23] =	ssyncadd.s32 $0xFFFFFF80  }
0x131: {  	[tilespmem:s18], [sflag:$0x14] =	stream.indirect.gather [hbm4b:s4+s17], $0x80, s12, s17, $0xb8;
	[tilespmem:$0x1A000] =	vst v63  }
0x132: {  	_ =	swait.ge [sflag:s25], $0x1400  }
0x133: {  	[sflag:s25] =	ssyncset.done $0x0  }
0x134: {  	[sflag:s25] =	ssyncadd.s32 $0xFFFFEC00  }
0x135: {  	_ =	swait.ge [sflag:s26], $0x80  }
0x136: {  	[sflag:s26] =	ssyncset.done $0x0  }
0x137: {  	[sflag:s26] =	ssyncadd.s32 $0xFFFFFF80  }
0x138: {  	[spmem:s3] =	stream.indirect.scatter.add.f32 [tilespmem:s24], [sflag:$0x16], $0x80, s6, s17, $0xb8;
	[tilespmem:$0x1A000] =	vst v63  }
0x139: {  	_ =	swait.ge [sflag:s28], $0x1400  }
0x13a: {  	p1 =	seq.s32 s2, $0x1F00;
	[sflag:s28] =	ssyncset.done $0x0  }
0x13b: {  	s5 =	simm.s32 @p1 $0x12;
	[sflag:s28] =	ssyncadd.s32 $0xFFFFEC00  }
0x13c: {  	_ =	swait.ge @p1 [sflag:s5], $0x1400  }
0x13d: {  	[sflag:s5] =	ssyncset.done @p1 $0x0  }
0x13e: {  	[sflag:s5] =	ssyncadd.s32 @p1 $0xFFFFEC00;
	s5 =	simm.s32 @p1 $0x2  }
0x13f: {  	_ =	swait.ge @p1 [sflag:s5], $0x80  }
0x140: {  	s10 =	simm.s32 @p1 $0x1C00;
	[sflag:s5] =	ssyncset.done @p1 $0x0  }
0x141: {  	s9 =	simm.s32 @p1 $0x80;
	[sflag:s5] =	ssyncadd.s32 @p1 $0xFFFFFF80;
	s5 =	simm.s32 @p1 $0x28  }
0x142: {  	[spmem:s3] =	stream.indirect.scatter.add.f32 @p1 [tilespmem:s10], [sflag:$0x16], $0x80, s9, s5, $0xb8;
	[tilespmem:$0x1A000] =	vst v63  }
0x143: {  	s5 =	simm.s32 @p1 $0x16  }
0x144: {  	_ =	swait.ge @p1 [sflag:s5], $0x1400  }
0x145: {  	s9 =	sadd.s32 @!p1 s2, s13;
	[sflag:s5] =	ssyncset.done @p1 $0x0  }
0x146: {  	s10 =	simm.s32 @!p1 $0x0;
	[sflag:s5] =	ssyncadd.s32 @p1 $0xFFFFEC00;
	s5 =	sadd.s32 @!p1 $0x80, s9  }
0x147: {  	[tilespmem:s10], [sflag:$0x1] =	stream.linear.gather @!p1 [hbm4b:s5+s10], $0x80, $0x38;
	[tilespmem:$0x1A000] =	vst v63  }
0x148: {  	p2 =	sgt.u32 @!p1 s1, $0x3D;
	s5 =	sadd.s32 @!p1 s2, s14  }
0x149: {  	p2 =	por p2, p1;
	s12 =	simm.s32 @!p1 $0x400;
	s11 =	sadd.s32 @!p1 $0x80, s5  }
0x14a: {  	[tilespmem:s12], [sflag:$0x9] =	stream.linear.gather @!p1 [hbm4b:s11+s10], $0x80, $0x38;
	[tilespmem:$0x1A000] =	vst v63  }
0x14b: {  	s11 =	simm.s32 @!p2 $0xD  }
0x14c: {  	_ =	swait.ge @!p2 [sflag:s11], $0x80  }
0x14d: {  	s20 =	simm.s32 @!p2 $0x800;
	[sflag:s11] =	ssyncset.done @!p2 $0x0  }
0x14e: {  	s12 =	simm.s32 @!p2 $0x600;
	[sflag:s11] =	ssyncadd.s32 @!p2 $0xFFFFFF80;
	s11 =	simm.s32 @!p2 $0x28  }
0x14f: {  	[tilespmem:s20], [sflag:$0x11] =	stream.indirect.gather @!p2 [hbm4b:s4+s11], $0x80, s12, s11, $0xb8;
	[tilespmem:$0x1A000] =	vst v63  }
0x150: {  	s12 =	simm.s32 @!p1 $0x12  }
0x151: {  	_ =	swait.ge @!p1 [sflag:s12], $0x1400  }
0x152: {  	[sflag:s12] =	ssyncset.done @!p1 $0x0  }
0x153: {  	[sflag:s12] =	ssyncadd.s32 @!p1 $0xFFFFEC00;
	s12 =	simm.s32 @!p1 $0x2  }
0x154: {  	_ =	swait.ge @!p1 [sflag:s12], $0x80  }
0x155: {  	s18 =	simm.s32 @!p1 $0x1C00;
	[sflag:s12] =	ssyncset.done @!p1 $0x0  }
0x156: {  	s20 =	simm.s32 @!p1 $0x80;
	[sflag:s12] =	ssyncadd.s32 @!p1 $0xFFFFFF80;
	s12 =	simm.s32 @!p1 $0x28  }
0x157: {  	[spmem:s3] =	stream.indirect.scatter.add.f32 @!p1 [tilespmem:s18], [sflag:$0x16], $0x80, s20, s12, $0xb8;
	[tilespmem:$0x1A000] =	vst v63  }
0x158: {  	s12 =	simm.s32 @!p1 $0x16  }
0x159: {  	_ =	swait.ge @!p1 [sflag:s12], $0x1400  }
0x15a: {  	[sflag:s12] =	ssyncset.done @!p1 $0x0  }
0x15b: {  	s9 =	sadd.s32 @!p1 $0x90, s9;
	[sflag:s12] =	ssyncadd.s32 @!p1 $0xFFFFEC00  }
0x15c: {  	[tilespmem:s20], [sflag:$0x2] =	stream.linear.gather @!p1 [hbm4b:s9+s10], $0x80, $0x38;
	[tilespmem:$0x1A000] =	vst v63  }
0x15d: {  	s5 =	sadd.s32 @!p1 $0x90, s5;
	s9 =	simm.s32 @!p1 $0x480  }
0x15e: {  	[tilespmem:s9], [sflag:$0xA] =	stream.linear.gather @!p1 [hbm4b:s5+s10], $0x80, $0x38;
	[tilespmem:$0x1A000] =	vst v63  }
0x15f: {  	s5 =	simm.s32 @!p2 $0xE  }
0x160: {  	_ =	swait.ge @!p2 [sflag:s5], $0x80  }
0x161: {  	[sflag:s5] =	ssyncset.done @!p2 $0x0  }
0x162: {  	s9 =	simm.s32 @!p2 $0x1C00;
	[sflag:s5] =	ssyncadd.s32 @!p2 $0xFFFFFF80;
	s5 =	simm.s32 @!p2 $0x680  }
0x163: {  	[tilespmem:s9], [sflag:$0x12] =	stream.indirect.gather @!p2 [hbm4b:s4+s11], $0x80, s5, s11, $0xb8;
	[tilespmem:$0x1A000] =	vst v63  }
0x164: {  	_ =	swait.ge [sflag:s29], $0x1400  }
0x165: {  	[sflag:s29] =	ssyncset.done $0x0  }
0x166: {  	[sflag:s29] =	ssyncadd.s32 $0xFFFFEC00  }
0x167: {  	_ =	swait.ge [sflag:s30], $0x80  }
0x168: {  	[sflag:s30] =	ssyncset.done $0x0  }
.Ltmp1:
0x169: {  	s20 =	simm.s32 $0x100;
	[sflag:s30] =	ssyncadd.s32 $0xFFFFFF80;
	(pc) =	sbr.rel @p1 .LBB2_5-.Ltmp1, $4  }
0x16a: {  	[spmem:s3] =	stream.indirect.scatter.add.f32 [tilespmem:s22], [sflag:$0x16], $0x80, s20, s17, $0xb8;
	[tilespmem:$0x1A000] =	vst v63  }
0x16b: {  	_ =	swait.ge [sflag:s28], $0x1400  }
0x16c: {  	[sflag:s28] =	ssyncset.done $0x0  }
0x16d: {  	[sflag:s28] =	ssyncadd.s32 $0xFFFFEC00  }
0x16e: {  	s5 =	sadd.s32 s2, s13  }
0x16f: {  	s10 =	simm.s32 $0x100;
	s9 =	sadd.s32 $0xA0, s5  }
0x170: {  	[tilespmem:s10], [sflag:$0x3] =	stream.linear.gather [hbm4b:s9+s6], $0x80, $0x38;
	[tilespmem:$0x1A000] =	vst v63  }
0x171: {  	s9 =	sadd.s32 s2, s14  }
0x172: {  	s18 =	simm.s32 $0x500;
	s10 =	simm.s32 @!p0 $0xF;
	s11 =	sadd.s32 $0xA0, s9  }
0x173: {  	[tilespmem:s18], [sflag:$0xB] =	stream.linear.gather [hbm4b:s11+s6], $0x80, $0x38;
	[tilespmem:$0x1A000] =	vst v63  }
0x174: {  	_ =	swait.ge @!p0 [sflag:s10], $0x80  }
0x175: {  	[sflag:s10] =	ssyncset.done @!p0 $0x0  }
0x176: {  	s11 =	simm.s32 @!p0 $0x3000;
	[sflag:s10] =	ssyncadd.s32 @!p0 $0xFFFFFF80;
	s10 =	simm.s32 @!p0 $0x28  }
0x177: {  	[tilespmem:s11], [sflag:$0x13] =	stream.indirect.gather @!p0 [hbm4b:s4+s10], $0x80, s7, s10, $0xb8;
	[tilespmem:$0x1A000] =	vst v63  }
0x178: {  	_ =	swait.ge [sflag:s31], $0x1400  }
0x179: {  	[sflag:s31] =	ssyncset.done $0x0  }
0x17a: {  	[sflag:s31] =	ssyncadd.s32 $0xFFFFEC00  }
0x17b: {  	_ =	swait.ge [sflag:s0], $0x80  }
0x17c: {  	[sflag:s0] =	ssyncset.done $0x0  }
0x17d: {  	s12 =	simm.s32 $0x180;
	s20 =	simm.s32 $0x4400;
	[sflag:s0] =	ssyncadd.s32 $0xFFFFFF80  }
0x17e: {  	[spmem:s3] =	stream.indirect.scatter.add.f32 [tilespmem:s20], [sflag:$0x16], $0x80, s12, s17, $0xb8;
	[tilespmem:$0x1A000] =	vst v63  }
0x17f: {  	_ =	swait.ge [sflag:s28], $0x1400  }
0x180: {  	[sflag:s28] =	ssyncset.done $0x0  }
0x181: {  	s5 =	sadd.s32 $0xB0, s5;
	[sflag:s28] =	ssyncadd.s32 $0xFFFFEC00  }
0x182: {  	[tilespmem:s12], [sflag:$0x4] =	stream.linear.gather [hbm4b:s5+s6], $0x80, $0x38;
	[tilespmem:$0x1A000] =	vst v63  }
0x183: {  	s20 =	simm.s32 $0x580;
	s12 =	sadd.s32 $0xB0, s9;
	s5 =	simm.s32 @!p0 $0x10  }
0x184: {  	[tilespmem:s20], [sflag:$0xC] =	stream.linear.gather [hbm4b:s12+s6], $0x80, $0x38;
	[tilespmem:$0x1A000] =	vst v63  }
0x185: {  	_ =	swait.ge @!p0 [sflag:s5], $0x80  }
0x186: {  	[sflag:s5] =	ssyncset.done @!p0 $0x0  }
0x187: {  	[sflag:s5] =	ssyncadd.s32 @!p0 $0xFFFFFF80;
	s5 =	simm.s32 @!p0 $0x4400  }
0x188: {  	[tilespmem:s5], [sflag:$0x14] =	stream.indirect.gather @!p0 [hbm4b:s4+s10], $0x80, s8, s10, $0xb8;
	[tilespmem:$0x1A000] =	vst v63  }
0x189: {  	s5 =	simm.s32 @!p0 $0x11  }
0x18a: {  	_ =	swait.ge @!p0 [sflag:s5], $0x1400  }
0x18b: {  	[sflag:s5] =	ssyncset.done @!p0 $0x0  }
0x18c: {  	[sflag:s5] =	ssyncadd.s32 @!p0 $0xFFFFEC00;
	s5 =	simm.s32 @!p0 $0x5  }
0x18d: {  	_ =	swait.ge @!p0 [sflag:s5], $0x80  }
0x18e: {  	[sflag:s5] =	ssyncset.done @!p0 $0x0  }
0x18f: {  	s7 =	simm.s32 @!p0 $0x800;
	[sflag:s5] =	ssyncadd.s32 @!p0 $0xFFFFFF80;
	s5 =	simm.s32 @!p0 $0x200  }
0x190: {  	[spmem:s3] =	stream.indirect.scatter.add.f32 @!p0 [tilespmem:s7], [sflag:$0x16], $0x80, s5, s10, $0xb8;
	[tilespmem:$0x1A000] =	vst v63  }
0x191: {  	s5 =	simm.s32 @!p0 $0x16  }
0x192: {  	p1 =	seq.s32 @!p0 s2, $0x1E80;
	_ =	swait.ge @!p0 [sflag:s5], $0x1400  }
0x193: {  	p1 =	por p1, p0;
	[sflag:s5] =	ssyncset.done @!p0 $0x0  }
0x194: {  	s8 =	simm.s32 @!p1 $0x200;
	[sflag:s5] =	ssyncadd.s32 @!p0 $0xFFFFEC00;
	s5 =	sadd.s32 @!p1 s2, s13  }
.Ltmp2:
0x195: {  	s7 =	simm.s32 @!p1 $0x0;
	s5 =	sadd.s32 @!p1 $0xC0, s5;
	(pc) =	sbr.rel .LBB2_3-.Ltmp2, $4  }
0x196: {  	[tilespmem:s8], [sflag:$0x5] =	stream.linear.gather @!p1 [hbm4b:s5+s7], $0x80, $0x38;
	[tilespmem:$0x1A000] =	vst v63  }
0x197: {  	s1 =	sadd.s32 $0x1, s1;
	s15 =	sadd.s32 $0x8, s15;
	s5 =	sadd.s32 @!p1 s2, s14  }
0x198: {  	s8 =	simm.s32 @!p1 $0x600;
	s2 =	sadd.s32 $0x80, s2;
	s5 =	sadd.s32 @!p1 $0xC0, s5  }
0x199: {  	[tilespmem:s8], [sflag:$0xD] =	stream.linear.gather @!p1 [hbm4b:s5+s7], $0x80, $0x38;
	[tilespmem:$0x1A000] =	vst v63  }
.LBB2_5:
0x19a: {  	s0 =	simm.s32 $0x14  }
0x19b: {  	_ =	swait.ge [sflag:s0], $0x1400  }
0x19c: {  	[sflag:s0] =	ssyncset.done $0x0  }
0x19d: {  	s29 =	simm.s32 $0x4;
	[sflag:s0] =	ssyncadd.s32 $0xFFFFEC00  }
0x19e: {  	_ =	swait.ge [sflag:s29], $0x80  }
0x19f: {  	s30 =	simm.s32 $0x28;
	s1 =	simm.s32 $0x180;
	[sflag:s29] =	ssyncset.done $0x0  }
0x1a0: {  	s2 =	simm.s32 $0x4400;
	s31 =	simm.s32 $0x16;
	[sflag:s29] =	ssyncadd.s32 $0xFFFFFF80  }
0x1a1: {  	[spmem:s3] =	stream.indirect.scatter.add.f32 [tilespmem:s2], [sflag:$0x16], $0x80, s1, s30, $0xb8;
	[tilespmem:$0x1A000] =	vst v63  }
0x1a2: {  	_ =	swait.ge [sflag:s31], $0x1400  }
0x1a3: {  	[sflag:s31] =	ssyncset.done $0x0  }
0x1a4: {  	[sflag:s31] =	ssyncadd.s32 $0xFFFFEC00  }
0x1a5: {  	[bflag:$0x0] =	sbarrier.arrive $0xFFFF  }
0x1a6: {  	s3 =	stileid.u32;
	s4 =	rddreg [dreg:$0x3]  }
0x1a7: {  	p0 =	seq.s32 s3, $0xF;
	s5 =	rddreg [dreg:$0x4]  }
0x1a8: {  	s2 =	simm.s32 @p0 $0x1FD6;
	s0 =	sadd.s32 @p0 $0x25800, s4;
	s1 =	sshrl.u32 @p0 s5, $0x3  }
0x1a9: {  	[hbm:s0], [sflag:s2] =	dma.local @p0 [spmem:s1], $0x1900  }
0x1aa: {  	s0 =	simm.s32 @p0 $0x16  }
0x1ab: {  	_ =	swait.ge @p0 [sflag:s0], $0x1900  }
0x1ac: {  	s1 =	smul.u32 @!p0 $0x2800, s3;
	[sflag:s0] =	ssyncset.done @p0 $0x0  }
0x1ad: {  	[sflag:s0] =	ssyncadd.s32 @p0 $0xFFFFE700;
	s0 =	sshll.u32 @!p0 s3, $0x6  }
0x1ae: {  	s2 =	sshrl.u32 @!p0 s5, $0x3;
	s1 =	sadd.s32 @!p0 s4, s1;
	s0 =	sor.u32 @!p0 $0x1C16, s0  }
0x1af: {  	[hbm:s1], [sflag:s0] =	dma.local @!p0 [spmem:s2], $0x2800  }
0x1b0: {  	s0 =	simm.s32 @!p0 $0x16  }
0x1b1: {  	_ =	swait.ge @!p0 [sflag:s0], $0x2800  }
0x1b2: {  	[sflag:s0] =	ssyncset.done @!p0 $0x0  }
0x1b3: {  	[sflag:s0] =	ssyncadd.s32 @!p0 $0xFFFFD800  }
0x1b4: {  	_ =	sfence.sel $0x180000  }
0x1b5: {  	[bflag:$0x0] =	sbarrier.arrive $0xFFFF  }
0x1b6: {  	_ =	strace $0x90000047  }
0x1b7: {  	[bflag:$0x2] =	sbarrier.arrive $0xFFFF  }
0x1b8: {  	p0 =	sne.s32 s3, $0x0;
	s0 =	rddreg [dreg:$0x2]  }
0x1b9: {  	s0 =	sadd.s32 @!p0 $0x100000, s0  }
0x1ba: {  	[sflag:s0] =	ssyncadd.tile.s32 @!p0 $0x1;
	_ =	shalt  }
.Lfunc_end2:
_tile_overlayer_lowered:
.L_overlay_start_2:
0x1bb: {  	(tag) =	ssettag $0x2  }
0x1bc: {  	s0 =	rddreg [dreg:$0x0];
	s2 =	stileid.u32  }
0x1bd: {  	s1 =	rddreg [dreg:$0x1];
	p0 =	sne.s32 s2, $0x0  }
0x1be: {  	s3 =	rddreg [dreg:$0x2];
	[bflag:$0x3] =	sbarrier.arrive $0xFFFF;
	s2 =	simm.s32 @!p0 $0x1C16  }
0x1bf: {  	[timem:s3], [sflag:s2] =	dma.local @!p0 [hbm:s0], s1  }
0x1c0: {  	s0 =	simm.s32 @!p0 $0x16  }
0x1c1: {  	_ =	swait.ge @!p0 [sflag:s0], s1  }
0x1c2: {  	s1 =	ssub.s32 @!p0 $0x0, s1;
	[sflag:s0] =	ssyncset.done @!p0 $0x0  }
0x1c3: {  	[sflag:s0] =	ssyncadd.s32 @!p0 s1  }
0x1c4: {  	[bflag:$0x3] =	sbarrier.arrive $0xFFFF  }
0x1c5: {  	_ =	shalt  }

</sc_bundles>
